<compile_context>
chip_gen: v7x
topology: tpu7x:2x2x1
jax: 0.10.2.dev20260603
libtpu: 0.0.44.dev20260713+nightly
codegen_flags: <defaults>
</compile_context>

<pallas_src>
import functools

import jax
import jax.numpy as jnp
from jax import lax
from jax.experimental import pallas as pl
from jax.experimental.pallas import tpu as pltpu
from jax.experimental.pallas import tpu_sc as plsc

NC = 2
NS = 16
L = 16
NW = NC * NS
SUB = 128
D = 16
B = 4096


def _iota16():
    return lax.broadcasted_iota(jnp.int32, (L,), 0)


VOCAB = 1000000
NBLK = (VOCAB + 127) // 128
NFULL = VOCAB // 128
BLK_PER_TILE = (NBLK + NW - 1) // NW


@functools.lru_cache(maxsize=None)
def _phase0():
    mesh = plsc.VectorSubcoreMesh(core_axis_name="c", subcore_axis_name="s")
    WV = 1024
    NWIDE = (VOCAB // 128 // 8)
    KMAX = (NWIDE + NW - 1) // NW
    NREM = NFULL - NWIDE * 8

    @functools.partial(
        pl.kernel,
        out_type=jax.ShapeDtypeStruct((VOCAB * D,), jnp.float32),
        mesh=mesh,
        scratch_types=[
            pltpu.VMEM((2 * D, WV + 1), jnp.float32),
            pltpu.VMEM((2 * WV * D,), jnp.float32),
            pltpu.SemaphoreType.DMA((2,)),
            pltpu.SemaphoreType.DMA((2,)),
        ],
        compiler_params=pltpu.CompilerParams(
            needs_layout_passes=False, use_tc_tiling_on_sc=True),
    )
    def k0(wt, wtail, out, tbuf, obuf, insem, outsem):
        cid = lax.axis_index("c")
        sid = lax.axis_index("s")
        wid = sid * NC + cid
        iota = _iota16()

        def in_copies(g, b):
            lo = pltpu.make_async_copy(
                wt.at[pl.ds(0, 8), pl.ds(g * WV, WV)],
                tbuf.at[pl.ds(b * D, 8), pl.ds(0, WV)], insem.at[b])
            hi = pltpu.make_async_copy(
                wt.at[pl.ds(8, 8), pl.ds(g * WV, WV)],
                tbuf.at[pl.ds(b * D + 8, 8), pl.ds(0, WV)], insem.at[b])
            return lo, hi

        def out_copy(g, b):
            return pltpu.make_async_copy(
                obuf.at[pl.ds(b * WV * D, WV * D)],
                out.at[pl.ds(g * WV * D, WV * D)], outsem.at[b])

        def transpose(b, nrows):
            rowsel = iota + b * D
            obase = b * WV * D
            ones = jnp.ones((L,), jnp.int32)

            def body(v, colsel):
                col = plsc.load_gather(tbuf, [rowsel, colsel])
                obuf[pl.ds(obase + v * D, D)] = col
                return colsel + ones
            plsc.parallel_loop(0, nrows, unroll=16,
                               carry=jnp.zeros((L,), jnp.int32))(body)

        for b in range(2):
            lo, hi = in_copies(wid + b * NW, b)
            lo.start()
            hi.start()

        def slot(k, _):
            b = lax.rem(k, 2)
            g = wid + k * NW

            @pl.when(g < NWIDE)
            def _run():
                lo, hi = in_copies(g, b)
                lo.wait()
                hi.wait()

                @pl.when(k >= 2)
                def _drain():
                    out_copy(g - 2 * NW, b).wait()
                transpose(b, WV)
                out_copy(g, b).start()
                g2 = g + 2 * NW

                @pl.when(g2 < NWIDE)
                def _prefetch():
                    lo2, hi2 = in_copies(g2, b)
                    lo2.start()
                    hi2.start()
            return 0
        lax.fori_loop(0, KMAX, slot, 0)

        for b in range(2):
            last_k = jnp.where((wid + (KMAX - 1) * NW < NWIDE),
                               KMAX - 1, KMAX - 2)
            kb = jnp.where(lax.rem(last_k, 2) == b, last_k, last_k - 1)
            out_copy(wid + kb * NW, b).wait()

        @pl.when(wid < NREM)
        def _rem():
            c = NWIDE * 8 + wid
            pltpu.sync_copy(wt.at[pl.ds(0, 8), pl.ds(c * 128, 128)],
                            tbuf.at[pl.ds(0, 8), pl.ds(0, 128)])
            pltpu.sync_copy(wt.at[pl.ds(8, 8), pl.ds(c * 128, 128)],
                            tbuf.at[pl.ds(8, 8), pl.ds(0, 128)])
            transpose(0, 128)
            pltpu.sync_copy(obuf.at[pl.ds(0, 128 * D)],
                            out.at[pl.ds(c * 128 * D, 128 * D)])

        ntail = VOCAB - NFULL * 128

        @pl.when(wid == NW - 1)
        def _tail():
            pltpu.sync_copy(wtail.at[pl.ds(0, 8)],
                            tbuf.at[pl.ds(0, 8), pl.ds(0, 128)])
            pltpu.sync_copy(wtail.at[pl.ds(8, 8)],
                            tbuf.at[pl.ds(8, 8), pl.ds(0, 128)])
            transpose(0, ntail)
            pltpu.sync_copy(obuf.at[pl.ds(0, ntail * D)],
                            out.at[pl.ds(NFULL * 128 * D, ntail * D)])

    return k0


@functools.lru_cache(maxsize=None)
def _phase1(nsub):
    rows_per_tile = B // NS
    mesh = plsc.VectorSubcoreMesh(core_axis_name="c", subcore_axis_name="s")

    @functools.partial(
        pl.kernel,
        out_type=(
            jax.ShapeDtypeStruct((NC, B, D), jnp.float32),
            jax.ShapeDtypeStruct((NC, B), jnp.float32),
        ),
        mesh=mesh,
        scratch_types=[
            pltpu.VMEM((nsub, SUB), jnp.int32),
            pltpu.VMEM((nsub, SUB), jnp.int32),
            pltpu.VMEM((nsub, SUB), jnp.float32),
            pltpu.VMEM((2 * SUB, D), jnp.float32),
            pltpu.VMEM((2 * SUB, D), jnp.float32),
            pltpu.VMEM((2 * SUB, D), jnp.float32),
            pltpu.VMEM((rows_per_tile, D), jnp.float32),
            pltpu.VMEM((rows_per_tile,), jnp.float32),
            pltpu.VMEM_SHARED((B, D), jnp.float32),
            pltpu.VMEM_SHARED((B, D), jnp.float32),
            pltpu.SemaphoreType.DMA((2,)),
            pltpu.SemaphoreType.DMA((2,)),
        ],
        compiler_params=pltpu.CompilerParams(needs_layout_passes=False, use_tc_tiling_on_sc=False),
    )
    def k1(weight, idx3, bid3, val3, acc_out, self_out,
           idx_v, bid_v, val_v, rows_v, scaled_v, sq_v, pub_v, self_v,
           acc_sh, sq_sh, gsem, ssem):
        cid = lax.axis_index("c")
        sid = lax.axis_index("s")
        wid = sid * NC + cid
        rbase = _iota16()
        zero16 = jnp.zeros((L,), jnp.float32)

        def zbody(i, _):
            pub_v[i] = zero16
            return 0
        lax.fori_loop(0, rows_per_tile, zbody, 0)
        tile_rows = pl.ds(sid * rows_per_tile, rows_per_tile)
        pltpu.sync_copy(pub_v, acc_sh.at[tile_rows])
        pltpu.sync_copy(pub_v, sq_sh.at[tile_rows])
        plsc.subcore_barrier()

        pltpu.sync_copy(idx3.at[wid], idx_v)
        pltpu.sync_copy(bid3.at[wid], bid_v)
        pltpu.sync_copy(val3.at[wid], val_v)

        def gat(j, b):
            return pltpu.make_async_copy(
                weight.at[idx_v.at[j]], rows_v.at[pl.ds(b * SUB, SUB)],
                gsem.at[b])

        for b in range(2):
            gat(b, b).start()

        def chunk(j, _):
            b = lax.rem(j, 2)
            gat(j, b).wait()

            @pl.when(j >= 2)
            def _drain():
                pltpu.make_async_copy(
                    scaled_v.at[pl.ds(b * SUB, SUB)],
                    acc_sh.at[bid_v.at[j - 2]], ssem.at[b]).wait()
                pltpu.make_async_copy(
                    sq_v.at[pl.ds(b * SUB, SUB)],
                    sq_sh.at[bid_v.at[j - 2]], ssem.at[b]).wait()

            def grp(g):
                rid = rbase + g * L + b * SUB
                vals16 = val_v[j, pl.ds(g * L, L)]
                for d in range(D):
                    dd = jnp.full((L,), d, jnp.int32)
                    col = plsc.load_gather(rows_v, [rid, dd])
                    s = col * vals16
                    plsc.store_scatter(scaled_v, [rid, dd], s)
                    plsc.store_scatter(sq_v, [rid, dd], s * s)
            plsc.parallel_loop(0, SUB // L, unroll=2)(grp)

            pltpu.async_copy(scaled_v.at[pl.ds(b * SUB, SUB)],
                             acc_sh.at[bid_v.at[j]], ssem.at[b], add=True)
            pltpu.async_copy(sq_v.at[pl.ds(b * SUB, SUB)],
                             sq_sh.at[bid_v.at[j]], ssem.at[b], add=True)

            @pl.when(j + 2 < nsub)
            def _prefetch():
                gat(j + 2, b).start()
            return 0
        lax.fori_loop(0, nsub, chunk, 0)

        for b in range(2):
            jl = nsub - 2 + b
            pltpu.make_async_copy(
                scaled_v.at[pl.ds(b * SUB, SUB)],
                acc_sh.at[bid_v.at[jl]], ssem.at[b]).wait()
            pltpu.make_async_copy(
                sq_v.at[pl.ds(b * SUB, SUB)],
                sq_sh.at[bid_v.at[jl]], ssem.at[b]).wait()

        plsc.subcore_barrier()

        pltpu.sync_copy(acc_sh.at[tile_rows], pub_v)
        pltpu.sync_copy(pub_v, acc_out.at[cid, tile_rows])
        pltpu.sync_copy(sq_sh.at[tile_rows], pub_v)
        def redgrp(g):
            rid = rbase + g * L
            tot = zero16
            for d in range(D):
                tot = tot + plsc.load_gather(pub_v, [rid, jnp.full((L,), d, jnp.int32)])
            self_v[pl.ds(g * L, L)] = tot
        plsc.parallel_loop(0, rows_per_tile // L, unroll=2)(redgrp)
        pltpu.sync_copy(self_v, self_out.at[cid, tile_rows])

    return k1


@functools.lru_cache(maxsize=None)
def _phase2():
    bw = B // NW
    mesh = plsc.VectorSubcoreMesh(core_axis_name="c", subcore_axis_name="s")

    @functools.partial(
        pl.kernel,
        out_type=jax.ShapeDtypeStruct((B,), jnp.float32),
        mesh=mesh,
        scratch_types=[
            pltpu.VMEM((bw, D), jnp.float32),
            pltpu.VMEM((bw, D), jnp.float32),
            pltpu.VMEM((bw,), jnp.float32),
            pltpu.VMEM((bw,), jnp.float32),
            pltpu.VMEM((bw,), jnp.float32),
        ],
        compiler_params=pltpu.CompilerParams(needs_layout_passes=False, use_tc_tiling_on_sc=False),
    )
    def k2(acc_part, self_part, out, a0, a1, s0, s1, o):
        cid = lax.axis_index("c")
        sid = lax.axis_index("s")
        wid = sid * NC + cid
        bsl = pl.ds(wid * bw, bw)
        pltpu.sync_copy(acc_part.at[0, bsl], a0)
        pltpu.sync_copy(acc_part.at[1, bsl], a1)
        pltpu.sync_copy(self_part.at[0, bsl], s0)
        pltpu.sync_copy(self_part.at[1, bsl], s1)
        rbase = _iota16()

        def outgrp(g):
            rid = rbase + g * L
            acc16 = -(s0[pl.ds(g * L, L)] + s1[pl.ds(g * L, L)])
            for d in range(D):
                dd = jnp.full((L,), d, jnp.int32)
                t = plsc.load_gather(a0, [rid, dd]) + plsc.load_gather(a1, [rid, dd])
                acc16 = acc16 + t * t
            o[pl.ds(g * L, L)] = acc16
        plsc.parallel_loop(0, bw // L, unroll=2)(outgrp)
        pltpu.sync_copy(o, out.at[bsl])

    return k2


def kernel(indices, batch_ids, values, weight):
    nnz = indices.shape[0]
    assert nnz % (NW * SUB) == 0
    nsub = nnz // (NW * SUB)
    idx3 = indices.reshape(NW, nsub, SUB)
    bid3 = batch_ids.reshape(NW, nsub, SUB)
    val3 = values.reshape(NW, nsub, SUB)
    wt = weight.T
    wtail = jnp.pad(wt[:, NFULL * 128:], ((0, 0), (0, 128 - (VOCAB - NFULL * 128))))
    w_lin = _phase0()(wt, wtail).reshape(VOCAB, D)
    acc_part, self_part = _phase1(nsub)(w_lin, idx3, bid3, val3)
    out = _phase2()(acc_part, self_part)
    return out.reshape(-1, 1)

# --- scband reference (transcript-rebuilt; emitter-appended) ---
"""Pipeline reference for scband-factorization-machine-75144747810873 (READ-ONLY COPY).

The authoritative reference and input builder live on the scoring server;
editing this copy changes nothing except your own understanding.
"""

import jax, jax.numpy as jnp
import numpy as np

B = 4096
VOCAB = 1000000
NNZ = 106496
D = 16


def setup_inputs(seed: int = 0) -> dict:
    key = jax.random.key(seed)
    k1, k2, k3, k4 = jax.random.split(key, 4)
    indices = jax.random.randint(k1, (NNZ,), 0, VOCAB, dtype=jnp.int32)
    batch_ids = jnp.sort(jax.random.randint(k2, (NNZ,), 0, B, dtype=jnp.int32))
    values = jax.random.uniform(k3, (NNZ,), dtype=jnp.float32)
    # learned parameter: FM latent factor table [VOCAB, D]
    weight = jax.random.normal(k4, (VOCAB, D), dtype=jnp.float32) * 0.01
    return {"indices": indices, "batch_ids": batch_ids, "values": values, "weight": weight}


def reference(indices, batch_ids, values, weight):
    # v = embedding_lookup(weight, indices)
    v = jnp.take(weight, indices, axis=0)                      # [NNZ, D]
    v_times_x = v * values[:, None]                            # [NNZ, D]
    # all_crosses = segment_sum over batch ids
    all_crosses = jax.ops.segment_sum(v_times_x, batch_ids, num_segments=B)  # [B, D]
    all_crosses_squared = jnp.sum(all_crosses * all_crosses, axis=1)         # [B]
    # subtract self-cross term
    v_times_x_2 = v_times_x ** 2
    self_crosses = jnp.sum(jax.ops.segment_sum(v_times_x_2, batch_ids, num_segments=B), axis=1)
    outputs = all_crosses_squared - self_crosses
    # linear activation (activation=None); pad-empty handled by fixed num_segments
    outputs = jnp.reshape(outputs, (-1, 1))                    # [B, 1]
    return outputs

if __name__ == "__main__":
    import jax
    _d = setup_inputs()
    print(jax.jit(kernel)(*tuple(_d.values())))

</pallas_src>

<mosaic_0001>
#map = affine_map<(d0, d1) -> (0, 0)>
#map1 = affine_map<(d0, d1) -> (0)>
module attributes {stable_mosaic.version = 14 : i64} {
  func.func @k0(%arg0: i32, %arg1: i32, %arg2: memref<16x1000000xf32, #tpu.memory_space<hbm>>, %arg3: memref<16x128xf32, #tpu.memory_space<hbm>>, %arg4: memref<16000000xf32, #tpu.memory_space<hbm>>, %arg5: memref<32x1025xf32, #tpu.memory_space<vmem>>, %arg6: memref<32768xf32, #tpu.memory_space<vmem>>, %arg7: memref<2x!tpu.dma_semaphore, #tpu.memory_space<semaphore_mem>>, %arg8: memref<2x!tpu.dma_semaphore, #tpu.memory_space<semaphore_mem>>) attributes {dimension_semantics = [#tpu.dimension_semantics<core_parallel>, #tpu.dimension_semantics<subcore_parallel>], iteration_bounds = array<i64: 2, 16>, scalar_prefetch = 0 : i64, scratch_operands = 4 : i64, tpu.core_type = #tpu.core_type<sc_vector_subcore>, window_params = [{transform_indices = #map}, {transform_indices = #map}, {transform_indices = #map1}]} {
    %mul3A = arith.constant 2 : i32
    %mul3A_0 = arith.muli %arg1, %mul3A : i32
    %add3A = arith.addi %mul3A_0, %arg0 : i32
    %iota3A = tpu.iota {dimensions = array<i32: 0>} : vector<16xi32>
    %add3A_1 = arith.constant 0 : i32
    %add3A_2 = arith.addi %add3A, %add3A_1 : i32
    %mul3A_3 = arith.constant 1024 : i32
    %mul3A_4 = arith.muli %add3A_2, %mul3A_3 : i32
    %mul3A_5 = arith.constant 1024 : i32
    %mul3A_6 = arith.muli %add3A_2, %mul3A_5 : i32
    %dma_start3A = arith.constant 0 : i32
    %dma_start3A_7 = arith.constant 0 : i32
    %dma_start3A_8 = arith.constant 0 : i32
    %dma_start3A_9 = tpu.memref_slice %arg5[%dma_start3A_7, %dma_start3A_8] : memref<32x1025xf32, #tpu.memory_space<vmem>> -> memref<8x1024xf32, #tpu.memory_space<vmem>>
    %dma_start3A_10 = arith.constant 0 : i32
    %dma_start3A_11 = tpu.memref_slice %arg2[%dma_start3A_10, %mul3A_4] : memref<16x1000000xf32, #tpu.memory_space<hbm>> -> memref<8x1024xf32, #tpu.memory_space<hbm>>
    %dma_start3A_12 = tpu.memref_slice %arg7[%dma_start3A] : memref<2x!tpu.dma_semaphore, #tpu.memory_space<semaphore_mem>> -> memref<1x!tpu.dma_semaphore, #tpu.memory_space<semaphore_mem>>
    %dma_start3A_13 = tpu.memref_squeeze %dma_start3A_12 : memref<1x!tpu.dma_semaphore, #tpu.memory_space<semaphore_mem>> -> memref<!tpu.dma_semaphore, #tpu.memory_space<semaphore_mem>>
    %dma_start3A_14 = arith.constant 0 : i32
    %dma_start3A_15 = arith.constant 0 : i32
    %dma_start3A_16 = tpu.memref_slice %arg5[%dma_start3A_14, %dma_start3A_15] : memref<32x1025xf32, #tpu.memory_space<vmem>> -> memref<8x1024xf32, #tpu.memory_space<vmem>>
    %dma_start3A_17 = arith.constant 0 : i32
    %dma_start3A_18 = tpu.memref_slice %arg2[%dma_start3A_17, %mul3A_4] : memref<16x1000000xf32, #tpu.memory_space<hbm>> -> memref<8x1024xf32, #tpu.memory_space<hbm>>
    tpu.enqueue_dma source(%dma_start3A_18 : memref<8x1024xf32, #tpu.memory_space<hbm>>) target(%dma_start3A_16 : memref<8x1024xf32, #tpu.memory_space<vmem>>) target_semaphore(%dma_start3A_13 : memref<!tpu.dma_semaphore, #tpu.memory_space<semaphore_mem>>)
    %dma_start3A_19 = arith.constant 0 : i32
    %dma_start3A_20 = arith.constant 8 : i32
    %dma_start3A_21 = arith.constant 0 : i32
    %dma_start3A_22 = tpu.memref_slice %arg5[%dma_start3A_20, %dma_start3A_21] : memref<32x1025xf32, #tpu.memory_space<vmem>> -> memref<8x1024xf32, #tpu.memory_space<vmem>>
    %dma_start3A_23 = arith.constant 8 : i32
    %dma_start3A_24 = tpu.memref_slice %arg2[%dma_start3A_23, %mul3A_6] : memref<16x1000000xf32, #tpu.memory_space<hbm>> -> memref<8x1024xf32, #tpu.memory_space<hbm>>
    %dma_start3A_25 = tpu.memref_slice %arg7[%dma_start3A_19] : memref<2x!tpu.dma_semaphore, #tpu.memory_space<semaphore_mem>> -> memref<1x!tpu.dma_semaphore, #tpu.memory_space<semaphore_mem>>
    %dma_start3A_26 = tpu.memref_squeeze %dma_start3A_25 : memref<1x!tpu.dma_semaphore, #tpu.memory_space<semaphore_mem>> -> memref<!tpu.dma_semaphore, #tpu.memory_space<semaphore_mem>>
    %dma_start3A_27 = arith.constant 8 : i32
    %dma_start3A_28 = arith.constant 0 : i32
    %dma_start3A_29 = tpu.memref_slice %arg5[%dma_start3A_27, %dma_start3A_28] : memref<32x1025xf32, #tpu.memory_space<vmem>> -> memref<8x1024xf32, #tpu.memory_space<vmem>>
    %dma_start3A_30 = arith.constant 8 : i32
    %dma_start3A_31 = tpu.memref_slice %arg2[%dma_start3A_30, %mul3A_6] : memref<16x1000000xf32, #tpu.memory_space<hbm>> -> memref<8x1024xf32, #tpu.memory_space<hbm>>
    tpu.enqueue_dma source(%dma_start3A_31 : memref<8x1024xf32, #tpu.memory_space<hbm>>) target(%dma_start3A_29 : memref<8x1024xf32, #tpu.memory_space<vmem>>) target_semaphore(%dma_start3A_26 : memref<!tpu.dma_semaphore, #tpu.memory_space<semaphore_mem>>)
    %add3A_32 = arith.constant 32 : i32
    %add3A_33 = arith.addi %add3A, %add3A_32 : i32
    %mul3A_34 = arith.constant 1024 : i32
    %mul3A_35 = arith.muli %add3A_33, %mul3A_34 : i32
    %mul3A_36 = arith.constant 1024 : i32
    %mul3A_37 = arith.muli %add3A_33, %mul3A_36 : i32
    %dma_start3A_38 = arith.constant 1 : i32
    %dma_start3A_39 = arith.constant 16 : i32
    %dma_start3A_40 = arith.constant 0 : i32
    %dma_start3A_41 = tpu.memref_slice %arg5[%dma_start3A_39, %dma_start3A_40] : memref<32x1025xf32, #tpu.memory_space<vmem>> -> memref<8x1024xf32, #tpu.memory_space<vmem>>
    %dma_start3A_42 = arith.constant 0 : i32
    %dma_start3A_43 = tpu.memref_slice %arg2[%dma_start3A_42, %mul3A_35] : memref<16x1000000xf32, #tpu.memory_space<hbm>> -> memref<8x1024xf32, #tpu.memory_space<hbm>>
    %dma_start3A_44 = tpu.memref_slice %arg7[%dma_start3A_38] : memref<2x!tpu.dma_semaphore, #tpu.memory_space<semaphore_mem>> -> memref<1x!tpu.dma_semaphore, #tpu.memory_space<semaphore_mem>>
    %dma_start3A_45 = tpu.memref_squeeze %dma_start3A_44 : memref<1x!tpu.dma_semaphore, #tpu.memory_space<semaphore_mem>> -> memref<!tpu.dma_semaphore, #tpu.memory_space<semaphore_mem>>
    %dma_start3A_46 = arith.constant 16 : i32
    %dma_start3A_47 = arith.constant 0 : i32
    %dma_start3A_48 = tpu.memref_slice %arg5[%dma_start3A_46, %dma_start3A_47] : memref<32x1025xf32, #tpu.memory_space<vmem>> -> memref<8x1024xf32, #tpu.memory_space<vmem>>
    %dma_start3A_49 = arith.constant 0 : i32
    %dma_start3A_50 = tpu.memref_slice %arg2[%dma_start3A_49, %mul3A_35] : memref<16x1000000xf32, #tpu.memory_space<hbm>> -> memref<8x1024xf32, #tpu.memory_space<hbm>>
    tpu.enqueue_dma source(%dma_start3A_50 : memref<8x1024xf32, #tpu.memory_space<hbm>>) target(%dma_start3A_48 : memref<8x1024xf32, #tpu.memory_space<vmem>>) target_semaphore(%dma_start3A_45 : memref<!tpu.dma_semaphore, #tpu.memory_space<semaphore_mem>>)
    %dma_start3A_51 = arith.constant 1 : i32
    %dma_start3A_52 = arith.constant 24 : i32
    %dma_start3A_53 = arith.constant 0 : i32
    %dma_start3A_54 = tpu.memref_slice %arg5[%dma_start3A_52, %dma_start3A_53] : memref<32x1025xf32, #tpu.memory_space<vmem>> -> memref<8x1024xf32, #tpu.memory_space<vmem>>
    %dma_start3A_55 = arith.constant 8 : i32
    %dma_start3A_56 = tpu.memref_slice %arg2[%dma_start3A_55, %mul3A_37] : memref<16x1000000xf32, #tpu.memory_space<hbm>> -> memref<8x1024xf32, #tpu.memory_space<hbm>>
    %dma_start3A_57 = tpu.memref_slice %arg7[%dma_start3A_51] : memref<2x!tpu.dma_semaphore, #tpu.memory_space<semaphore_mem>> -> memref<1x!tpu.dma_semaphore, #tpu.memory_space<semaphore_mem>>
    %dma_start3A_58 = tpu.memref_squeeze %dma_start3A_57 : memref<1x!tpu.dma_semaphore, #tpu.memory_space<semaphore_mem>> -> memref<!tpu.dma_semaphore, #tpu.memory_space<semaphore_mem>>
    %dma_start3A_59 = arith.constant 24 : i32
    %dma_start3A_60 = arith.constant 0 : i32
    %dma_start3A_61 = tpu.memref_slice %arg5[%dma_start3A_59, %dma_start3A_60] : memref<32x1025xf32, #tpu.memory_space<vmem>> -> memref<8x1024xf32, #tpu.memory_space<vmem>>
    %dma_start3A_62 = arith.constant 8 : i32
    %dma_start3A_63 = tpu.memref_slice %arg2[%dma_start3A_62, %mul3A_37] : memref<16x1000000xf32, #tpu.memory_space<hbm>> -> memref<8x1024xf32, #tpu.memory_space<hbm>>
    tpu.enqueue_dma source(%dma_start3A_63 : memref<8x1024xf32, #tpu.memory_space<hbm>>) target(%dma_start3A_61 : memref<8x1024xf32, #tpu.memory_space<vmem>>) target_semaphore(%dma_start3A_58 : memref<!tpu.dma_semaphore, #tpu.memory_space<semaphore_mem>>)
    %scan3A = arith.constant 0 : i32
    %scan3A_64 = arith.constant 0 : i32
    %scan3A_65 = arith.constant 31 : i32
    %scan3A_66 = arith.addi %scan3A_64, %scan3A_65 : i32
    %scan3A_67 = arith.constant 1 : i32
    %scan3A_68 = scf.for %scan3A_131 = %scan3A_64 to %scan3A_66 step %scan3A_67 iter_args(%scan3A_132 = %scan3A) -> (i32)  : i32 {
      %rem3A_133 = arith.constant 2 : i32
      %rem3A_134 = arith.remsi %scan3A_131, %rem3A_133 : i32
      %mul3A_135 = arith.constant 32 : i32
      %mul3A_136 = arith.muli %scan3A_131, %mul3A_135 : i32
      %add3A_137 = arith.addi %add3A, %mul3A_136 : i32
      %lt3A_138 = arith.constant 976 : i32
      %lt3A_139 = arith.cmpi slt, %add3A_137, %lt3A_138 : i32
      %convert_element_type3A_140 = arith.extui %lt3A_139 : i1 to i32
      %cond3A_141 = arith.constant 0 : i32
      %cond3A_142 = arith.cmpi ne, %convert_element_type3A_140, %cond3A_141 : i32
      scf.if %cond3A_142 {
        %mul3A_144 = arith.constant 1024 : i32
        %mul3A_145 = arith.muli %add3A_137, %mul3A_144 : i32
        %mul3A_146 = arith.constant 16 : i32
        %mul3A_147 = arith.muli %rem3A_134, %mul3A_146 : i32
        %mul3A_148 = arith.constant 1024 : i32
        %mul3A_149 = arith.muli %add3A_137, %mul3A_148 : i32
        %mul3A_150 = arith.constant 16 : i32
        %mul3A_151 = arith.muli %rem3A_134, %mul3A_150 : i32
        %add3A_152 = arith.constant 8 : i32
        %add3A_153 = arith.addi %mul3A_151, %add3A_152 : i32
        %dma_wait3A_154 = arith.constant 0 : i32
        %dma_wait3A_155 = tpu.memref_slice %arg5[%mul3A_147, %dma_wait3A_154] : memref<32x1025xf32, #tpu.memory_space<vmem>> -> memref<8x1024xf32, #tpu.memory_space<vmem>>
        %dma_wait3A_156 = arith.constant 0 : i32
        %dma_wait3A_157 = tpu.memref_slice %arg2[%dma_wait3A_156, %mul3A_145] : memref<16x1000000xf32, #tpu.memory_space<hbm>> -> memref<8x1024xf32, #tpu.memory_space<hbm>>
        %dma_wait3A_158 = tpu.memref_slice %arg7[%rem3A_134] : memref<2x!tpu.dma_semaphore, #tpu.memory_space<semaphore_mem>> -> memref<1x!tpu.dma_semaphore, #tpu.memory_space<semaphore_mem>>
        %dma_wait3A_159 = tpu.memref_squeeze %dma_wait3A_158 : memref<1x!tpu.dma_semaphore, #tpu.memory_space<semaphore_mem>> -> memref<!tpu.dma_semaphore, #tpu.memory_space<semaphore_mem>>
        %dma_wait3A_160 = arith.constant 0 : i32
        %dma_wait3A_161 = tpu.memref_slice %arg5[%mul3A_147, %dma_wait3A_160] : memref<32x1025xf32, #tpu.memory_space<vmem>> -> memref<8x1024xf32, #tpu.memory_space<vmem>>
        %dma_wait3A_162 = arith.constant 0 : i32
        %dma_wait3A_163 = tpu.memref_slice %arg2[%dma_wait3A_162, %mul3A_145] : memref<16x1000000xf32, #tpu.memory_space<hbm>> -> memref<8x1024xf32, #tpu.memory_space<hbm>>
        tpu.wait_dma2 semaphore(%dma_wait3A_159 : memref<!tpu.dma_semaphore, #tpu.memory_space<semaphore_mem>>) src(%dma_wait3A_163 : memref<8x1024xf32, #tpu.memory_space<hbm>>) dst(%dma_wait3A_161 : memref<8x1024xf32, #tpu.memory_space<vmem>>)
        %dma_wait3A_164 = arith.constant 0 : i32
        %dma_wait3A_165 = tpu.memref_slice %arg5[%add3A_153, %dma_wait3A_164] : memref<32x1025xf32, #tpu.memory_space<vmem>> -> memref<8x1024xf32, #tpu.memory_space<vmem>>
        %dma_wait3A_166 = arith.constant 8 : i32
        %dma_wait3A_167 = tpu.memref_slice %arg2[%dma_wait3A_166, %mul3A_149] : memref<16x1000000xf32, #tpu.memory_space<hbm>> -> memref<8x1024xf32, #tpu.memory_space<hbm>>
        %dma_wait3A_168 = tpu.memref_slice %arg7[%rem3A_134] : memref<2x!tpu.dma_semaphore, #tpu.memory_space<semaphore_mem>> -> memref<1x!tpu.dma_semaphore, #tpu.memory_space<semaphore_mem>>
        %dma_wait3A_169 = tpu.memref_squeeze %dma_wait3A_168 : memref<1x!tpu.dma_semaphore, #tpu.memory_space<semaphore_mem>> -> memref<!tpu.dma_semaphore, #tpu.memory_space<semaphore_mem>>
        %dma_wait3A_170 = arith.constant 0 : i32
        %dma_wait3A_171 = tpu.memref_slice %arg5[%add3A_153, %dma_wait3A_170] : memref<32x1025xf32, #tpu.memory_space<vmem>> -> memref<8x1024xf32, #tpu.memory_space<vmem>>
        %dma_wait3A_172 = arith.constant 8 : i32
        %dma_wait3A_173 = tpu.memref_slice %arg2[%dma_wait3A_172, %mul3A_149] : memref<16x1000000xf32, #tpu.memory_space<hbm>> -> memref<8x1024xf32, #tpu.memory_space<hbm>>
        tpu.wait_dma2 semaphore(%dma_wait3A_169 : memref<!tpu.dma_semaphore, #tpu.memory_space<semaphore_mem>>) src(%dma_wait3A_173 : memref<8x1024xf32, #tpu.memory_space<hbm>>) dst(%dma_wait3A_171 : memref<8x1024xf32, #tpu.memory_space<vmem>>)
        %ge3A = arith.constant 2 : i32
        %ge3A_174 = arith.cmpi sge, %scan3A_131, %ge3A : i32
        %convert_element_type3A_175 = arith.extui %ge3A_174 : i1 to i32
        %cond3A_176 = arith.constant 0 : i32
        %cond3A_177 = arith.cmpi ne, %convert_element_type3A_175, %cond3A_176 : i32
        scf.if %cond3A_177 {
          %sub3A_213 = arith.constant 64 : i32
          %sub3A_214 = arith.subi %add3A_137, %sub3A_213 : i32
          %mul3A_215 = arith.constant 1024 : i32
          %mul3A_216 = arith.muli %rem3A_134, %mul3A_215 : i32
          %mul3A_217 = arith.constant 16 : i32
          %mul3A_218 = arith.muli %mul3A_216, %mul3A_217 : i32
          %mul3A_219 = arith.constant 1024 : i32
          %mul3A_220 = arith.muli %sub3A_214, %mul3A_219 : i32
          %mul3A_221 = arith.constant 16 : i32
          %mul3A_222 = arith.muli %mul3A_220, %mul3A_221 : i32
          %dma_wait3A_223 = tpu.memref_slice %arg6[%mul3A_218] : memref<32768xf32, #tpu.memory_space<vmem>> -> memref<16384xf32, #tpu.memory_space<vmem>>
          %dma_wait3A_224 = tpu.memref_slice %arg4[%mul3A_222] : memref<16000000xf32, #tpu.memory_space<hbm>> -> memref<16384xf32, #tpu.memory_space<hbm>>
          %dma_wait3A_225 = tpu.memref_slice %arg8[%rem3A_134] : memref<2x!tpu.dma_semaphore, #tpu.memory_space<semaphore_mem>> -> memref<1x!tpu.dma_semaphore, #tpu.memory_space<semaphore_mem>>
          %dma_wait3A_226 = tpu.memref_squeeze %dma_wait3A_225 : memref<1x!tpu.dma_semaphore, #tpu.memory_space<semaphore_mem>> -> memref<!tpu.dma_semaphore, #tpu.memory_space<semaphore_mem>>
          %dma_wait3A_227 = tpu.memref_slice %arg4[%mul3A_222] : memref<16000000xf32, #tpu.memory_space<hbm>> -> memref<16384xf32, #tpu.memory_space<hbm>>
          %dma_wait3A_228 = tpu.memref_slice %arg6[%mul3A_218] : memref<32768xf32, #tpu.memory_space<vmem>> -> memref<16384xf32, #tpu.memory_space<vmem>>
          tpu.wait_dma2 semaphore(%dma_wait3A_226 : memref<!tpu.dma_semaphore, #tpu.memory_space<semaphore_mem>>) src(%dma_wait3A_228 : memref<16384xf32, #tpu.memory_space<vmem>>) dst(%dma_wait3A_227 : memref<16384xf32, #tpu.memory_space<hbm>>)
        } else {
        }
        %mul3A_178 = arith.constant 16 : i32
        %mul3A_179 = arith.muli %rem3A_134, %mul3A_178 : i32
        %add3A_180 = vector.broadcast %mul3A_179 : i32 to vector<16xi32>
        %add3A_181 = arith.addi %iota3A, %add3A_180 : vector<16xi32>
        %mul3A_182 = arith.constant 1024 : i32
        %mul3A_183 = arith.muli %rem3A_134, %mul3A_182 : i32
        %mul3A_184 = arith.constant 16 : i32
        %mul3A_185 = arith.muli %mul3A_183, %mul3A_184 : i32
        %broadcast_in_dim3A = arith.constant 1 : i32
        %broadcast_in_dim3A_186 = vector.broadcast %broadcast_in_dim3A : i32 to vector<16xi32>
        %broadcast_in_dim3A_187 = arith.constant 0 : i32
        %broadcast_in_dim3A_188 = vector.broadcast %broadcast_in_dim3A_187 : i32 to vector<16xi32>
        %parallel_loop3A = arith.constant 0 : i32
        %parallel_loop3A_189 = arith.constant 1024 : i32
        %parallel_loop3A_190 = arith.constant 1 : i32
        %parallel_loop3A_191 = scf.for %parallel_loop3A_213 = %parallel_loop3A to %parallel_loop3A_189 step %parallel_loop3A_190 iter_args(%parallel_loop3A_214 = %broadcast_in_dim3A_188) -> (vector<16xi32>)  : i32 {
          %parallel_loop3A_215 = tpu.vector_load_idx %arg5[%add3A_181, %parallel_loop3A_214] : memref<32x1025xf32, #tpu.memory_space<vmem>>[vector<16xi32>, vector<16xi32>], vector<16xf32>,
          %parallel_loop3A_216 = arith.constant 16 : i32
          %parallel_loop3A_217 = arith.muli %parallel_loop3A_213, %parallel_loop3A_216 : i32
          %parallel_loop3A_218 = arith.addi %mul3A_185, %parallel_loop3A_217 : i32
          %parallel_loop3A_219 = arith.index_cast %parallel_loop3A_218 : i32 to index
          %parallel_loop3A_220 = tpu.vector_load %arg6[%parallel_loop3A_219] {strides = array<i32>} : memref<32768xf32, #tpu.memory_space<vmem>>, vector<16xf32>,
          tpu.vector_store %arg6[%parallel_loop3A_219], %parallel_loop3A_215 {strides = array<i32>} : memref<32768xf32, #tpu.memory_space<vmem>>, vector<16xf32>,
          %parallel_loop3A_221 = arith.addi %parallel_loop3A_214, %broadcast_in_dim3A_186 : vector<16xi32>
          scf.yield %parallel_loop3A_221 : vector<16xi32>
        } {sc.loop_unroll_factor = 16 : i64, sc.parallel_access}
        %mul3A_192 = arith.constant 1024 : i32
        %mul3A_193 = arith.muli %rem3A_134, %mul3A_192 : i32
        %mul3A_194 = arith.constant 16 : i32
        %mul3A_195 = arith.muli %mul3A_193, %mul3A_194 : i32
        %mul3A_196 = arith.constant 1024 : i32
        %mul3A_197 = arith.muli %add3A_137, %mul3A_196 : i32
        %mul3A_198 = arith.constant 16 : i32
        %mul3A_199 = arith.muli %mul3A_197, %mul3A_198 : i32
        %dma_start3A_200 = tpu.memref_slice %arg6[%mul3A_195] : memref<32768xf32, #tpu.memory_space<vmem>> -> memref<16384xf32, #tpu.memory_space<vmem>>
        %dma_start3A_201 = tpu.memref_slice %arg4[%mul3A_199] : memref<16000000xf32, #tpu.memory_space<hbm>> -> memref<16384xf32, #tpu.memory_space<hbm>>
        %dma_start3A_202 = tpu.memref_slice %arg8[%rem3A_134] : memref<2x!tpu.dma_semaphore, #tpu.memory_space<semaphore_mem>> -> memref<1x!tpu.dma_semaphore, #tpu.memory_space<semaphore_mem>>
        %dma_start3A_203 = tpu.memref_squeeze %dma_start3A_202 : memref<1x!tpu.dma_semaphore, #tpu.memory_space<semaphore_mem>> -> memref<!tpu.dma_semaphore, #tpu.memory_space<semaphore_mem>>
        %dma_start3A_204 = tpu.memref_slice %arg4[%mul3A_199] : memref<16000000xf32, #tpu.memory_space<hbm>> -> memref<16384xf32, #tpu.memory_space<hbm>>
        %dma_start3A_205 = tpu.memref_slice %arg6[%mul3A_195] : memref<32768xf32, #tpu.memory_space<vmem>> -> memref<16384xf32, #tpu.memory_space<vmem>>
        tpu.enqueue_dma source(%dma_start3A_205 : memref<16384xf32, #tpu.memory_space<vmem>>) target(%dma_start3A_204 : memref<16384xf32, #tpu.memory_space<hbm>>) target_semaphore(%dma_start3A_203 : memref<!tpu.dma_semaphore, #tpu.memory_space<semaphore_mem>>)
        %add3A_206 = arith.constant 64 : i32
        %add3A_207 = arith.addi %add3A_137, %add3A_206 : i32
        %lt3A_208 = arith.constant 976 : i32
        %lt3A_209 = arith.cmpi slt, %add3A_207, %lt3A_208 : i32
        %convert_element_type3A_210 = arith.extui %lt3A_209 : i1 to i32
        %cond3A_211 = arith.constant 0 : i32
        %cond3A_212 = arith.cmpi ne, %convert_element_type3A_210, %cond3A_211 : i32
        scf.if %cond3A_212 {
          %mul3A_213 = arith.constant 1024 : i32
          %mul3A_214 = arith.muli %add3A_207, %mul3A_213 : i32
          %mul3A_215 = arith.constant 16 : i32
          %mul3A_216 = arith.muli %rem3A_134, %mul3A_215 : i32
          %mul3A_217 = arith.constant 1024 : i32
          %mul3A_218 = arith.muli %add3A_207, %mul3A_217 : i32
          %mul3A_219 = arith.constant 16 : i32
          %mul3A_220 = arith.muli %rem3A_134, %mul3A_219 : i32
          %add3A_221 = arith.constant 8 : i32
          %add3A_222 = arith.addi %mul3A_220, %add3A_221 : i32
          %dma_start3A_223 = arith.constant 0 : i32
          %dma_start3A_224 = tpu.memref_slice %arg5[%mul3A_216, %dma_start3A_223] : memref<32x1025xf32, #tpu.memory_space<vmem>> -> memref<8x1024xf32, #tpu.memory_space<vmem>>
          %dma_start3A_225 = arith.constant 0 : i32
          %dma_start3A_226 = tpu.memref_slice %arg2[%dma_start3A_225, %mul3A_214] : memref<16x1000000xf32, #tpu.memory_space<hbm>> -> memref<8x1024xf32, #tpu.memory_space<hbm>>
          %dma_start3A_227 = tpu.memref_slice %arg7[%rem3A_134] : memref<2x!tpu.dma_semaphore, #tpu.memory_space<semaphore_mem>> -> memref<1x!tpu.dma_semaphore, #tpu.memory_space<semaphore_mem>>
          %dma_start3A_228 = tpu.memref_squeeze %dma_start3A_227 : memref<1x!tpu.dma_semaphore, #tpu.memory_space<semaphore_mem>> -> memref<!tpu.dma_semaphore, #tpu.memory_space<semaphore_mem>>
          %dma_start3A_229 = arith.constant 0 : i32
          %dma_start3A_230 = tpu.memref_slice %arg5[%mul3A_216, %dma_start3A_229] : memref<32x1025xf32, #tpu.memory_space<vmem>> -> memref<8x1024xf32, #tpu.memory_space<vmem>>
          %dma_start3A_231 = arith.constant 0 : i32
          %dma_start3A_232 = tpu.memref_slice %arg2[%dma_start3A_231, %mul3A_214] : memref<16x1000000xf32, #tpu.memory_space<hbm>> -> memref<8x1024xf32, #tpu.memory_space<hbm>>
          tpu.enqueue_dma source(%dma_start3A_232 : memref<8x1024xf32, #tpu.memory_space<hbm>>) target(%dma_start3A_230 : memref<8x1024xf32, #tpu.memory_space<vmem>>) target_semaphore(%dma_start3A_228 : memref<!tpu.dma_semaphore, #tpu.memory_space<semaphore_mem>>)
          %dma_start3A_233 = arith.constant 0 : i32
          %dma_start3A_234 = tpu.memref_slice %arg5[%add3A_222, %dma_start3A_233] : memref<32x1025xf32, #tpu.memory_space<vmem>> -> memref<8x1024xf32, #tpu.memory_space<vmem>>
          %dma_start3A_235 = arith.constant 8 : i32
          %dma_start3A_236 = tpu.memref_slice %arg2[%dma_start3A_235, %mul3A_218] : memref<16x1000000xf32, #tpu.memory_space<hbm>> -> memref<8x1024xf32, #tpu.memory_space<hbm>>
          %dma_start3A_237 = tpu.memref_slice %arg7[%rem3A_134] : memref<2x!tpu.dma_semaphore, #tpu.memory_space<semaphore_mem>> -> memref<1x!tpu.dma_semaphore, #tpu.memory_space<semaphore_mem>>
          %dma_start3A_238 = tpu.memref_squeeze %dma_start3A_237 : memref<1x!tpu.dma_semaphore, #tpu.memory_space<semaphore_mem>> -> memref<!tpu.dma_semaphore, #tpu.memory_space<semaphore_mem>>
          %dma_start3A_239 = arith.constant 0 : i32
          %dma_start3A_240 = tpu.memref_slice %arg5[%add3A_222, %dma_start3A_239] : memref<32x1025xf32, #tpu.memory_space<vmem>> -> memref<8x1024xf32, #tpu.memory_space<vmem>>
          %dma_start3A_241 = arith.constant 8 : i32
          %dma_start3A_242 = tpu.memref_slice %arg2[%dma_start3A_241, %mul3A_218] : memref<16x1000000xf32, #tpu.memory_space<hbm>> -> memref<8x1024xf32, #tpu.memory_space<hbm>>
          tpu.enqueue_dma source(%dma_start3A_242 : memref<8x1024xf32, #tpu.memory_space<hbm>>) target(%dma_start3A_240 : memref<8x1024xf32, #tpu.memory_space<vmem>>) target_semaphore(%dma_start3A_238 : memref<!tpu.dma_semaphore, #tpu.memory_space<semaphore_mem>>)
        } else {
        }
      } else {
      }
      %scan3A_143 = arith.constant 0 : i32
      scf.yield %scan3A_143 : i32
    }
    %scan3A_69 = arith.constant 31 : i32
    %add3A_70 = arith.constant 960 : i32
    %add3A_71 = arith.addi %add3A, %add3A_70 : i32
    %lt3A = arith.constant 976 : i32
    %lt3A_72 = arith.cmpi slt, %add3A_71, %lt3A : i32
    %jit3A = arith.constant 30 : i32
    %jit3A_73 = arith.constant 29 : i32
    %select_n3A = arith.select %lt3A_72, %jit3A, %jit3A_73 : i32
    %rem3A = arith.constant 2 : i32
    %rem3A_74 = arith.remsi %select_n3A, %rem3A : i32
    %eq3A = arith.constant 0 : i32
    %eq3A_75 = arith.cmpi eq, %rem3A_74, %eq3A : i32
    %sub3A = arith.constant 1 : i32
    %sub3A_76 = arith.subi %select_n3A, %sub3A : i32
    %select_n3A_77 = arith.select %eq3A_75, %select_n3A, %sub3A_76 : i32
    %mul3A_78 = arith.constant 32 : i32
    %mul3A_79 = arith.muli %select_n3A_77, %mul3A_78 : i32
    %add3A_80 = arith.addi %add3A, %mul3A_79 : i32
    %mul3A_81 = arith.constant 1024 : i32
    %mul3A_82 = arith.muli %add3A_80, %mul3A_81 : i32
    %mul3A_83 = arith.constant 16 : i32
    %mul3A_84 = arith.muli %mul3A_82, %mul3A_83 : i32
    %dma_wait3A = arith.constant 0 : i32
    %dma_wait3A_85 = arith.constant 0 : i32
    %dma_wait3A_86 = tpu.memref_slice %arg6[%dma_wait3A_85] : memref<32768xf32, #tpu.memory_space<vmem>> -> memref<16384xf32, #tpu.memory_space<vmem>>
    %dma_wait3A_87 = tpu.memref_slice %arg4[%mul3A_84] : memref<16000000xf32, #tpu.memory_space<hbm>> -> memref<16384xf32, #tpu.memory_space<hbm>>
    %dma_wait3A_88 = tpu.memref_slice %arg8[%dma_wait3A] : memref<2x!tpu.dma_semaphore, #tpu.memory_space<semaphore_mem>> -> memref<1x!tpu.dma_semaphore, #tpu.memory_space<semaphore_mem>>
    %dma_wait3A_89 = tpu.memref_squeeze %dma_wait3A_88 : memref<1x!tpu.dma_semaphore, #tpu.memory_space<semaphore_mem>> -> memref<!tpu.dma_semaphore, #tpu.memory_space<semaphore_mem>>
    %dma_wait3A_90 = tpu.memref_slice %arg4[%mul3A_84] : memref<16000000xf32, #tpu.memory_space<hbm>> -> memref<16384xf32, #tpu.memory_space<hbm>>
    %dma_wait3A_91 = arith.constant 0 : i32
    %dma_wait3A_92 = tpu.memref_slice %arg6[%dma_wait3A_91] : memref<32768xf32, #tpu.memory_space<vmem>> -> memref<16384xf32, #tpu.memory_space<vmem>>
    tpu.wait_dma2 semaphore(%dma_wait3A_89 : memref<!tpu.dma_semaphore, #tpu.memory_space<semaphore_mem>>) src(%dma_wait3A_92 : memref<16384xf32, #tpu.memory_space<vmem>>) dst(%dma_wait3A_90 : memref<16384xf32, #tpu.memory_space<hbm>>)
    %add3A_93 = arith.constant 960 : i32
    %add3A_94 = arith.addi %add3A, %add3A_93 : i32
    %lt3A_95 = arith.constant 976 : i32
    %lt3A_96 = arith.cmpi slt, %add3A_94, %lt3A_95 : i32
    %jit3A_97 = arith.constant 30 : i32
    %jit3A_98 = arith.constant 29 : i32
    %select_n3A_99 = arith.select %lt3A_96, %jit3A_97, %jit3A_98 : i32
    %rem3A_100 = arith.constant 2 : i32
    %rem3A_101 = arith.remsi %select_n3A_99, %rem3A_100 : i32
    %eq3A_102 = arith.constant 1 : i32
    %eq3A_103 = arith.cmpi eq, %rem3A_101, %eq3A_102 : i32
    %sub3A_104 = arith.constant 1 : i32
    %sub3A_105 = arith.subi %select_n3A_99, %sub3A_104 : i32
    %select_n3A_106 = arith.select %eq3A_103, %select_n3A_99, %sub3A_105 : i32
    %mul3A_107 = arith.constant 32 : i32
    %mul3A_108 = arith.muli %select_n3A_106, %mul3A_107 : i32
    %add3A_109 = arith.addi %add3A, %mul3A_108 : i32
    %mul3A_110 = arith.constant 1024 : i32
    %mul3A_111 = arith.muli %add3A_109, %mul3A_110 : i32
    %mul3A_112 = arith.constant 16 : i32
    %mul3A_113 = arith.muli %mul3A_111, %mul3A_112 : i32
    %dma_wait3A_114 = arith.constant 1 : i32
    %dma_wait3A_115 = arith.constant 16384 : i32
    %dma_wait3A_116 = tpu.memref_slice %arg6[%dma_wait3A_115] : memref<32768xf32, #tpu.memory_space<vmem>> -> memref<16384xf32, #tpu.memory_space<vmem>>
    %dma_wait3A_117 = tpu.memref_slice %arg4[%mul3A_113] : memref<16000000xf32, #tpu.memory_space<hbm>> -> memref<16384xf32, #tpu.memory_space<hbm>>
    %dma_wait3A_118 = tpu.memref_slice %arg8[%dma_wait3A_114] : memref<2x!tpu.dma_semaphore, #tpu.memory_space<semaphore_mem>> -> memref<1x!tpu.dma_semaphore, #tpu.memory_space<semaphore_mem>>
    %dma_wait3A_119 = tpu.memref_squeeze %dma_wait3A_118 : memref<1x!tpu.dma_semaphore, #tpu.memory_space<semaphore_mem>> -> memref<!tpu.dma_semaphore, #tpu.memory_space<semaphore_mem>>
    %dma_wait3A_120 = tpu.memref_slice %arg4[%mul3A_113] : memref<16000000xf32, #tpu.memory_space<hbm>> -> memref<16384xf32, #tpu.memory_space<hbm>>
    %dma_wait3A_121 = arith.constant 16384 : i32
    %dma_wait3A_122 = tpu.memref_slice %arg6[%dma_wait3A_121] : memref<32768xf32, #tpu.memory_space<vmem>> -> memref<16384xf32, #tpu.memory_space<vmem>>
    tpu.wait_dma2 semaphore(%dma_wait3A_119 : memref<!tpu.dma_semaphore, #tpu.memory_space<semaphore_mem>>) src(%dma_wait3A_122 : memref<16384xf32, #tpu.memory_space<vmem>>) dst(%dma_wait3A_120 : memref<16384xf32, #tpu.memory_space<hbm>>)
    %lt3A_123 = arith.constant 4 : i32
    %lt3A_124 = arith.cmpi slt, %add3A, %lt3A_123 : i32
    %convert_element_type3A = arith.extui %lt3A_124 : i1 to i32
    %cond3A = arith.constant 0 : i32
    %cond3A_125 = arith.cmpi ne, %convert_element_type3A, %cond3A : i32
    scf.if %cond3A_125 {
      %add3A_131 = arith.constant 7808 : i32
      %add3A_132 = arith.addi %add3A_131, %add3A : i32
      %mul3A_133 = arith.constant 128 : i32
      %mul3A_134 = arith.muli %add3A_132, %mul3A_133 : i32
      "tpu.region"() ({
        %run_scoped3A = tpu.sem_alloc : memref<!tpu.dma_semaphore, #tpu.memory_space<semaphore_mem>>
        %dma_start3A_150 = arith.constant 0 : i32
        %dma_start3A_151 = arith.constant 0 : i32
        %dma_start3A_152 = tpu.memref_slice %arg5[%dma_start3A_150, %dma_start3A_151] : memref<32x1025xf32, #tpu.memory_space<vmem>> -> memref<8x128xf32, #tpu.memory_space<vmem>>
        %dma_start3A_153 = arith.constant 0 : i32
        %dma_start3A_154 = tpu.memref_slice %arg2[%dma_start3A_153, %mul3A_134] : memref<16x1000000xf32, #tpu.memory_space<hbm>> -> memref<8x128xf32, #tpu.memory_space<hbm>>
        %dma_start3A_155 = arith.constant 0 : i32
        %dma_start3A_156 = arith.constant 0 : i32
        %dma_start3A_157 = tpu.memref_slice %arg5[%dma_start3A_155, %dma_start3A_156] : memref<32x1025xf32, #tpu.memory_space<vmem>> -> memref<8x128xf32, #tpu.memory_space<vmem>>
        %dma_start3A_158 = arith.constant 0 : i32
        %dma_start3A_159 = tpu.memref_slice %arg2[%dma_start3A_158, %mul3A_134] : memref<16x1000000xf32, #tpu.memory_space<hbm>> -> memref<8x128xf32, #tpu.memory_space<hbm>>
        tpu.enqueue_dma source(%dma_start3A_159 : memref<8x128xf32, #tpu.memory_space<hbm>>) target(%dma_start3A_157 : memref<8x128xf32, #tpu.memory_space<vmem>>) target_semaphore(%run_scoped3A : memref<!tpu.dma_semaphore, #tpu.memory_space<semaphore_mem>>)
        %dma_wait3A_160 = arith.constant 0 : i32
        %dma_wait3A_161 = arith.constant 0 : i32
        %dma_wait3A_162 = tpu.memref_slice %arg5[%dma_wait3A_160, %dma_wait3A_161] : memref<32x1025xf32, #tpu.memory_space<vmem>> -> memref<8x128xf32, #tpu.memory_space<vmem>>
        %dma_wait3A_163 = arith.constant 0 : i32
        %dma_wait3A_164 = tpu.memref_slice %arg2[%dma_wait3A_163, %mul3A_134] : memref<16x1000000xf32, #tpu.memory_space<hbm>> -> memref<8x128xf32, #tpu.memory_space<hbm>>
        %dma_wait3A_165 = arith.constant 0 : i32
        %dma_wait3A_166 = arith.constant 0 : i32
        %dma_wait3A_167 = tpu.memref_slice %arg5[%dma_wait3A_165, %dma_wait3A_166] : memref<32x1025xf32, #tpu.memory_space<vmem>> -> memref<8x128xf32, #tpu.memory_space<vmem>>
        %dma_wait3A_168 = arith.constant 0 : i32
        %dma_wait3A_169 = tpu.memref_slice %arg2[%dma_wait3A_168, %mul3A_134] : memref<16x1000000xf32, #tpu.memory_space<hbm>> -> memref<8x128xf32, #tpu.memory_space<hbm>>
        tpu.wait_dma2 semaphore(%run_scoped3A : memref<!tpu.dma_semaphore, #tpu.memory_space<semaphore_mem>>) src(%dma_wait3A_169 : memref<8x128xf32, #tpu.memory_space<hbm>>) dst(%dma_wait3A_167 : memref<8x128xf32, #tpu.memory_space<vmem>>)
        tpu.yield
      }) : () -> ()
      %mul3A_135 = arith.constant 128 : i32
      %mul3A_136 = arith.muli %add3A_132, %mul3A_135 : i32
      "tpu.region"() ({
        %run_scoped3A = tpu.sem_alloc : memref<!tpu.dma_semaphore, #tpu.memory_space<semaphore_mem>>
        %dma_start3A_150 = arith.constant 8 : i32
        %dma_start3A_151 = arith.constant 0 : i32
        %dma_start3A_152 = tpu.memref_slice %arg5[%dma_start3A_150, %dma_start3A_151] : memref<32x1025xf32, #tpu.memory_space<vmem>> -> memref<8x128xf32, #tpu.memory_space<vmem>>
        %dma_start3A_153 = arith.constant 8 : i32
        %dma_start3A_154 = tpu.memref_slice %arg2[%dma_start3A_153, %mul3A_136] : memref<16x1000000xf32, #tpu.memory_space<hbm>> -> memref<8x128xf32, #tpu.memory_space<hbm>>
        %dma_start3A_155 = arith.constant 8 : i32
        %dma_start3A_156 = arith.constant 0 : i32
        %dma_start3A_157 = tpu.memref_slice %arg5[%dma_start3A_155, %dma_start3A_156] : memref<32x1025xf32, #tpu.memory_space<vmem>> -> memref<8x128xf32, #tpu.memory_space<vmem>>
        %dma_start3A_158 = arith.constant 8 : i32
        %dma_start3A_159 = tpu.memref_slice %arg2[%dma_start3A_158, %mul3A_136] : memref<16x1000000xf32, #tpu.memory_space<hbm>> -> memref<8x128xf32, #tpu.memory_space<hbm>>
        tpu.enqueue_dma source(%dma_start3A_159 : memref<8x128xf32, #tpu.memory_space<hbm>>) target(%dma_start3A_157 : memref<8x128xf32, #tpu.memory_space<vmem>>) target_semaphore(%run_scoped3A : memref<!tpu.dma_semaphore, #tpu.memory_space<semaphore_mem>>)
        %dma_wait3A_160 = arith.constant 8 : i32
        %dma_wait3A_161 = arith.constant 0 : i32
        %dma_wait3A_162 = tpu.memref_slice %arg5[%dma_wait3A_160, %dma_wait3A_161] : memref<32x1025xf32, #tpu.memory_space<vmem>> -> memref<8x128xf32, #tpu.memory_space<vmem>>
        %dma_wait3A_163 = arith.constant 8 : i32
        %dma_wait3A_164 = tpu.memref_slice %arg2[%dma_wait3A_163, %mul3A_136] : memref<16x1000000xf32, #tpu.memory_space<hbm>> -> memref<8x128xf32, #tpu.memory_space<hbm>>
        %dma_wait3A_165 = arith.constant 8 : i32
        %dma_wait3A_166 = arith.constant 0 : i32
        %dma_wait3A_167 = tpu.memref_slice %arg5[%dma_wait3A_165, %dma_wait3A_166] : memref<32x1025xf32, #tpu.memory_space<vmem>> -> memref<8x128xf32, #tpu.memory_space<vmem>>
        %dma_wait3A_168 = arith.constant 8 : i32
        %dma_wait3A_169 = tpu.memref_slice %arg2[%dma_wait3A_168, %mul3A_136] : memref<16x1000000xf32, #tpu.memory_space<hbm>> -> memref<8x128xf32, #tpu.memory_space<hbm>>
        tpu.wait_dma2 semaphore(%run_scoped3A : memref<!tpu.dma_semaphore, #tpu.memory_space<semaphore_mem>>) src(%dma_wait3A_169 : memref<8x128xf32, #tpu.memory_space<hbm>>) dst(%dma_wait3A_167 : memref<8x128xf32, #tpu.memory_space<vmem>>)
        tpu.yield
      }) : () -> ()
      %add3A_137 = arith.constant 0 : i32
      %add3A_138 = vector.broadcast %add3A_137 : i32 to vector<16xi32>
      %add3A_139 = arith.addi %iota3A, %add3A_138 : vector<16xi32>
      %broadcast_in_dim3A = arith.constant 1 : i32
      %broadcast_in_dim3A_140 = vector.broadcast %broadcast_in_dim3A : i32 to vector<16xi32>
      %broadcast_in_dim3A_141 = arith.constant 0 : i32
      %broadcast_in_dim3A_142 = vector.broadcast %broadcast_in_dim3A_141 : i32 to vector<16xi32>
      %parallel_loop3A = arith.constant 0 : i32
      %parallel_loop3A_143 = arith.constant 128 : i32
      %parallel_loop3A_144 = arith.constant 1 : i32
      %parallel_loop3A_145 = scf.for %parallel_loop3A_150 = %parallel_loop3A to %parallel_loop3A_143 step %parallel_loop3A_144 iter_args(%parallel_loop3A_151 = %broadcast_in_dim3A_142) -> (vector<16xi32>)  : i32 {
        %parallel_loop3A_152 = tpu.vector_load_idx %arg5[%add3A_139, %parallel_loop3A_151] : memref<32x1025xf32, #tpu.memory_space<vmem>>[vector<16xi32>, vector<16xi32>], vector<16xf32>,
        %parallel_loop3A_153 = arith.constant 16 : i32
        %parallel_loop3A_154 = arith.muli %parallel_loop3A_150, %parallel_loop3A_153 : i32
        %parallel_loop3A_155 = arith.constant 0 : i32
        %parallel_loop3A_156 = arith.addi %parallel_loop3A_155, %parallel_loop3A_154 : i32
        %parallel_loop3A_157 = arith.index_cast %parallel_loop3A_156 : i32 to index
        %parallel_loop3A_158 = tpu.vector_load %arg6[%parallel_loop3A_157] {strides = array<i32>} : memref<32768xf32, #tpu.memory_space<vmem>>, vector<16xf32>,
        tpu.vector_store %arg6[%parallel_loop3A_157], %parallel_loop3A_152 {strides = array<i32>} : memref<32768xf32, #tpu.memory_space<vmem>>, vector<16xf32>,
        %parallel_loop3A_159 = arith.addi %parallel_loop3A_151, %broadcast_in_dim3A_140 : vector<16xi32>
        scf.yield %parallel_loop3A_159 : vector<16xi32>
      } {sc.loop_unroll_factor = 16 : i64, sc.parallel_access}
      %mul3A_146 = arith.constant 128 : i32
      %mul3A_147 = arith.muli %add3A_132, %mul3A_146 : i32
      %mul3A_148 = arith.constant 16 : i32
      %mul3A_149 = arith.muli %mul3A_147, %mul3A_148 : i32
      "tpu.region"() ({
        %run_scoped3A = tpu.sem_alloc : memref<!tpu.dma_semaphore, #tpu.memory_space<semaphore_mem>>
        %dma_start3A_150 = arith.constant 0 : i32
        %dma_start3A_151 = tpu.memref_slice %arg6[%dma_start3A_150] : memref<32768xf32, #tpu.memory_space<vmem>> -> memref<2048xf32, #tpu.memory_space<vmem>>
        %dma_start3A_152 = tpu.memref_slice %arg4[%mul3A_149] : memref<16000000xf32, #tpu.memory_space<hbm>> -> memref<2048xf32, #tpu.memory_space<hbm>>
        %dma_start3A_153 = tpu.memref_slice %arg4[%mul3A_149] : memref<16000000xf32, #tpu.memory_space<hbm>> -> memref<2048xf32, #tpu.memory_space<hbm>>
        %dma_start3A_154 = arith.constant 0 : i32
        %dma_start3A_155 = tpu.memref_slice %arg6[%dma_start3A_154] : memref<32768xf32, #tpu.memory_space<vmem>> -> memref<2048xf32, #tpu.memory_space<vmem>>
        tpu.enqueue_dma source(%dma_start3A_155 : memref<2048xf32, #tpu.memory_space<vmem>>) target(%dma_start3A_153 : memref<2048xf32, #tpu.memory_space<hbm>>) target_semaphore(%run_scoped3A : memref<!tpu.dma_semaphore, #tpu.memory_space<semaphore_mem>>)
        %dma_wait3A_156 = arith.constant 0 : i32
        %dma_wait3A_157 = tpu.memref_slice %arg6[%dma_wait3A_156] : memref<32768xf32, #tpu.memory_space<vmem>> -> memref<2048xf32, #tpu.memory_space<vmem>>
        %dma_wait3A_158 = tpu.memref_slice %arg4[%mul3A_149] : memref<16000000xf32, #tpu.memory_space<hbm>> -> memref<2048xf32, #tpu.memory_space<hbm>>
        %dma_wait3A_159 = tpu.memref_slice %arg4[%mul3A_149] : memref<16000000xf32, #tpu.memory_space<hbm>> -> memref<2048xf32, #tpu.memory_space<hbm>>
        %dma_wait3A_160 = arith.constant 0 : i32
        %dma_wait3A_161 = tpu.memref_slice %arg6[%dma_wait3A_160] : memref<32768xf32, #tpu.memory_space<vmem>> -> memref<2048xf32, #tpu.memory_space<vmem>>
        tpu.wait_dma2 semaphore(%run_scoped3A : memref<!tpu.dma_semaphore, #tpu.memory_space<semaphore_mem>>) src(%dma_wait3A_161 : memref<2048xf32, #tpu.memory_space<vmem>>) dst(%dma_wait3A_159 : memref<2048xf32, #tpu.memory_space<hbm>>)
        tpu.yield
      }) : () -> ()
    } else {
    }
    %eq3A_126 = arith.constant 31 : i32
    %eq3A_127 = arith.cmpi eq, %add3A, %eq3A_126 : i32
    %convert_element_type3A_128 = arith.extui %eq3A_127 : i1 to i32
    %cond3A_129 = arith.constant 0 : i32
    %cond3A_130 = arith.cmpi ne, %convert_element_type3A_128, %cond3A_129 : i32
    scf.if %cond3A_130 {
      "tpu.region"() ({
        %run_scoped3A = tpu.sem_alloc : memref<!tpu.dma_semaphore, #tpu.memory_space<semaphore_mem>>
        %dma_start3A_140 = arith.constant 0 : i32
        %dma_start3A_141 = arith.constant 0 : i32
        %dma_start3A_142 = tpu.memref_slice %arg5[%dma_start3A_140, %dma_start3A_141] : memref<32x1025xf32, #tpu.memory_space<vmem>> -> memref<8x128xf32, #tpu.memory_space<vmem>>
        %dma_start3A_143 = arith.constant 0 : i32
        %dma_start3A_144 = arith.constant 0 : i32
        %dma_start3A_145 = tpu.memref_slice %arg3[%dma_start3A_143, %dma_start3A_144] : memref<16x128xf32, #tpu.memory_space<hbm>> -> memref<8x128xf32, #tpu.memory_space<hbm>>
        %dma_start3A_146 = arith.constant 0 : i32
        %dma_start3A_147 = arith.constant 0 : i32
        %dma_start3A_148 = tpu.memref_slice %arg5[%dma_start3A_146, %dma_start3A_147] : memref<32x1025xf32, #tpu.memory_space<vmem>> -> memref<8x128xf32, #tpu.memory_space<vmem>>
        %dma_start3A_149 = arith.constant 0 : i32
        %dma_start3A_150 = arith.constant 0 : i32
        %dma_start3A_151 = tpu.memref_slice %arg3[%dma_start3A_149, %dma_start3A_150] : memref<16x128xf32, #tpu.memory_space<hbm>> -> memref<8x128xf32, #tpu.memory_space<hbm>>
        tpu.enqueue_dma source(%dma_start3A_151 : memref<8x128xf32, #tpu.memory_space<hbm>>) target(%dma_start3A_148 : memref<8x128xf32, #tpu.memory_space<vmem>>) target_semaphore(%run_scoped3A : memref<!tpu.dma_semaphore, #tpu.memory_space<semaphore_mem>>)
        %dma_wait3A_152 = arith.constant 0 : i32
        %dma_wait3A_153 = arith.constant 0 : i32
        %dma_wait3A_154 = tpu.memref_slice %arg5[%dma_wait3A_152, %dma_wait3A_153] : memref<32x1025xf32, #tpu.memory_space<vmem>> -> memref<8x128xf32, #tpu.memory_space<vmem>>
        %dma_wait3A_155 = arith.constant 0 : i32
        %dma_wait3A_156 = arith.constant 0 : i32
        %dma_wait3A_157 = tpu.memref_slice %arg3[%dma_wait3A_155, %dma_wait3A_156] : memref<16x128xf32, #tpu.memory_space<hbm>> -> memref<8x128xf32, #tpu.memory_space<hbm>>
        %dma_wait3A_158 = arith.constant 0 : i32
        %dma_wait3A_159 = arith.constant 0 : i32
        %dma_wait3A_160 = tpu.memref_slice %arg5[%dma_wait3A_158, %dma_wait3A_159] : memref<32x1025xf32, #tpu.memory_space<vmem>> -> memref<8x128xf32, #tpu.memory_space<vmem>>
        %dma_wait3A_161 = arith.constant 0 : i32
        %dma_wait3A_162 = arith.constant 0 : i32
        %dma_wait3A_163 = tpu.memref_slice %arg3[%dma_wait3A_161, %dma_wait3A_162] : memref<16x128xf32, #tpu.memory_space<hbm>> -> memref<8x128xf32, #tpu.memory_space<hbm>>
        tpu.wait_dma2 semaphore(%run_scoped3A : memref<!tpu.dma_semaphore, #tpu.memory_space<semaphore_mem>>) src(%dma_wait3A_163 : memref<8x128xf32, #tpu.memory_space<hbm>>) dst(%dma_wait3A_160 : memref<8x128xf32, #tpu.memory_space<vmem>>)
        tpu.yield
      }) : () -> ()
      "tpu.region"() ({
        %run_scoped3A = tpu.sem_alloc : memref<!tpu.dma_semaphore, #tpu.memory_space<semaphore_mem>>
        %dma_start3A_140 = arith.constant 8 : i32
        %dma_start3A_141 = arith.constant 0 : i32
        %dma_start3A_142 = tpu.memref_slice %arg5[%dma_start3A_140, %dma_start3A_141] : memref<32x1025xf32, #tpu.memory_space<vmem>> -> memref<8x128xf32, #tpu.memory_space<vmem>>
        %dma_start3A_143 = arith.constant 8 : i32
        %dma_start3A_144 = arith.constant 0 : i32
        %dma_start3A_145 = tpu.memref_slice %arg3[%dma_start3A_143, %dma_start3A_144] : memref<16x128xf32, #tpu.memory_space<hbm>> -> memref<8x128xf32, #tpu.memory_space<hbm>>
        %dma_start3A_146 = arith.constant 8 : i32
        %dma_start3A_147 = arith.constant 0 : i32
        %dma_start3A_148 = tpu.memref_slice %arg5[%dma_start3A_146, %dma_start3A_147] : memref<32x1025xf32, #tpu.memory_space<vmem>> -> memref<8x128xf32, #tpu.memory_space<vmem>>
        %dma_start3A_149 = arith.constant 8 : i32
        %dma_start3A_150 = arith.constant 0 : i32
        %dma_start3A_151 = tpu.memref_slice %arg3[%dma_start3A_149, %dma_start3A_150] : memref<16x128xf32, #tpu.memory_space<hbm>> -> memref<8x128xf32, #tpu.memory_space<hbm>>
        tpu.enqueue_dma source(%dma_start3A_151 : memref<8x128xf32, #tpu.memory_space<hbm>>) target(%dma_start3A_148 : memref<8x128xf32, #tpu.memory_space<vmem>>) target_semaphore(%run_scoped3A : memref<!tpu.dma_semaphore, #tpu.memory_space<semaphore_mem>>)
        %dma_wait3A_152 = arith.constant 8 : i32
        %dma_wait3A_153 = arith.constant 0 : i32
        %dma_wait3A_154 = tpu.memref_slice %arg5[%dma_wait3A_152, %dma_wait3A_153] : memref<32x1025xf32, #tpu.memory_space<vmem>> -> memref<8x128xf32, #tpu.memory_space<vmem>>
        %dma_wait3A_155 = arith.constant 8 : i32
        %dma_wait3A_156 = arith.constant 0 : i32
        %dma_wait3A_157 = tpu.memref_slice %arg3[%dma_wait3A_155, %dma_wait3A_156] : memref<16x128xf32, #tpu.memory_space<hbm>> -> memref<8x128xf32, #tpu.memory_space<hbm>>
        %dma_wait3A_158 = arith.constant 8 : i32
        %dma_wait3A_159 = arith.constant 0 : i32
        %dma_wait3A_160 = tpu.memref_slice %arg5[%dma_wait3A_158, %dma_wait3A_159] : memref<32x1025xf32, #tpu.memory_space<vmem>> -> memref<8x128xf32, #tpu.memory_space<vmem>>
        %dma_wait3A_161 = arith.constant 8 : i32
        %dma_wait3A_162 = arith.constant 0 : i32
        %dma_wait3A_163 = tpu.memref_slice %arg3[%dma_wait3A_161, %dma_wait3A_162] : memref<16x128xf32, #tpu.memory_space<hbm>> -> memref<8x128xf32, #tpu.memory_space<hbm>>
        tpu.wait_dma2 semaphore(%run_scoped3A : memref<!tpu.dma_semaphore, #tpu.memory_space<semaphore_mem>>) src(%dma_wait3A_163 : memref<8x128xf32, #tpu.memory_space<hbm>>) dst(%dma_wait3A_160 : memref<8x128xf32, #tpu.memory_space<vmem>>)
        tpu.yield
      }) : () -> ()
      %add3A_131 = arith.constant 0 : i32
      %add3A_132 = vector.broadcast %add3A_131 : i32 to vector<16xi32>
      %add3A_133 = arith.addi %iota3A, %add3A_132 : vector<16xi32>
      %broadcast_in_dim3A = arith.constant 1 : i32
      %broadcast_in_dim3A_134 = vector.broadcast %broadcast_in_dim3A : i32 to vector<16xi32>
      %broadcast_in_dim3A_135 = arith.constant 0 : i32
      %broadcast_in_dim3A_136 = vector.broadcast %broadcast_in_dim3A_135 : i32 to vector<16xi32>
      %parallel_loop3A = arith.constant 0 : i32
      %parallel_loop3A_137 = arith.constant 64 : i32
      %parallel_loop3A_138 = arith.constant 1 : i32
      %parallel_loop3A_139 = scf.for %parallel_loop3A_140 = %parallel_loop3A to %parallel_loop3A_137 step %parallel_loop3A_138 iter_args(%parallel_loop3A_141 = %broadcast_in_dim3A_136) -> (vector<16xi32>)  : i32 {
        %parallel_loop3A_142 = tpu.vector_load_idx %arg5[%add3A_133, %parallel_loop3A_141] : memref<32x1025xf32, #tpu.memory_space<vmem>>[vector<16xi32>, vector<16xi32>], vector<16xf32>,
        %parallel_loop3A_143 = arith.constant 16 : i32
        %parallel_loop3A_144 = arith.muli %parallel_loop3A_140, %parallel_loop3A_143 : i32
        %parallel_loop3A_145 = arith.constant 0 : i32
        %parallel_loop3A_146 = arith.addi %parallel_loop3A_145, %parallel_loop3A_144 : i32
        %parallel_loop3A_147 = arith.index_cast %parallel_loop3A_146 : i32 to index
        %parallel_loop3A_148 = tpu.vector_load %arg6[%parallel_loop3A_147] {strides = array<i32>} : memref<32768xf32, #tpu.memory_space<vmem>>, vector<16xf32>,
        tpu.vector_store %arg6[%parallel_loop3A_147], %parallel_loop3A_142 {strides = array<i32>} : memref<32768xf32, #tpu.memory_space<vmem>>, vector<16xf32>,
        %parallel_loop3A_149 = arith.addi %parallel_loop3A_141, %broadcast_in_dim3A_134 : vector<16xi32>
        scf.yield %parallel_loop3A_149 : vector<16xi32>
      } {sc.loop_unroll_factor = 16 : i64, sc.parallel_access}
      "tpu.region"() ({
        %run_scoped3A = tpu.sem_alloc : memref<!tpu.dma_semaphore, #tpu.memory_space<semaphore_mem>>
        %dma_start3A_140 = arith.constant 0 : i32
        %dma_start3A_141 = tpu.memref_slice %arg6[%dma_start3A_140] : memref<32768xf32, #tpu.memory_space<vmem>> -> memref<1024xf32, #tpu.memory_space<vmem>>
        %dma_start3A_142 = arith.constant 15998976 : i32
        %dma_start3A_143 = tpu.memref_slice %arg4[%dma_start3A_142] : memref<16000000xf32, #tpu.memory_space<hbm>> -> memref<1024xf32, #tpu.memory_space<hbm>>
        %dma_start3A_144 = arith.constant 15998976 : i32
        %dma_start3A_145 = tpu.memref_slice %arg4[%dma_start3A_144] : memref<16000000xf32, #tpu.memory_space<hbm>> -> memref<1024xf32, #tpu.memory_space<hbm>>
        %dma_start3A_146 = arith.constant 0 : i32
        %dma_start3A_147 = tpu.memref_slice %arg6[%dma_start3A_146] : memref<32768xf32, #tpu.memory_space<vmem>> -> memref<1024xf32, #tpu.memory_space<vmem>>
        tpu.enqueue_dma source(%dma_start3A_147 : memref<1024xf32, #tpu.memory_space<vmem>>) target(%dma_start3A_145 : memref<1024xf32, #tpu.memory_space<hbm>>) target_semaphore(%run_scoped3A : memref<!tpu.dma_semaphore, #tpu.memory_space<semaphore_mem>>)
        %dma_wait3A_148 = arith.constant 0 : i32
        %dma_wait3A_149 = tpu.memref_slice %arg6[%dma_wait3A_148] : memref<32768xf32, #tpu.memory_space<vmem>> -> memref<1024xf32, #tpu.memory_space<vmem>>
        %dma_wait3A_150 = arith.constant 15998976 : i32
        %dma_wait3A_151 = tpu.memref_slice %arg4[%dma_wait3A_150] : memref<16000000xf32, #tpu.memory_space<hbm>> -> memref<1024xf32, #tpu.memory_space<hbm>>
        %dma_wait3A_152 = arith.constant 15998976 : i32
        %dma_wait3A_153 = tpu.memref_slice %arg4[%dma_wait3A_152] : memref<16000000xf32, #tpu.memory_space<hbm>> -> memref<1024xf32, #tpu.memory_space<hbm>>
        %dma_wait3A_154 = arith.constant 0 : i32
        %dma_wait3A_155 = tpu.memref_slice %arg6[%dma_wait3A_154] : memref<32768xf32, #tpu.memory_space<vmem>> -> memref<1024xf32, #tpu.memory_space<vmem>>
        tpu.wait_dma2 semaphore(%run_scoped3A : memref<!tpu.dma_semaphore, #tpu.memory_space<semaphore_mem>>) src(%dma_wait3A_155 : memref<1024xf32, #tpu.memory_space<vmem>>) dst(%dma_wait3A_153 : memref<1024xf32, #tpu.memory_space<hbm>>)
        tpu.yield
      }) : () -> ()
    } else {
    }
    return
  }
}

#map = affine_map<(d0, d1) -> (0, 0)>
#map1 = affine_map<(d0, d1) -> (0, 0, 0)>
module attributes {stable_mosaic.version = 14 : i64} {
  func.func @k1(%arg0: i32, %arg1: i32, %arg2: memref<1000000x16xf32, #tpu.memory_space<hbm>>, %arg3: memref<32x26x128xi32, #tpu.memory_space<hbm>>, %arg4: memref<32x26x128xi32, #tpu.memory_space<hbm>>, %arg5: memref<32x26x128xf32, #tpu.memory_space<hbm>>, %arg6: memref<2x4096x16xf32, #tpu.memory_space<hbm>>, %arg7: memref<2x4096xf32, #tpu.memory_space<hbm>>, %arg8: memref<26x128xi32, #tpu.memory_space<vmem>>, %arg9: memref<26x128xi32, #tpu.memory_space<vmem>>, %arg10: memref<26x128xf32, #tpu.memory_space<vmem>>, %arg11: memref<256x16xf32, #tpu.memory_space<vmem>>, %arg12: memref<256x16xf32, #tpu.memory_space<vmem>>, %arg13: memref<256x16xf32, #tpu.memory_space<vmem>>, %arg14: memref<256x16xf32, #tpu.memory_space<vmem>>, %arg15: memref<256xf32, #tpu.memory_space<vmem>>, %arg16: memref<4096x16xf32, #tpu.memory_space<vmem_shared>>, %arg17: memref<4096x16xf32, #tpu.memory_space<vmem_shared>>, %arg18: memref<2x!tpu.dma_semaphore, #tpu.memory_space<semaphore_mem>>, %arg19: memref<2x!tpu.dma_semaphore, #tpu.memory_space<semaphore_mem>>) attributes {dimension_semantics = [#tpu.dimension_semantics<core_parallel>, #tpu.dimension_semantics<subcore_parallel>], iteration_bounds = array<i64: 2, 16>, scalar_prefetch = 0 : i64, scratch_operands = 12 : i64, tpu.core_type = #tpu.core_type<sc_vector_subcore>, window_params = [{transform_indices = #map}, {transform_indices = #map1}, {transform_indices = #map1}, {transform_indices = #map1}, {transform_indices = #map1}, {transform_indices = #map}]} {
    %mul3A = arith.constant 2 : i32
    %mul3A_0 = arith.muli %arg1, %mul3A : i32
    %add3A = arith.addi %mul3A_0, %arg0 : i32
    %iota3A = tpu.iota {dimensions = array<i32: 0>} : vector<16xi32>
    %broadcast_in_dim3A = arith.constant 0.000000e+00 : f32
    %broadcast_in_dim3A_1 = vector.broadcast %broadcast_in_dim3A : f32 to vector<16xf32>
    %scan3A = arith.constant 0 : i32
    %scan3A_2 = arith.constant 0 : i32
    %scan3A_3 = arith.constant 256 : i32
    %scan3A_4 = arith.addi %scan3A_2, %scan3A_3 : i32
    %scan3A_5 = arith.constant 1 : i32
    %scan3A_6 = scf.for %scan3A_96 = %scan3A_2 to %scan3A_4 step %scan3A_5 iter_args(%scan3A_97 = %scan3A) -> (i32)  : i32 {
      %swap3A = arith.index_cast %scan3A_96 : i32 to index
      %swap3A_98 = arith.constant 0 : index
      %swap3A_99 = tpu.vector_load %arg14[%swap3A, %swap3A_98] {strides = array<i32>} : memref<256x16xf32, #tpu.memory_space<vmem>>, vector<16xf32>,
      tpu.vector_store %arg14[%swap3A, %swap3A_98], %broadcast_in_dim3A_1 {strides = array<i32>} : memref<256x16xf32, #tpu.memory_space<vmem>>, vector<16xf32>,
      %scan3A_100 = arith.constant 0 : i32
      scf.yield %scan3A_100 : i32
    }
    %scan3A_7 = arith.constant 256 : i32
    %mul3A_8 = arith.constant 256 : i32
    %mul3A_9 = arith.muli %arg1, %mul3A_8 : i32
    "tpu.region"() ({
      %run_scoped3A = tpu.sem_alloc : memref<!tpu.dma_semaphore, #tpu.memory_space<semaphore_mem>>
      %dma_start3A_96 = arith.constant 0 : i32
      %dma_start3A_97 = tpu.memref_slice %arg16[%mul3A_9, %dma_start3A_96] : memref<4096x16xf32, #tpu.memory_space<vmem_shared>> -> memref<256x16xf32, #tpu.memory_space<vmem_shared>>
      %dma_start3A_98 = arith.constant 0 : i32
      %dma_start3A_99 = tpu.memref_slice %arg16[%mul3A_9, %dma_start3A_98] : memref<4096x16xf32, #tpu.memory_space<vmem_shared>> -> memref<256x16xf32, #tpu.memory_space<vmem_shared>>
      tpu.enqueue_dma source(%arg14 : memref<256x16xf32, #tpu.memory_space<vmem>>) target(%dma_start3A_99 : memref<256x16xf32, #tpu.memory_space<vmem_shared>>) target_semaphore(%run_scoped3A : memref<!tpu.dma_semaphore, #tpu.memory_space<semaphore_mem>>)
      %dma_wait3A_100 = arith.constant 0 : i32
      %dma_wait3A_101 = tpu.memref_slice %arg16[%mul3A_9, %dma_wait3A_100] : memref<4096x16xf32, #tpu.memory_space<vmem_shared>> -> memref<256x16xf32, #tpu.memory_space<vmem_shared>>
      %dma_wait3A_102 = arith.constant 0 : i32
      %dma_wait3A_103 = tpu.memref_slice %arg16[%mul3A_9, %dma_wait3A_102] : memref<4096x16xf32, #tpu.memory_space<vmem_shared>> -> memref<256x16xf32, #tpu.memory_space<vmem_shared>>
      tpu.wait_dma2 semaphore(%run_scoped3A : memref<!tpu.dma_semaphore, #tpu.memory_space<semaphore_mem>>) src(%arg14 : memref<256x16xf32, #tpu.memory_space<vmem>>) dst(%dma_wait3A_103 : memref<256x16xf32, #tpu.memory_space<vmem_shared>>)
      tpu.yield
    }) : () -> ()
    "tpu.region"() ({
      %run_scoped3A = tpu.sem_alloc : memref<!tpu.dma_semaphore, #tpu.memory_space<semaphore_mem>>
      %dma_start3A_96 = arith.constant 0 : i32
      %dma_start3A_97 = tpu.memref_slice %arg17[%mul3A_9, %dma_start3A_96] : memref<4096x16xf32, #tpu.memory_space<vmem_shared>> -> memref<256x16xf32, #tpu.memory_space<vmem_shared>>
      %dma_start3A_98 = arith.constant 0 : i32
      %dma_start3A_99 = tpu.memref_slice %arg17[%mul3A_9, %dma_start3A_98] : memref<4096x16xf32, #tpu.memory_space<vmem_shared>> -> memref<256x16xf32, #tpu.memory_space<vmem_shared>>
      tpu.enqueue_dma source(%arg14 : memref<256x16xf32, #tpu.memory_space<vmem>>) target(%dma_start3A_99 : memref<256x16xf32, #tpu.memory_space<vmem_shared>>) target_semaphore(%run_scoped3A : memref<!tpu.dma_semaphore, #tpu.memory_space<semaphore_mem>>)
      %dma_wait3A_100 = arith.constant 0 : i32
      %dma_wait3A_101 = tpu.memref_slice %arg17[%mul3A_9, %dma_wait3A_100] : memref<4096x16xf32, #tpu.memory_space<vmem_shared>> -> memref<256x16xf32, #tpu.memory_space<vmem_shared>>
      %dma_wait3A_102 = arith.constant 0 : i32
      %dma_wait3A_103 = tpu.memref_slice %arg17[%mul3A_9, %dma_wait3A_102] : memref<4096x16xf32, #tpu.memory_space<vmem_shared>> -> memref<256x16xf32, #tpu.memory_space<vmem_shared>>
      tpu.wait_dma2 semaphore(%run_scoped3A : memref<!tpu.dma_semaphore, #tpu.memory_space<semaphore_mem>>) src(%arg14 : memref<256x16xf32, #tpu.memory_space<vmem>>) dst(%dma_wait3A_103 : memref<256x16xf32, #tpu.memory_space<vmem_shared>>)
      tpu.yield
    }) : () -> ()
    %barrier3A = arith.constant 0 : index
    tpu.barrier barrier_id(%barrier3A)
    "tpu.region"() ({
      %run_scoped3A = tpu.sem_alloc : memref<!tpu.dma_semaphore, #tpu.memory_space<semaphore_mem>>
      %dma_start3A_96 = arith.constant 0 : i32
      %dma_start3A_97 = arith.constant 0 : i32
      %dma_start3A_98 = tpu.memref_slice %arg3[%add3A, %dma_start3A_96, %dma_start3A_97] : memref<32x26x128xi32, #tpu.memory_space<hbm>> -> memref<1x26x128xi32, #tpu.memory_space<hbm>>
      %dma_start3A_99 = tpu.memref_squeeze %dma_start3A_98 : memref<1x26x128xi32, #tpu.memory_space<hbm>> -> memref<26x128xi32, #tpu.memory_space<hbm>>
      %dma_start3A_100 = arith.constant 0 : i32
      %dma_start3A_101 = arith.constant 0 : i32
      %dma_start3A_102 = tpu.memref_slice %arg3[%add3A, %dma_start3A_100, %dma_start3A_101] : memref<32x26x128xi32, #tpu.memory_space<hbm>> -> memref<1x26x128xi32, #tpu.memory_space<hbm>>
      %dma_start3A_103 = tpu.memref_squeeze %dma_start3A_102 : memref<1x26x128xi32, #tpu.memory_space<hbm>> -> memref<26x128xi32, #tpu.memory_space<hbm>>
      tpu.enqueue_dma source(%dma_start3A_103 : memref<26x128xi32, #tpu.memory_space<hbm>>) target(%arg8 : memref<26x128xi32, #tpu.memory_space<vmem>>) target_semaphore(%run_scoped3A : memref<!tpu.dma_semaphore, #tpu.memory_space<semaphore_mem>>)
      %dma_wait3A_104 = arith.constant 0 : i32
      %dma_wait3A_105 = arith.constant 0 : i32
      %dma_wait3A_106 = tpu.memref_slice %arg3[%add3A, %dma_wait3A_104, %dma_wait3A_105] : memref<32x26x128xi32, #tpu.memory_space<hbm>> -> memref<1x26x128xi32, #tpu.memory_space<hbm>>
      %dma_wait3A_107 = tpu.memref_squeeze %dma_wait3A_106 : memref<1x26x128xi32, #tpu.memory_space<hbm>> -> memref<26x128xi32, #tpu.memory_space<hbm>>
      %dma_wait3A_108 = arith.constant 0 : i32
      %dma_wait3A_109 = arith.constant 0 : i32
      %dma_wait3A_110 = tpu.memref_slice %arg3[%add3A, %dma_wait3A_108, %dma_wait3A_109] : memref<32x26x128xi32, #tpu.memory_space<hbm>> -> memref<1x26x128xi32, #tpu.memory_space<hbm>>
      %dma_wait3A_111 = tpu.memref_squeeze %dma_wait3A_110 : memref<1x26x128xi32, #tpu.memory_space<hbm>> -> memref<26x128xi32, #tpu.memory_space<hbm>>
      tpu.wait_dma2 semaphore(%run_scoped3A : memref<!tpu.dma_semaphore, #tpu.memory_space<semaphore_mem>>) src(%dma_wait3A_111 : memref<26x128xi32, #tpu.memory_space<hbm>>) dst(%arg8 : memref<26x128xi32, #tpu.memory_space<vmem>>)
      tpu.yield
    }) : () -> ()
    "tpu.region"() ({
      %run_scoped3A = tpu.sem_alloc : memref<!tpu.dma_semaphore, #tpu.memory_space<semaphore_mem>>
      %dma_start3A_96 = arith.constant 0 : i32
      %dma_start3A_97 = arith.constant 0 : i32
      %dma_start3A_98 = tpu.memref_slice %arg4[%add3A, %dma_start3A_96, %dma_start3A_97] : memref<32x26x128xi32, #tpu.memory_space<hbm>> -> memref<1x26x128xi32, #tpu.memory_space<hbm>>
      %dma_start3A_99 = tpu.memref_squeeze %dma_start3A_98 : memref<1x26x128xi32, #tpu.memory_space<hbm>> -> memref<26x128xi32, #tpu.memory_space<hbm>>
      %dma_start3A_100 = arith.constant 0 : i32
      %dma_start3A_101 = arith.constant 0 : i32
      %dma_start3A_102 = tpu.memref_slice %arg4[%add3A, %dma_start3A_100, %dma_start3A_101] : memref<32x26x128xi32, #tpu.memory_space<hbm>> -> memref<1x26x128xi32, #tpu.memory_space<hbm>>
      %dma_start3A_103 = tpu.memref_squeeze %dma_start3A_102 : memref<1x26x128xi32, #tpu.memory_space<hbm>> -> memref<26x128xi32, #tpu.memory_space<hbm>>
      tpu.enqueue_dma source(%dma_start3A_103 : memref<26x128xi32, #tpu.memory_space<hbm>>) target(%arg9 : memref<26x128xi32, #tpu.memory_space<vmem>>) target_semaphore(%run_scoped3A : memref<!tpu.dma_semaphore, #tpu.memory_space<semaphore_mem>>)
      %dma_wait3A_104 = arith.constant 0 : i32
      %dma_wait3A_105 = arith.constant 0 : i32
      %dma_wait3A_106 = tpu.memref_slice %arg4[%add3A, %dma_wait3A_104, %dma_wait3A_105] : memref<32x26x128xi32, #tpu.memory_space<hbm>> -> memref<1x26x128xi32, #tpu.memory_space<hbm>>
      %dma_wait3A_107 = tpu.memref_squeeze %dma_wait3A_106 : memref<1x26x128xi32, #tpu.memory_space<hbm>> -> memref<26x128xi32, #tpu.memory_space<hbm>>
      %dma_wait3A_108 = arith.constant 0 : i32
      %dma_wait3A_109 = arith.constant 0 : i32
      %dma_wait3A_110 = tpu.memref_slice %arg4[%add3A, %dma_wait3A_108, %dma_wait3A_109] : memref<32x26x128xi32, #tpu.memory_space<hbm>> -> memref<1x26x128xi32, #tpu.memory_space<hbm>>
      %dma_wait3A_111 = tpu.memref_squeeze %dma_wait3A_110 : memref<1x26x128xi32, #tpu.memory_space<hbm>> -> memref<26x128xi32, #tpu.memory_space<hbm>>
      tpu.wait_dma2 semaphore(%run_scoped3A : memref<!tpu.dma_semaphore, #tpu.memory_space<semaphore_mem>>) src(%dma_wait3A_111 : memref<26x128xi32, #tpu.memory_space<hbm>>) dst(%arg9 : memref<26x128xi32, #tpu.memory_space<vmem>>)
      tpu.yield
    }) : () -> ()
    "tpu.region"() ({
      %run_scoped3A = tpu.sem_alloc : memref<!tpu.dma_semaphore, #tpu.memory_space<semaphore_mem>>
      %dma_start3A_96 = arith.constant 0 : i32
      %dma_start3A_97 = arith.constant 0 : i32
      %dma_start3A_98 = tpu.memref_slice %arg5[%add3A, %dma_start3A_96, %dma_start3A_97] : memref<32x26x128xf32, #tpu.memory_space<hbm>> -> memref<1x26x128xf32, #tpu.memory_space<hbm>>
      %dma_start3A_99 = tpu.memref_squeeze %dma_start3A_98 : memref<1x26x128xf32, #tpu.memory_space<hbm>> -> memref<26x128xf32, #tpu.memory_space<hbm>>
      %dma_start3A_100 = arith.constant 0 : i32
      %dma_start3A_101 = arith.constant 0 : i32
      %dma_start3A_102 = tpu.memref_slice %arg5[%add3A, %dma_start3A_100, %dma_start3A_101] : memref<32x26x128xf32, #tpu.memory_space<hbm>> -> memref<1x26x128xf32, #tpu.memory_space<hbm>>
      %dma_start3A_103 = tpu.memref_squeeze %dma_start3A_102 : memref<1x26x128xf32, #tpu.memory_space<hbm>> -> memref<26x128xf32, #tpu.memory_space<hbm>>
      tpu.enqueue_dma source(%dma_start3A_103 : memref<26x128xf32, #tpu.memory_space<hbm>>) target(%arg10 : memref<26x128xf32, #tpu.memory_space<vmem>>) target_semaphore(%run_scoped3A : memref<!tpu.dma_semaphore, #tpu.memory_space<semaphore_mem>>)
      %dma_wait3A_104 = arith.constant 0 : i32
      %dma_wait3A_105 = arith.constant 0 : i32
      %dma_wait3A_106 = tpu.memref_slice %arg5[%add3A, %dma_wait3A_104, %dma_wait3A_105] : memref<32x26x128xf32, #tpu.memory_space<hbm>> -> memref<1x26x128xf32, #tpu.memory_space<hbm>>
      %dma_wait3A_107 = tpu.memref_squeeze %dma_wait3A_106 : memref<1x26x128xf32, #tpu.memory_space<hbm>> -> memref<26x128xf32, #tpu.memory_space<hbm>>
      %dma_wait3A_108 = arith.constant 0 : i32
      %dma_wait3A_109 = arith.constant 0 : i32
      %dma_wait3A_110 = tpu.memref_slice %arg5[%add3A, %dma_wait3A_108, %dma_wait3A_109] : memref<32x26x128xf32, #tpu.memory_space<hbm>> -> memref<1x26x128xf32, #tpu.memory_space<hbm>>
      %dma_wait3A_111 = tpu.memref_squeeze %dma_wait3A_110 : memref<1x26x128xf32, #tpu.memory_space<hbm>> -> memref<26x128xf32, #tpu.memory_space<hbm>>
      tpu.wait_dma2 semaphore(%run_scoped3A : memref<!tpu.dma_semaphore, #tpu.memory_space<semaphore_mem>>) src(%dma_wait3A_111 : memref<26x128xf32, #tpu.memory_space<hbm>>) dst(%arg10 : memref<26x128xf32, #tpu.memory_space<vmem>>)
      tpu.yield
    }) : () -> ()
    %dma_start3A = arith.constant 0 : i32
    %dma_start3A_10 = arith.constant 0 : i32
    %dma_start3A_11 = arith.constant 0 : i32
    %dma_start3A_12 = arith.constant 0 : i32
    %dma_start3A_13 = tpu.memref_slice %arg11[%dma_start3A_11, %dma_start3A_12] : memref<256x16xf32, #tpu.memory_space<vmem>> -> memref<128x16xf32, #tpu.memory_space<vmem>>
    %dma_start3A_14 = arith.constant 0 : i32
    %dma_start3A_15 = tpu.memref_slice %arg8[%dma_start3A, %dma_start3A_14] : memref<26x128xi32, #tpu.memory_space<vmem>> -> memref<1x128xi32, #tpu.memory_space<vmem>>
    %dma_start3A_16 = tpu.memref_squeeze %dma_start3A_15 : memref<1x128xi32, #tpu.memory_space<vmem>> -> memref<128xi32, #tpu.memory_space<vmem>>
    %dma_start3A_17 = arith.constant 0 : i32
    %dma_start3A_18 = arith.constant 0 : i32
    %dma_start3A_19 = tpu.memref_slice %arg2[%dma_start3A_17, %dma_start3A_18] : memref<1000000x16xf32, #tpu.memory_space<hbm>> -> memref<1000000x16xf32, #tpu.memory_space<hbm>>
    %dma_start3A_20 = tpu.memref_slice %arg18[%dma_start3A_10] : memref<2x!tpu.dma_semaphore, #tpu.memory_space<semaphore_mem>> -> memref<1x!tpu.dma_semaphore, #tpu.memory_space<semaphore_mem>>
    %dma_start3A_21 = tpu.memref_squeeze %dma_start3A_20 : memref<1x!tpu.dma_semaphore, #tpu.memory_space<semaphore_mem>> -> memref<!tpu.dma_semaphore, #tpu.memory_space<semaphore_mem>>
    tpu.enqueue_indirect_dma source(%dma_start3A_19 : memref<1000000x16xf32, #tpu.memory_space<hbm>>) target(%dma_start3A_13 : memref<128x16xf32, #tpu.memory_space<vmem>>) offsets(%dma_start3A_16 : memref<128xi32, #tpu.memory_space<vmem>>) semaphore(%dma_start3A_21 : memref<!tpu.dma_semaphore, #tpu.memory_space<semaphore_mem>>)
    %dma_start3A_22 = arith.constant 1 : i32
    %dma_start3A_23 = arith.constant 1 : i32
    %dma_start3A_24 = arith.constant 128 : i32
    %dma_start3A_25 = arith.constant 0 : i32
    %dma_start3A_26 = tpu.memref_slice %arg11[%dma_start3A_24, %dma_start3A_25] : memref<256x16xf32, #tpu.memory_space<vmem>> -> memref<128x16xf32, #tpu.memory_space<vmem>>
    %dma_start3A_27 = arith.constant 0 : i32
    %dma_start3A_28 = tpu.memref_slice %arg8[%dma_start3A_22, %dma_start3A_27] : memref<26x128xi32, #tpu.memory_space<vmem>> -> memref<1x128xi32, #tpu.memory_space<vmem>>
    %dma_start3A_29 = tpu.memref_squeeze %dma_start3A_28 : memref<1x128xi32, #tpu.memory_space<vmem>> -> memref<128xi32, #tpu.memory_space<vmem>>
    %dma_start3A_30 = arith.constant 0 : i32
    %dma_start3A_31 = arith.constant 0 : i32
    %dma_start3A_32 = tpu.memref_slice %arg2[%dma_start3A_30, %dma_start3A_31] : memref<1000000x16xf32, #tpu.memory_space<hbm>> -> memref<1000000x16xf32, #tpu.memory_space<hbm>>
    %dma_start3A_33 = tpu.memref_slice %arg18[%dma_start3A_23] : memref<2x!tpu.dma_semaphore, #tpu.memory_space<semaphore_mem>> -> memref<1x!tpu.dma_semaphore, #tpu.memory_space<semaphore_mem>>
    %dma_start3A_34 = tpu.memref_squeeze %dma_start3A_33 : memref<1x!tpu.dma_semaphore, #tpu.memory_space<semaphore_mem>> -> memref<!tpu.dma_semaphore, #tpu.memory_space<semaphore_mem>>
    tpu.enqueue_indirect_dma source(%dma_start3A_32 : memref<1000000x16xf32, #tpu.memory_space<hbm>>) target(%dma_start3A_26 : memref<128x16xf32, #tpu.memory_space<vmem>>) offsets(%dma_start3A_29 : memref<128xi32, #tpu.memory_space<vmem>>) semaphore(%dma_start3A_34 : memref<!tpu.dma_semaphore, #tpu.memory_space<semaphore_mem>>)
    %scan3A_35 = arith.constant 0 : i32
    %scan3A_36 = arith.constant 0 : i32
    %scan3A_37 = arith.constant 26 : i32
    %scan3A_38 = arith.addi %scan3A_36, %scan3A_37 : i32
    %scan3A_39 = arith.constant 1 : i32
    %scan3A_40 = scf.for %scan3A_96 = %scan3A_36 to %scan3A_38 step %scan3A_39 iter_args(%scan3A_97 = %scan3A_35) -> (i32)  : i32 {
      %rem3A = arith.constant 2 : i32
      %rem3A_98 = arith.remsi %scan3A_96, %rem3A : i32
      %mul3A_99 = arith.constant 128 : i32
      %mul3A_100 = arith.muli %rem3A_98, %mul3A_99 : i32
      %dma_wait3A_101 = arith.constant 0 : i32
      %dma_wait3A_102 = tpu.memref_slice %arg11[%mul3A_100, %dma_wait3A_101] : memref<256x16xf32, #tpu.memory_space<vmem>> -> memref<128x16xf32, #tpu.memory_space<vmem>>
      %dma_wait3A_103 = arith.constant 0 : i32
      %dma_wait3A_104 = tpu.memref_slice %arg8[%scan3A_96, %dma_wait3A_103] : memref<26x128xi32, #tpu.memory_space<vmem>> -> memref<1x128xi32, #tpu.memory_space<vmem>>
      %dma_wait3A_105 = tpu.memref_squeeze %dma_wait3A_104 : memref<1x128xi32, #tpu.memory_space<vmem>> -> memref<128xi32, #tpu.memory_space<vmem>>
      %dma_wait3A_106 = arith.constant 0 : i32
      %dma_wait3A_107 = arith.constant 0 : i32
      %dma_wait3A_108 = tpu.memref_slice %arg2[%dma_wait3A_106, %dma_wait3A_107] : memref<1000000x16xf32, #tpu.memory_space<hbm>> -> memref<1000000x16xf32, #tpu.memory_space<hbm>>
      %dma_wait3A_109 = tpu.memref_slice %arg18[%rem3A_98] : memref<2x!tpu.dma_semaphore, #tpu.memory_space<semaphore_mem>> -> memref<1x!tpu.dma_semaphore, #tpu.memory_space<semaphore_mem>>
      %dma_wait3A_110 = tpu.memref_squeeze %dma_wait3A_109 : memref<1x!tpu.dma_semaphore, #tpu.memory_space<semaphore_mem>> -> memref<!tpu.dma_semaphore, #tpu.memory_space<semaphore_mem>>
      tpu.wait_indirect_dma semaphore(%dma_wait3A_110 : memref<!tpu.dma_semaphore, #tpu.memory_space<semaphore_mem>>) src(%dma_wait3A_108 : memref<1000000x16xf32, #tpu.memory_space<hbm>>) dst(%dma_wait3A_102 : memref<128x16xf32, #tpu.memory_space<vmem>>)
      %ge3A = arith.constant 2 : i32
      %ge3A_111 = arith.cmpi sge, %scan3A_96, %ge3A : i32
      %convert_element_type3A = arith.extui %ge3A_111 : i1 to i32
      %cond3A = arith.constant 0 : i32
      %cond3A_112 = arith.cmpi ne, %convert_element_type3A, %cond3A : i32
      scf.if %cond3A_112 {
        %mul3A_147 = arith.constant 128 : i32
        %mul3A_148 = arith.muli %rem3A_98, %mul3A_147 : i32
        %sub3A = arith.constant 2 : i32
        %sub3A_149 = arith.subi %scan3A_96, %sub3A : i32
        %dma_wait3A_150 = arith.constant 0 : i32
        %dma_wait3A_151 = tpu.memref_slice %arg12[%mul3A_148, %dma_wait3A_150] : memref<256x16xf32, #tpu.memory_space<vmem>> -> memref<128x16xf32, #tpu.memory_space<vmem>>
        %dma_wait3A_152 = arith.constant 0 : i32
        %dma_wait3A_153 = tpu.memref_slice %arg9[%sub3A_149, %dma_wait3A_152] : memref<26x128xi32, #tpu.memory_space<vmem>> -> memref<1x128xi32, #tpu.memory_space<vmem>>
        %dma_wait3A_154 = tpu.memref_squeeze %dma_wait3A_153 : memref<1x128xi32, #tpu.memory_space<vmem>> -> memref<128xi32, #tpu.memory_space<vmem>>
        %dma_wait3A_155 = arith.constant 0 : i32
        %dma_wait3A_156 = arith.constant 0 : i32
        %dma_wait3A_157 = tpu.memref_slice %arg16[%dma_wait3A_155, %dma_wait3A_156] : memref<4096x16xf32, #tpu.memory_space<vmem_shared>> -> memref<4096x16xf32, #tpu.memory_space<vmem_shared>>
        %dma_wait3A_158 = tpu.memref_slice %arg19[%rem3A_98] : memref<2x!tpu.dma_semaphore, #tpu.memory_space<semaphore_mem>> -> memref<1x!tpu.dma_semaphore, #tpu.memory_space<semaphore_mem>>
        %dma_wait3A_159 = tpu.memref_squeeze %dma_wait3A_158 : memref<1x!tpu.dma_semaphore, #tpu.memory_space<semaphore_mem>> -> memref<!tpu.dma_semaphore, #tpu.memory_space<semaphore_mem>>
        tpu.wait_indirect_dma semaphore(%dma_wait3A_159 : memref<!tpu.dma_semaphore, #tpu.memory_space<semaphore_mem>>) src(%dma_wait3A_151 : memref<128x16xf32, #tpu.memory_space<vmem>>) dst(%dma_wait3A_157 : memref<4096x16xf32, #tpu.memory_space<vmem_shared>>)
        %mul3A_160 = arith.constant 128 : i32
        %mul3A_161 = arith.muli %rem3A_98, %mul3A_160 : i32
        %sub3A_162 = arith.constant 2 : i32
        %sub3A_163 = arith.subi %scan3A_96, %sub3A_162 : i32
        %dma_wait3A_164 = arith.constant 0 : i32
        %dma_wait3A_165 = tpu.memref_slice %arg13[%mul3A_161, %dma_wait3A_164] : memref<256x16xf32, #tpu.memory_space<vmem>> -> memref<128x16xf32, #tpu.memory_space<vmem>>
        %dma_wait3A_166 = arith.constant 0 : i32
        %dma_wait3A_167 = tpu.memref_slice %arg9[%sub3A_163, %dma_wait3A_166] : memref<26x128xi32, #tpu.memory_space<vmem>> -> memref<1x128xi32, #tpu.memory_space<vmem>>
        %dma_wait3A_168 = tpu.memref_squeeze %dma_wait3A_167 : memref<1x128xi32, #tpu.memory_space<vmem>> -> memref<128xi32, #tpu.memory_space<vmem>>
        %dma_wait3A_169 = arith.constant 0 : i32
        %dma_wait3A_170 = arith.constant 0 : i32
        %dma_wait3A_171 = tpu.memref_slice %arg17[%dma_wait3A_169, %dma_wait3A_170] : memref<4096x16xf32, #tpu.memory_space<vmem_shared>> -> memref<4096x16xf32, #tpu.memory_space<vmem_shared>>
        %dma_wait3A_172 = tpu.memref_slice %arg19[%rem3A_98] : memref<2x!tpu.dma_semaphore, #tpu.memory_space<semaphore_mem>> -> memref<1x!tpu.dma_semaphore, #tpu.memory_space<semaphore_mem>>
        %dma_wait3A_173 = tpu.memref_squeeze %dma_wait3A_172 : memref<1x!tpu.dma_semaphore, #tpu.memory_space<semaphore_mem>> -> memref<!tpu.dma_semaphore, #tpu.memory_space<semaphore_mem>>
        tpu.wait_indirect_dma semaphore(%dma_wait3A_173 : memref<!tpu.dma_semaphore, #tpu.memory_space<semaphore_mem>>) src(%dma_wait3A_165 : memref<128x16xf32, #tpu.memory_space<vmem>>) dst(%dma_wait3A_171 : memref<4096x16xf32, #tpu.memory_space<vmem_shared>>)
      } else {
      }
      %parallel_loop3A_113 = arith.constant 0 : i32
      %parallel_loop3A_114 = arith.constant 8 : i32
      %parallel_loop3A_115 = arith.constant 1 : i32
      scf.for %parallel_loop3A_147 = %parallel_loop3A_113 to %parallel_loop3A_114 step %parallel_loop3A_115  : i32 {
        %parallel_loop3A_148 = arith.constant 16 : i32
        %parallel_loop3A_149 = arith.muli %parallel_loop3A_147, %parallel_loop3A_148 : i32
        %parallel_loop3A_150 = vector.broadcast %parallel_loop3A_149 : i32 to vector<16xi32>
        %parallel_loop3A_151 = arith.addi %iota3A, %parallel_loop3A_150 : vector<16xi32>
        %parallel_loop3A_152 = arith.constant 128 : i32
        %parallel_loop3A_153 = arith.muli %rem3A_98, %parallel_loop3A_152 : i32
        %parallel_loop3A_154 = vector.broadcast %parallel_loop3A_153 : i32 to vector<16xi32>
        %parallel_loop3A_155 = arith.addi %parallel_loop3A_151, %parallel_loop3A_154 : vector<16xi32>
        %parallel_loop3A_156 = arith.constant 16 : i32
        %parallel_loop3A_157 = arith.muli %parallel_loop3A_147, %parallel_loop3A_156 : i32
        %parallel_loop3A_158 = arith.index_cast %scan3A_96 : i32 to index
        %parallel_loop3A_159 = arith.index_cast %parallel_loop3A_157 : i32 to index
        %parallel_loop3A_160 = tpu.vector_load %arg10[%parallel_loop3A_158, %parallel_loop3A_159] {strides = array<i32>} : memref<26x128xf32, #tpu.memory_space<vmem>>, vector<16xf32>,
        %parallel_loop3A_161 = arith.constant 0 : i32
        %parallel_loop3A_162 = vector.broadcast %parallel_loop3A_161 : i32 to vector<16xi32>
        %parallel_loop3A_163 = tpu.vector_load_idx %arg11[%parallel_loop3A_155, %parallel_loop3A_162] : memref<256x16xf32, #tpu.memory_space<vmem>>[vector<16xi32>, vector<16xi32>], vector<16xf32>,
        %parallel_loop3A_164 = arith.mulf %parallel_loop3A_163, %parallel_loop3A_160 : vector<16xf32>
        tpu.vector_store_idx %arg12[%parallel_loop3A_155, %parallel_loop3A_162], %parallel_loop3A_164 : memref<256x16xf32, #tpu.memory_space<vmem>>[vector<16xi32>, vector<16xi32>], vector<16xf32>,
        %parallel_loop3A_165 = arith.mulf %parallel_loop3A_164, %parallel_loop3A_164 : vector<16xf32>
        tpu.vector_store_idx %arg13[%parallel_loop3A_155, %parallel_loop3A_162], %parallel_loop3A_165 : memref<256x16xf32, #tpu.memory_space<vmem>>[vector<16xi32>, vector<16xi32>], vector<16xf32>,
        %parallel_loop3A_166 = arith.constant 1 : i32
        %parallel_loop3A_167 = vector.broadcast %parallel_loop3A_166 : i32 to vector<16xi32>
        %parallel_loop3A_168 = tpu.vector_load_idx %arg11[%parallel_loop3A_155, %parallel_loop3A_167] : memref<256x16xf32, #tpu.memory_space<vmem>>[vector<16xi32>, vector<16xi32>], vector<16xf32>,
        %parallel_loop3A_169 = arith.mulf %parallel_loop3A_168, %parallel_loop3A_160 : vector<16xf32>
        tpu.vector_store_idx %arg12[%parallel_loop3A_155, %parallel_loop3A_167], %parallel_loop3A_169 : memref<256x16xf32, #tpu.memory_space<vmem>>[vector<16xi32>, vector<16xi32>], vector<16xf32>,
        %parallel_loop3A_170 = arith.mulf %parallel_loop3A_169, %parallel_loop3A_169 : vector<16xf32>
        tpu.vector_store_idx %arg13[%parallel_loop3A_155, %parallel_loop3A_167], %parallel_loop3A_170 : memref<256x16xf32, #tpu.memory_space<vmem>>[vector<16xi32>, vector<16xi32>], vector<16xf32>,
        %parallel_loop3A_171 = arith.constant 2 : i32
        %parallel_loop3A_172 = vector.broadcast %parallel_loop3A_171 : i32 to vector<16xi32>
        %parallel_loop3A_173 = tpu.vector_load_idx %arg11[%parallel_loop3A_155, %parallel_loop3A_172] : memref<256x16xf32, #tpu.memory_space<vmem>>[vector<16xi32>, vector<16xi32>], vector<16xf32>,
        %parallel_loop3A_174 = arith.mulf %parallel_loop3A_173, %parallel_loop3A_160 : vector<16xf32>
        tpu.vector_store_idx %arg12[%parallel_loop3A_155, %parallel_loop3A_172], %parallel_loop3A_174 : memref<256x16xf32, #tpu.memory_space<vmem>>[vector<16xi32>, vector<16xi32>], vector<16xf32>,
        %parallel_loop3A_175 = arith.mulf %parallel_loop3A_174, %parallel_loop3A_174 : vector<16xf32>
        tpu.vector_store_idx %arg13[%parallel_loop3A_155, %parallel_loop3A_172], %parallel_loop3A_175 : memref<256x16xf32, #tpu.memory_space<vmem>>[vector<16xi32>, vector<16xi32>], vector<16xf32>,
        %parallel_loop3A_176 = arith.constant 3 : i32
        %parallel_loop3A_177 = vector.broadcast %parallel_loop3A_176 : i32 to vector<16xi32>
        %parallel_loop3A_178 = tpu.vector_load_idx %arg11[%parallel_loop3A_155, %parallel_loop3A_177] : memref<256x16xf32, #tpu.memory_space<vmem>>[vector<16xi32>, vector<16xi32>], vector<16xf32>,
        %parallel_loop3A_179 = arith.mulf %parallel_loop3A_178, %parallel_loop3A_160 : vector<16xf32>
        tpu.vector_store_idx %arg12[%parallel_loop3A_155, %parallel_loop3A_177], %parallel_loop3A_179 : memref<256x16xf32, #tpu.memory_space<vmem>>[vector<16xi32>, vector<16xi32>], vector<16xf32>,
        %parallel_loop3A_180 = arith.mulf %parallel_loop3A_179, %parallel_loop3A_179 : vector<16xf32>
        tpu.vector_store_idx %arg13[%parallel_loop3A_155, %parallel_loop3A_177], %parallel_loop3A_180 : memref<256x16xf32, #tpu.memory_space<vmem>>[vector<16xi32>, vector<16xi32>], vector<16xf32>,
        %parallel_loop3A_181 = arith.constant 4 : i32
        %parallel_loop3A_182 = vector.broadcast %parallel_loop3A_181 : i32 to vector<16xi32>
        %parallel_loop3A_183 = tpu.vector_load_idx %arg11[%parallel_loop3A_155, %parallel_loop3A_182] : memref<256x16xf32, #tpu.memory_space<vmem>>[vector<16xi32>, vector<16xi32>], vector<16xf32>,
        %parallel_loop3A_184 = arith.mulf %parallel_loop3A_183, %parallel_loop3A_160 : vector<16xf32>
        tpu.vector_store_idx %arg12[%parallel_loop3A_155, %parallel_loop3A_182], %parallel_loop3A_184 : memref<256x16xf32, #tpu.memory_space<vmem>>[vector<16xi32>, vector<16xi32>], vector<16xf32>,
        %parallel_loop3A_185 = arith.mulf %parallel_loop3A_184, %parallel_loop3A_184 : vector<16xf32>
        tpu.vector_store_idx %arg13[%parallel_loop3A_155, %parallel_loop3A_182], %parallel_loop3A_185 : memref<256x16xf32, #tpu.memory_space<vmem>>[vector<16xi32>, vector<16xi32>], vector<16xf32>,
        %parallel_loop3A_186 = arith.constant 5 : i32
        %parallel_loop3A_187 = vector.broadcast %parallel_loop3A_186 : i32 to vector<16xi32>
        %parallel_loop3A_188 = tpu.vector_load_idx %arg11[%parallel_loop3A_155, %parallel_loop3A_187] : memref<256x16xf32, #tpu.memory_space<vmem>>[vector<16xi32>, vector<16xi32>], vector<16xf32>,
        %parallel_loop3A_189 = arith.mulf %parallel_loop3A_188, %parallel_loop3A_160 : vector<16xf32>
        tpu.vector_store_idx %arg12[%parallel_loop3A_155, %parallel_loop3A_187], %parallel_loop3A_189 : memref<256x16xf32, #tpu.memory_space<vmem>>[vector<16xi32>, vector<16xi32>], vector<16xf32>,
        %parallel_loop3A_190 = arith.mulf %parallel_loop3A_189, %parallel_loop3A_189 : vector<16xf32>
        tpu.vector_store_idx %arg13[%parallel_loop3A_155, %parallel_loop3A_187], %parallel_loop3A_190 : memref<256x16xf32, #tpu.memory_space<vmem>>[vector<16xi32>, vector<16xi32>], vector<16xf32>,
        %parallel_loop3A_191 = arith.constant 6 : i32
        %parallel_loop3A_192 = vector.broadcast %parallel_loop3A_191 : i32 to vector<16xi32>
        %parallel_loop3A_193 = tpu.vector_load_idx %arg11[%parallel_loop3A_155, %parallel_loop3A_192] : memref<256x16xf32, #tpu.memory_space<vmem>>[vector<16xi32>, vector<16xi32>], vector<16xf32>,
        %parallel_loop3A_194 = arith.mulf %parallel_loop3A_193, %parallel_loop3A_160 : vector<16xf32>
        tpu.vector_store_idx %arg12[%parallel_loop3A_155, %parallel_loop3A_192], %parallel_loop3A_194 : memref<256x16xf32, #tpu.memory_space<vmem>>[vector<16xi32>, vector<16xi32>], vector<16xf32>,
        %parallel_loop3A_195 = arith.mulf %parallel_loop3A_194, %parallel_loop3A_194 : vector<16xf32>
        tpu.vector_store_idx %arg13[%parallel_loop3A_155, %parallel_loop3A_192], %parallel_loop3A_195 : memref<256x16xf32, #tpu.memory_space<vmem>>[vector<16xi32>, vector<16xi32>], vector<16xf32>,
        %parallel_loop3A_196 = arith.constant 7 : i32
        %parallel_loop3A_197 = vector.broadcast %parallel_loop3A_196 : i32 to vector<16xi32>
        %parallel_loop3A_198 = tpu.vector_load_idx %arg11[%parallel_loop3A_155, %parallel_loop3A_197] : memref<256x16xf32, #tpu.memory_space<vmem>>[vector<16xi32>, vector<16xi32>], vector<16xf32>,
        %parallel_loop3A_199 = arith.mulf %parallel_loop3A_198, %parallel_loop3A_160 : vector<16xf32>
        tpu.vector_store_idx %arg12[%parallel_loop3A_155, %parallel_loop3A_197], %parallel_loop3A_199 : memref<256x16xf32, #tpu.memory_space<vmem>>[vector<16xi32>, vector<16xi32>], vector<16xf32>,
        %parallel_loop3A_200 = arith.mulf %parallel_loop3A_199, %parallel_loop3A_199 : vector<16xf32>
        tpu.vector_store_idx %arg13[%parallel_loop3A_155, %parallel_loop3A_197], %parallel_loop3A_200 : memref<256x16xf32, #tpu.memory_space<vmem>>[vector<16xi32>, vector<16xi32>], vector<16xf32>,
        %parallel_loop3A_201 = arith.constant 8 : i32
        %parallel_loop3A_202 = vector.broadcast %parallel_loop3A_201 : i32 to vector<16xi32>
        %parallel_loop3A_203 = tpu.vector_load_idx %arg11[%parallel_loop3A_155, %parallel_loop3A_202] : memref<256x16xf32, #tpu.memory_space<vmem>>[vector<16xi32>, vector<16xi32>], vector<16xf32>,
        %parallel_loop3A_204 = arith.mulf %parallel_loop3A_203, %parallel_loop3A_160 : vector<16xf32>
        tpu.vector_store_idx %arg12[%parallel_loop3A_155, %parallel_loop3A_202], %parallel_loop3A_204 : memref<256x16xf32, #tpu.memory_space<vmem>>[vector<16xi32>, vector<16xi32>], vector<16xf32>,
        %parallel_loop3A_205 = arith.mulf %parallel_loop3A_204, %parallel_loop3A_204 : vector<16xf32>
        tpu.vector_store_idx %arg13[%parallel_loop3A_155, %parallel_loop3A_202], %parallel_loop3A_205 : memref<256x16xf32, #tpu.memory_space<vmem>>[vector<16xi32>, vector<16xi32>], vector<16xf32>,
        %parallel_loop3A_206 = arith.constant 9 : i32
        %parallel_loop3A_207 = vector.broadcast %parallel_loop3A_206 : i32 to vector<16xi32>
        %parallel_loop3A_208 = tpu.vector_load_idx %arg11[%parallel_loop3A_155, %parallel_loop3A_207] : memref<256x16xf32, #tpu.memory_space<vmem>>[vector<16xi32>, vector<16xi32>], vector<16xf32>,
        %parallel_loop3A_209 = arith.mulf %parallel_loop3A_208, %parallel_loop3A_160 : vector<16xf32>
        tpu.vector_store_idx %arg12[%parallel_loop3A_155, %parallel_loop3A_207], %parallel_loop3A_209 : memref<256x16xf32, #tpu.memory_space<vmem>>[vector<16xi32>, vector<16xi32>], vector<16xf32>,
        %parallel_loop3A_210 = arith.mulf %parallel_loop3A_209, %parallel_loop3A_209 : vector<16xf32>
        tpu.vector_store_idx %arg13[%parallel_loop3A_155, %parallel_loop3A_207], %parallel_loop3A_210 : memref<256x16xf32, #tpu.memory_space<vmem>>[vector<16xi32>, vector<16xi32>], vector<16xf32>,
        %parallel_loop3A_211 = arith.constant 10 : i32
        %parallel_loop3A_212 = vector.broadcast %parallel_loop3A_211 : i32 to vector<16xi32>
        %parallel_loop3A_213 = tpu.vector_load_idx %arg11[%parallel_loop3A_155, %parallel_loop3A_212] : memref<256x16xf32, #tpu.memory_space<vmem>>[vector<16xi32>, vector<16xi32>], vector<16xf32>,
        %parallel_loop3A_214 = arith.mulf %parallel_loop3A_213, %parallel_loop3A_160 : vector<16xf32>
        tpu.vector_store_idx %arg12[%parallel_loop3A_155, %parallel_loop3A_212], %parallel_loop3A_214 : memref<256x16xf32, #tpu.memory_space<vmem>>[vector<16xi32>, vector<16xi32>], vector<16xf32>,
        %parallel_loop3A_215 = arith.mulf %parallel_loop3A_214, %parallel_loop3A_214 : vector<16xf32>
        tpu.vector_store_idx %arg13[%parallel_loop3A_155, %parallel_loop3A_212], %parallel_loop3A_215 : memref<256x16xf32, #tpu.memory_space<vmem>>[vector<16xi32>, vector<16xi32>], vector<16xf32>,
        %parallel_loop3A_216 = arith.constant 11 : i32
        %parallel_loop3A_217 = vector.broadcast %parallel_loop3A_216 : i32 to vector<16xi32>
        %parallel_loop3A_218 = tpu.vector_load_idx %arg11[%parallel_loop3A_155, %parallel_loop3A_217] : memref<256x16xf32, #tpu.memory_space<vmem>>[vector<16xi32>, vector<16xi32>], vector<16xf32>,
        %parallel_loop3A_219 = arith.mulf %parallel_loop3A_218, %parallel_loop3A_160 : vector<16xf32>
        tpu.vector_store_idx %arg12[%parallel_loop3A_155, %parallel_loop3A_217], %parallel_loop3A_219 : memref<256x16xf32, #tpu.memory_space<vmem>>[vector<16xi32>, vector<16xi32>], vector<16xf32>,
        %parallel_loop3A_220 = arith.mulf %parallel_loop3A_219, %parallel_loop3A_219 : vector<16xf32>
        tpu.vector_store_idx %arg13[%parallel_loop3A_155, %parallel_loop3A_217], %parallel_loop3A_220 : memref<256x16xf32, #tpu.memory_space<vmem>>[vector<16xi32>, vector<16xi32>], vector<16xf32>,
        %parallel_loop3A_221 = arith.constant 12 : i32
        %parallel_loop3A_222 = vector.broadcast %parallel_loop3A_221 : i32 to vector<16xi32>
        %parallel_loop3A_223 = tpu.vector_load_idx %arg11[%parallel_loop3A_155, %parallel_loop3A_222] : memref<256x16xf32, #tpu.memory_space<vmem>>[vector<16xi32>, vector<16xi32>], vector<16xf32>,
        %parallel_loop3A_224 = arith.mulf %parallel_loop3A_223, %parallel_loop3A_160 : vector<16xf32>
        tpu.vector_store_idx %arg12[%parallel_loop3A_155, %parallel_loop3A_222], %parallel_loop3A_224 : memref<256x16xf32, #tpu.memory_space<vmem>>[vector<16xi32>, vector<16xi32>], vector<16xf32>,
        %parallel_loop3A_225 = arith.mulf %parallel_loop3A_224, %parallel_loop3A_224 : vector<16xf32>
        tpu.vector_store_idx %arg13[%parallel_loop3A_155, %parallel_loop3A_222], %parallel_loop3A_225 : memref<256x16xf32, #tpu.memory_space<vmem>>[vector<16xi32>, vector<16xi32>], vector<16xf32>,
        %parallel_loop3A_226 = arith.constant 13 : i32
        %parallel_loop3A_227 = vector.broadcast %parallel_loop3A_226 : i32 to vector<16xi32>
        %parallel_loop3A_228 = tpu.vector_load_idx %arg11[%parallel_loop3A_155, %parallel_loop3A_227] : memref<256x16xf32, #tpu.memory_space<vmem>>[vector<16xi32>, vector<16xi32>], vector<16xf32>,
        %parallel_loop3A_229 = arith.mulf %parallel_loop3A_228, %parallel_loop3A_160 : vector<16xf32>
        tpu.vector_store_idx %arg12[%parallel_loop3A_155, %parallel_loop3A_227], %parallel_loop3A_229 : memref<256x16xf32, #tpu.memory_space<vmem>>[vector<16xi32>, vector<16xi32>], vector<16xf32>,
        %parallel_loop3A_230 = arith.mulf %parallel_loop3A_229, %parallel_loop3A_229 : vector<16xf32>
        tpu.vector_store_idx %arg13[%parallel_loop3A_155, %parallel_loop3A_227], %parallel_loop3A_230 : memref<256x16xf32, #tpu.memory_space<vmem>>[vector<16xi32>, vector<16xi32>], vector<16xf32>,
        %parallel_loop3A_231 = arith.constant 14 : i32
        %parallel_loop3A_232 = vector.broadcast %parallel_loop3A_231 : i32 to vector<16xi32>
        %parallel_loop3A_233 = tpu.vector_load_idx %arg11[%parallel_loop3A_155, %parallel_loop3A_232] : memref<256x16xf32, #tpu.memory_space<vmem>>[vector<16xi32>, vector<16xi32>], vector<16xf32>,
        %parallel_loop3A_234 = arith.mulf %parallel_loop3A_233, %parallel_loop3A_160 : vector<16xf32>
        tpu.vector_store_idx %arg12[%parallel_loop3A_155, %parallel_loop3A_232], %parallel_loop3A_234 : memref<256x16xf32, #tpu.memory_space<vmem>>[vector<16xi32>, vector<16xi32>], vector<16xf32>,
        %parallel_loop3A_235 = arith.mulf %parallel_loop3A_234, %parallel_loop3A_234 : vector<16xf32>
        tpu.vector_store_idx %arg13[%parallel_loop3A_155, %parallel_loop3A_232], %parallel_loop3A_235 : memref<256x16xf32, #tpu.memory_space<vmem>>[vector<16xi32>, vector<16xi32>], vector<16xf32>,
        %parallel_loop3A_236 = arith.constant 15 : i32
        %parallel_loop3A_237 = vector.broadcast %parallel_loop3A_236 : i32 to vector<16xi32>
        %parallel_loop3A_238 = tpu.vector_load_idx %arg11[%parallel_loop3A_155, %parallel_loop3A_237] : memref<256x16xf32, #tpu.memory_space<vmem>>[vector<16xi32>, vector<16xi32>], vector<16xf32>,
        %parallel_loop3A_239 = arith.mulf %parallel_loop3A_238, %parallel_loop3A_160 : vector<16xf32>
        tpu.vector_store_idx %arg12[%parallel_loop3A_155, %parallel_loop3A_237], %parallel_loop3A_239 : memref<256x16xf32, #tpu.memory_space<vmem>>[vector<16xi32>, vector<16xi32>], vector<16xf32>,
        %parallel_loop3A_240 = arith.mulf %parallel_loop3A_239, %parallel_loop3A_239 : vector<16xf32>
        tpu.vector_store_idx %arg13[%parallel_loop3A_155, %parallel_loop3A_237], %parallel_loop3A_240 : memref<256x16xf32, #tpu.memory_space<vmem>>[vector<16xi32>, vector<16xi32>], vector<16xf32>,
      } {sc.loop_unroll_factor = 2 : i64, sc.parallel_access}
      %mul3A_116 = arith.constant 128 : i32
      %mul3A_117 = arith.muli %rem3A_98, %mul3A_116 : i32
      %dma_start3A_118 = arith.constant 0 : i32
      %dma_start3A_119 = tpu.memref_slice %arg12[%mul3A_117, %dma_start3A_118] : memref<256x16xf32, #tpu.memory_space<vmem>> -> memref<128x16xf32, #tpu.memory_space<vmem>>
      %dma_start3A_120 = arith.constant 0 : i32
      %dma_start3A_121 = tpu.memref_slice %arg9[%scan3A_96, %dma_start3A_120] : memref<26x128xi32, #tpu.memory_space<vmem>> -> memref<1x128xi32, #tpu.memory_space<vmem>>
      %dma_start3A_122 = tpu.memref_squeeze %dma_start3A_121 : memref<1x128xi32, #tpu.memory_space<vmem>> -> memref<128xi32, #tpu.memory_space<vmem>>
      %dma_start3A_123 = arith.constant 0 : i32
      %dma_start3A_124 = arith.constant 0 : i32
      %dma_start3A_125 = tpu.memref_slice %arg16[%dma_start3A_123, %dma_start3A_124] : memref<4096x16xf32, #tpu.memory_space<vmem_shared>> -> memref<4096x16xf32, #tpu.memory_space<vmem_shared>>
      %dma_start3A_126 = tpu.memref_slice %arg19[%rem3A_98] : memref<2x!tpu.dma_semaphore, #tpu.memory_space<semaphore_mem>> -> memref<1x!tpu.dma_semaphore, #tpu.memory_space<semaphore_mem>>
      %dma_start3A_127 = tpu.memref_squeeze %dma_start3A_126 : memref<1x!tpu.dma_semaphore, #tpu.memory_space<semaphore_mem>> -> memref<!tpu.dma_semaphore, #tpu.memory_space<semaphore_mem>>
      tpu.enqueue_indirect_dma source(%dma_start3A_119 : memref<128x16xf32, #tpu.memory_space<vmem>>) target(%dma_start3A_125 : memref<4096x16xf32, #tpu.memory_space<vmem_shared>>) offsets(%dma_start3A_122 : memref<128xi32, #tpu.memory_space<vmem>>) semaphore(%dma_start3A_127 : memref<!tpu.dma_semaphore, #tpu.memory_space<semaphore_mem>>) {add = true}
      %mul3A_128 = arith.constant 128 : i32
      %mul3A_129 = arith.muli %rem3A_98, %mul3A_128 : i32
      %dma_start3A_130 = arith.constant 0 : i32
      %dma_start3A_131 = tpu.memref_slice %arg13[%mul3A_129, %dma_start3A_130] : memref<256x16xf32, #tpu.memory_space<vmem>> -> memref<128x16xf32, #tpu.memory_space<vmem>>
      %dma_start3A_132 = arith.constant 0 : i32
      %dma_start3A_133 = tpu.memref_slice %arg9[%scan3A_96, %dma_start3A_132] : memref<26x128xi32, #tpu.memory_space<vmem>> -> memref<1x128xi32, #tpu.memory_space<vmem>>
      %dma_start3A_134 = tpu.memref_squeeze %dma_start3A_133 : memref<1x128xi32, #tpu.memory_space<vmem>> -> memref<128xi32, #tpu.memory_space<vmem>>
      %dma_start3A_135 = arith.constant 0 : i32
      %dma_start3A_136 = arith.constant 0 : i32
      %dma_start3A_137 = tpu.memref_slice %arg17[%dma_start3A_135, %dma_start3A_136] : memref<4096x16xf32, #tpu.memory_space<vmem_shared>> -> memref<4096x16xf32, #tpu.memory_space<vmem_shared>>
      %dma_start3A_138 = tpu.memref_slice %arg19[%rem3A_98] : memref<2x!tpu.dma_semaphore, #tpu.memory_space<semaphore_mem>> -> memref<1x!tpu.dma_semaphore, #tpu.memory_space<semaphore_mem>>
      %dma_start3A_139 = tpu.memref_squeeze %dma_start3A_138 : memref<1x!tpu.dma_semaphore, #tpu.memory_space<semaphore_mem>> -> memref<!tpu.dma_semaphore, #tpu.memory_space<semaphore_mem>>
      tpu.enqueue_indirect_dma source(%dma_start3A_131 : memref<128x16xf32, #tpu.memory_space<vmem>>) target(%dma_start3A_137 : memref<4096x16xf32, #tpu.memory_space<vmem_shared>>) offsets(%dma_start3A_134 : memref<128xi32, #tpu.memory_space<vmem>>) semaphore(%dma_start3A_139 : memref<!tpu.dma_semaphore, #tpu.memory_space<semaphore_mem>>) {add = true}
      %add3A_140 = arith.constant 2 : i32
      %add3A_141 = arith.addi %scan3A_96, %add3A_140 : i32
      %lt3A = arith.constant 26 : i32
      %lt3A_142 = arith.cmpi slt, %add3A_141, %lt3A : i32
      %convert_element_type3A_143 = arith.extui %lt3A_142 : i1 to i32
      %cond3A_144 = arith.constant 0 : i32
      %cond3A_145 = arith.cmpi ne, %convert_element_type3A_143, %cond3A_144 : i32
      scf.if %cond3A_145 {
        %add3A_147 = arith.constant 2 : i32
        %add3A_148 = arith.addi %scan3A_96, %add3A_147 : i32
        %mul3A_149 = arith.constant 128 : i32
        %mul3A_150 = arith.muli %rem3A_98, %mul3A_149 : i32
        %dma_start3A_151 = arith.constant 0 : i32
        %dma_start3A_152 = tpu.memref_slice %arg11[%mul3A_150, %dma_start3A_151] : memref<256x16xf32, #tpu.memory_space<vmem>> -> memref<128x16xf32, #tpu.memory_space<vmem>>
        %dma_start3A_153 = arith.constant 0 : i32
        %dma_start3A_154 = tpu.memref_slice %arg8[%add3A_148, %dma_start3A_153] : memref<26x128xi32, #tpu.memory_space<vmem>> -> memref<1x128xi32, #tpu.memory_space<vmem>>
        %dma_start3A_155 = tpu.memref_squeeze %dma_start3A_154 : memref<1x128xi32, #tpu.memory_space<vmem>> -> memref<128xi32, #tpu.memory_space<vmem>>
        %dma_start3A_156 = arith.constant 0 : i32
        %dma_start3A_157 = arith.constant 0 : i32
        %dma_start3A_158 = tpu.memref_slice %arg2[%dma_start3A_156, %dma_start3A_157] : memref<1000000x16xf32, #tpu.memory_space<hbm>> -> memref<1000000x16xf32, #tpu.memory_space<hbm>>
        %dma_start3A_159 = tpu.memref_slice %arg18[%rem3A_98] : memref<2x!tpu.dma_semaphore, #tpu.memory_space<semaphore_mem>> -> memref<1x!tpu.dma_semaphore, #tpu.memory_space<semaphore_mem>>
        %dma_start3A_160 = tpu.memref_squeeze %dma_start3A_159 : memref<1x!tpu.dma_semaphore, #tpu.memory_space<semaphore_mem>> -> memref<!tpu.dma_semaphore, #tpu.memory_space<semaphore_mem>>
        tpu.enqueue_indirect_dma source(%dma_start3A_158 : memref<1000000x16xf32, #tpu.memory_space<hbm>>) target(%dma_start3A_152 : memref<128x16xf32, #tpu.memory_space<vmem>>) offsets(%dma_start3A_155 : memref<128xi32, #tpu.memory_space<vmem>>) semaphore(%dma_start3A_160 : memref<!tpu.dma_semaphore, #tpu.memory_space<semaphore_mem>>)
      } else {
      }
      %scan3A_146 = arith.constant 0 : i32
      scf.yield %scan3A_146 : i32
    }
    %scan3A_41 = arith.constant 26 : i32
    %dma_wait3A = arith.constant 24 : i32
    %dma_wait3A_42 = arith.constant 0 : i32
    %dma_wait3A_43 = arith.constant 0 : i32
    %dma_wait3A_44 = arith.constant 0 : i32
    %dma_wait3A_45 = tpu.memref_slice %arg12[%dma_wait3A_43, %dma_wait3A_44] : memref<256x16xf32, #tpu.memory_space<vmem>> -> memref<128x16xf32, #tpu.memory_space<vmem>>
    %dma_wait3A_46 = arith.constant 0 : i32
    %dma_wait3A_47 = tpu.memref_slice %arg9[%dma_wait3A, %dma_wait3A_46] : memref<26x128xi32, #tpu.memory_space<vmem>> -> memref<1x128xi32, #tpu.memory_space<vmem>>
    %dma_wait3A_48 = tpu.memref_squeeze %dma_wait3A_47 : memref<1x128xi32, #tpu.memory_space<vmem>> -> memref<128xi32, #tpu.memory_space<vmem>>
    %dma_wait3A_49 = arith.constant 0 : i32
    %dma_wait3A_50 = arith.constant 0 : i32
    %dma_wait3A_51 = tpu.memref_slice %arg16[%dma_wait3A_49, %dma_wait3A_50] : memref<4096x16xf32, #tpu.memory_space<vmem_shared>> -> memref<4096x16xf32, #tpu.memory_space<vmem_shared>>
    %dma_wait3A_52 = tpu.memref_slice %arg19[%dma_wait3A_42] : memref<2x!tpu.dma_semaphore, #tpu.memory_space<semaphore_mem>> -> memref<1x!tpu.dma_semaphore, #tpu.memory_space<semaphore_mem>>
    %dma_wait3A_53 = tpu.memref_squeeze %dma_wait3A_52 : memref<1x!tpu.dma_semaphore, #tpu.memory_space<semaphore_mem>> -> memref<!tpu.dma_semaphore, #tpu.memory_space<semaphore_mem>>
    tpu.wait_indirect_dma semaphore(%dma_wait3A_53 : memref<!tpu.dma_semaphore, #tpu.memory_space<semaphore_mem>>) src(%dma_wait3A_45 : memref<128x16xf32, #tpu.memory_space<vmem>>) dst(%dma_wait3A_51 : memref<4096x16xf32, #tpu.memory_space<vmem_shared>>)
    %dma_wait3A_54 = arith.constant 24 : i32
    %dma_wait3A_55 = arith.constant 0 : i32
    %dma_wait3A_56 = arith.constant 0 : i32
    %dma_wait3A_57 = arith.constant 0 : i32
    %dma_wait3A_58 = tpu.memref_slice %arg13[%dma_wait3A_56, %dma_wait3A_57] : memref<256x16xf32, #tpu.memory_space<vmem>> -> memref<128x16xf32, #tpu.memory_space<vmem>>
    %dma_wait3A_59 = arith.constant 0 : i32
    %dma_wait3A_60 = tpu.memref_slice %arg9[%dma_wait3A_54, %dma_wait3A_59] : memref<26x128xi32, #tpu.memory_space<vmem>> -> memref<1x128xi32, #tpu.memory_space<vmem>>
    %dma_wait3A_61 = tpu.memref_squeeze %dma_wait3A_60 : memref<1x128xi32, #tpu.memory_space<vmem>> -> memref<128xi32, #tpu.memory_space<vmem>>
    %dma_wait3A_62 = arith.constant 0 : i32
    %dma_wait3A_63 = arith.constant 0 : i32
    %dma_wait3A_64 = tpu.memref_slice %arg17[%dma_wait3A_62, %dma_wait3A_63] : memref<4096x16xf32, #tpu.memory_space<vmem_shared>> -> memref<4096x16xf32, #tpu.memory_space<vmem_shared>>
    %dma_wait3A_65 = tpu.memref_slice %arg19[%dma_wait3A_55] : memref<2x!tpu.dma_semaphore, #tpu.memory_space<semaphore_mem>> -> memref<1x!tpu.dma_semaphore, #tpu.memory_space<semaphore_mem>>
    %dma_wait3A_66 = tpu.memref_squeeze %dma_wait3A_65 : memref<1x!tpu.dma_semaphore, #tpu.memory_space<semaphore_mem>> -> memref<!tpu.dma_semaphore, #tpu.memory_space<semaphore_mem>>
    tpu.wait_indirect_dma semaphore(%dma_wait3A_66 : memref<!tpu.dma_semaphore, #tpu.memory_space<semaphore_mem>>) src(%dma_wait3A_58 : memref<128x16xf32, #tpu.memory_space<vmem>>) dst(%dma_wait3A_64 : memref<4096x16xf32, #tpu.memory_space<vmem_shared>>)
    %dma_wait3A_67 = arith.constant 25 : i32
    %dma_wait3A_68 = arith.constant 1 : i32
    %dma_wait3A_69 = arith.constant 128 : i32
    %dma_wait3A_70 = arith.constant 0 : i32
    %dma_wait3A_71 = tpu.memref_slice %arg12[%dma_wait3A_69, %dma_wait3A_70] : memref<256x16xf32, #tpu.memory_space<vmem>> -> memref<128x16xf32, #tpu.memory_space<vmem>>
    %dma_wait3A_72 = arith.constant 0 : i32
    %dma_wait3A_73 = tpu.memref_slice %arg9[%dma_wait3A_67, %dma_wait3A_72] : memref<26x128xi32, #tpu.memory_space<vmem>> -> memref<1x128xi32, #tpu.memory_space<vmem>>
    %dma_wait3A_74 = tpu.memref_squeeze %dma_wait3A_73 : memref<1x128xi32, #tpu.memory_space<vmem>> -> memref<128xi32, #tpu.memory_space<vmem>>
    %dma_wait3A_75 = arith.constant 0 : i32
    %dma_wait3A_76 = arith.constant 0 : i32
    %dma_wait3A_77 = tpu.memref_slice %arg16[%dma_wait3A_75, %dma_wait3A_76] : memref<4096x16xf32, #tpu.memory_space<vmem_shared>> -> memref<4096x16xf32, #tpu.memory_space<vmem_shared>>
    %dma_wait3A_78 = tpu.memref_slice %arg19[%dma_wait3A_68] : memref<2x!tpu.dma_semaphore, #tpu.memory_space<semaphore_mem>> -> memref<1x!tpu.dma_semaphore, #tpu.memory_space<semaphore_mem>>
    %dma_wait3A_79 = tpu.memref_squeeze %dma_wait3A_78 : memref<1x!tpu.dma_semaphore, #tpu.memory_space<semaphore_mem>> -> memref<!tpu.dma_semaphore, #tpu.memory_space<semaphore_mem>>
    tpu.wait_indirect_dma semaphore(%dma_wait3A_79 : memref<!tpu.dma_semaphore, #tpu.memory_space<semaphore_mem>>) src(%dma_wait3A_71 : memref<128x16xf32, #tpu.memory_space<vmem>>) dst(%dma_wait3A_77 : memref<4096x16xf32, #tpu.memory_space<vmem_shared>>)
    %dma_wait3A_80 = arith.constant 25 : i32
    %dma_wait3A_81 = arith.constant 1 : i32
    %dma_wait3A_82 = arith.constant 128 : i32
    %dma_wait3A_83 = arith.constant 0 : i32
    %dma_wait3A_84 = tpu.memref_slice %arg13[%dma_wait3A_82, %dma_wait3A_83] : memref<256x16xf32, #tpu.memory_space<vmem>> -> memref<128x16xf32, #tpu.memory_space<vmem>>
    %dma_wait3A_85 = arith.constant 0 : i32
    %dma_wait3A_86 = tpu.memref_slice %arg9[%dma_wait3A_80, %dma_wait3A_85] : memref<26x128xi32, #tpu.memory_space<vmem>> -> memref<1x128xi32, #tpu.memory_space<vmem>>
    %dma_wait3A_87 = tpu.memref_squeeze %dma_wait3A_86 : memref<1x128xi32, #tpu.memory_space<vmem>> -> memref<128xi32, #tpu.memory_space<vmem>>
    %dma_wait3A_88 = arith.constant 0 : i32
    %dma_wait3A_89 = arith.constant 0 : i32
    %dma_wait3A_90 = tpu.memref_slice %arg17[%dma_wait3A_88, %dma_wait3A_89] : memref<4096x16xf32, #tpu.memory_space<vmem_shared>> -> memref<4096x16xf32, #tpu.memory_space<vmem_shared>>
    %dma_wait3A_91 = tpu.memref_slice %arg19[%dma_wait3A_81] : memref<2x!tpu.dma_semaphore, #tpu.memory_space<semaphore_mem>> -> memref<1x!tpu.dma_semaphore, #tpu.memory_space<semaphore_mem>>
    %dma_wait3A_92 = tpu.memref_squeeze %dma_wait3A_91 : memref<1x!tpu.dma_semaphore, #tpu.memory_space<semaphore_mem>> -> memref<!tpu.dma_semaphore, #tpu.memory_space<semaphore_mem>>
    tpu.wait_indirect_dma semaphore(%dma_wait3A_92 : memref<!tpu.dma_semaphore, #tpu.memory_space<semaphore_mem>>) src(%dma_wait3A_84 : memref<128x16xf32, #tpu.memory_space<vmem>>) dst(%dma_wait3A_90 : memref<4096x16xf32, #tpu.memory_space<vmem_shared>>)
    %barrier3A_93 = arith.constant 0 : index
    tpu.barrier barrier_id(%barrier3A_93)
    "tpu.region"() ({
      %run_scoped3A = tpu.sem_alloc : memref<!tpu.dma_semaphore, #tpu.memory_space<semaphore_mem>>
      %dma_start3A_96 = arith.constant 0 : i32
      %dma_start3A_97 = tpu.memref_slice %arg16[%mul3A_9, %dma_start3A_96] : memref<4096x16xf32, #tpu.memory_space<vmem_shared>> -> memref<256x16xf32, #tpu.memory_space<vmem_shared>>
      %dma_start3A_98 = arith.constant 0 : i32
      %dma_start3A_99 = tpu.memref_slice %arg16[%mul3A_9, %dma_start3A_98] : memref<4096x16xf32, #tpu.memory_space<vmem_shared>> -> memref<256x16xf32, #tpu.memory_space<vmem_shared>>
      tpu.enqueue_dma source(%dma_start3A_99 : memref<256x16xf32, #tpu.memory_space<vmem_shared>>) target(%arg14 : memref<256x16xf32, #tpu.memory_space<vmem>>) target_semaphore(%run_scoped3A : memref<!tpu.dma_semaphore, #tpu.memory_space<semaphore_mem>>)
      %dma_wait3A_100 = arith.constant 0 : i32
      %dma_wait3A_101 = tpu.memref_slice %arg16[%mul3A_9, %dma_wait3A_100] : memref<4096x16xf32, #tpu.memory_space<vmem_shared>> -> memref<256x16xf32, #tpu.memory_space<vmem_shared>>
      %dma_wait3A_102 = arith.constant 0 : i32
      %dma_wait3A_103 = tpu.memref_slice %arg16[%mul3A_9, %dma_wait3A_102] : memref<4096x16xf32, #tpu.memory_space<vmem_shared>> -> memref<256x16xf32, #tpu.memory_space<vmem_shared>>
      tpu.wait_dma2 semaphore(%run_scoped3A : memref<!tpu.dma_semaphore, #tpu.memory_space<semaphore_mem>>) src(%dma_wait3A_103 : memref<256x16xf32, #tpu.memory_space<vmem_shared>>) dst(%arg14 : memref<256x16xf32, #tpu.memory_space<vmem>>)
      tpu.yield
    }) : () -> ()
    "tpu.region"() ({
      %run_scoped3A = tpu.sem_alloc : memref<!tpu.dma_semaphore, #tpu.memory_space<semaphore_mem>>
      %dma_start3A_96 = arith.constant 0 : i32
      %dma_start3A_97 = tpu.memref_slice %arg6[%arg0, %mul3A_9, %dma_start3A_96] : memref<2x4096x16xf32, #tpu.memory_space<hbm>> -> memref<1x256x16xf32, #tpu.memory_space<hbm>>
      %dma_start3A_98 = tpu.memref_squeeze %dma_start3A_97 : memref<1x256x16xf32, #tpu.memory_space<hbm>> -> memref<256x16xf32, #tpu.memory_space<hbm>>
      %dma_start3A_99 = arith.constant 0 : i32
      %dma_start3A_100 = tpu.memref_slice %arg6[%arg0, %mul3A_9, %dma_start3A_99] : memref<2x4096x16xf32, #tpu.memory_space<hbm>> -> memref<1x256x16xf32, #tpu.memory_space<hbm>>
      %dma_start3A_101 = tpu.memref_squeeze %dma_start3A_100 : memref<1x256x16xf32, #tpu.memory_space<hbm>> -> memref<256x16xf32, #tpu.memory_space<hbm>>
      tpu.enqueue_dma source(%arg14 : memref<256x16xf32, #tpu.memory_space<vmem>>) target(%dma_start3A_101 : memref<256x16xf32, #tpu.memory_space<hbm>>) target_semaphore(%run_scoped3A : memref<!tpu.dma_semaphore, #tpu.memory_space<semaphore_mem>>)
      %dma_wait3A_102 = arith.constant 0 : i32
      %dma_wait3A_103 = tpu.memref_slice %arg6[%arg0, %mul3A_9, %dma_wait3A_102] : memref<2x4096x16xf32, #tpu.memory_space<hbm>> -> memref<1x256x16xf32, #tpu.memory_space<hbm>>
      %dma_wait3A_104 = tpu.memref_squeeze %dma_wait3A_103 : memref<1x256x16xf32, #tpu.memory_space<hbm>> -> memref<256x16xf32, #tpu.memory_space<hbm>>
      %dma_wait3A_105 = arith.constant 0 : i32
      %dma_wait3A_106 = tpu.memref_slice %arg6[%arg0, %mul3A_9, %dma_wait3A_105] : memref<2x4096x16xf32, #tpu.memory_space<hbm>> -> memref<1x256x16xf32, #tpu.memory_space<hbm>>
      %dma_wait3A_107 = tpu.memref_squeeze %dma_wait3A_106 : memref<1x256x16xf32, #tpu.memory_space<hbm>> -> memref<256x16xf32, #tpu.memory_space<hbm>>
      tpu.wait_dma2 semaphore(%run_scoped3A : memref<!tpu.dma_semaphore, #tpu.memory_space<semaphore_mem>>) src(%arg14 : memref<256x16xf32, #tpu.memory_space<vmem>>) dst(%dma_wait3A_107 : memref<256x16xf32, #tpu.memory_space<hbm>>)
      tpu.yield
    }) : () -> ()
    "tpu.region"() ({
      %run_scoped3A = tpu.sem_alloc : memref<!tpu.dma_semaphore, #tpu.memory_space<semaphore_mem>>
      %dma_start3A_96 = arith.constant 0 : i32
      %dma_start3A_97 = tpu.memref_slice %arg17[%mul3A_9, %dma_start3A_96] : memref<4096x16xf32, #tpu.memory_space<vmem_shared>> -> memref<256x16xf32, #tpu.memory_space<vmem_shared>>
      %dma_start3A_98 = arith.constant 0 : i32
      %dma_start3A_99 = tpu.memref_slice %arg17[%mul3A_9, %dma_start3A_98] : memref<4096x16xf32, #tpu.memory_space<vmem_shared>> -> memref<256x16xf32, #tpu.memory_space<vmem_shared>>
      tpu.enqueue_dma source(%dma_start3A_99 : memref<256x16xf32, #tpu.memory_space<vmem_shared>>) target(%arg14 : memref<256x16xf32, #tpu.memory_space<vmem>>) target_semaphore(%run_scoped3A : memref<!tpu.dma_semaphore, #tpu.memory_space<semaphore_mem>>)
      %dma_wait3A_100 = arith.constant 0 : i32
      %dma_wait3A_101 = tpu.memref_slice %arg17[%mul3A_9, %dma_wait3A_100] : memref<4096x16xf32, #tpu.memory_space<vmem_shared>> -> memref<256x16xf32, #tpu.memory_space<vmem_shared>>
      %dma_wait3A_102 = arith.constant 0 : i32
      %dma_wait3A_103 = tpu.memref_slice %arg17[%mul3A_9, %dma_wait3A_102] : memref<4096x16xf32, #tpu.memory_space<vmem_shared>> -> memref<256x16xf32, #tpu.memory_space<vmem_shared>>
      tpu.wait_dma2 semaphore(%run_scoped3A : memref<!tpu.dma_semaphore, #tpu.memory_space<semaphore_mem>>) src(%dma_wait3A_103 : memref<256x16xf32, #tpu.memory_space<vmem_shared>>) dst(%arg14 : memref<256x16xf32, #tpu.memory_space<vmem>>)
      tpu.yield
    }) : () -> ()
    %parallel_loop3A = arith.constant 0 : i32
    %parallel_loop3A_94 = arith.constant 16 : i32
    %parallel_loop3A_95 = arith.constant 1 : i32
    scf.for %parallel_loop3A_96 = %parallel_loop3A to %parallel_loop3A_94 step %parallel_loop3A_95  : i32 {
      %parallel_loop3A_97 = arith.constant 16 : i32
      %parallel_loop3A_98 = arith.muli %parallel_loop3A_96, %parallel_loop3A_97 : i32
      %parallel_loop3A_99 = vector.broadcast %parallel_loop3A_98 : i32 to vector<16xi32>
      %parallel_loop3A_100 = arith.addi %iota3A, %parallel_loop3A_99 : vector<16xi32>
      %parallel_loop3A_101 = arith.constant 0 : i32
      %parallel_loop3A_102 = vector.broadcast %parallel_loop3A_101 : i32 to vector<16xi32>
      %parallel_loop3A_103 = tpu.vector_load_idx %arg14[%parallel_loop3A_100, %parallel_loop3A_102] : memref<256x16xf32, #tpu.memory_space<vmem>>[vector<16xi32>, vector<16xi32>], vector<16xf32>,
      %parallel_loop3A_104 = arith.addf %broadcast_in_dim3A_1, %parallel_loop3A_103 : vector<16xf32>
      %parallel_loop3A_105 = arith.constant 1 : i32
      %parallel_loop3A_106 = vector.broadcast %parallel_loop3A_105 : i32 to vector<16xi32>
      %parallel_loop3A_107 = tpu.vector_load_idx %arg14[%parallel_loop3A_100, %parallel_loop3A_106] : memref<256x16xf32, #tpu.memory_space<vmem>>[vector<16xi32>, vector<16xi32>], vector<16xf32>,
      %parallel_loop3A_108 = arith.addf %parallel_loop3A_104, %parallel_loop3A_107 : vector<16xf32>
      %parallel_loop3A_109 = arith.constant 2 : i32
      %parallel_loop3A_110 = vector.broadcast %parallel_loop3A_109 : i32 to vector<16xi32>
      %parallel_loop3A_111 = tpu.vector_load_idx %arg14[%parallel_loop3A_100, %parallel_loop3A_110] : memref<256x16xf32, #tpu.memory_space<vmem>>[vector<16xi32>, vector<16xi32>], vector<16xf32>,
      %parallel_loop3A_112 = arith.addf %parallel_loop3A_108, %parallel_loop3A_111 : vector<16xf32>
      %parallel_loop3A_113 = arith.constant 3 : i32
      %parallel_loop3A_114 = vector.broadcast %parallel_loop3A_113 : i32 to vector<16xi32>
      %parallel_loop3A_115 = tpu.vector_load_idx %arg14[%parallel_loop3A_100, %parallel_loop3A_114] : memref<256x16xf32, #tpu.memory_space<vmem>>[vector<16xi32>, vector<16xi32>], vector<16xf32>,
      %parallel_loop3A_116 = arith.addf %parallel_loop3A_112, %parallel_loop3A_115 : vector<16xf32>
      %parallel_loop3A_117 = arith.constant 4 : i32
      %parallel_loop3A_118 = vector.broadcast %parallel_loop3A_117 : i32 to vector<16xi32>
      %parallel_loop3A_119 = tpu.vector_load_idx %arg14[%parallel_loop3A_100, %parallel_loop3A_118] : memref<256x16xf32, #tpu.memory_space<vmem>>[vector<16xi32>, vector<16xi32>], vector<16xf32>,
      %parallel_loop3A_120 = arith.addf %parallel_loop3A_116, %parallel_loop3A_119 : vector<16xf32>
      %parallel_loop3A_121 = arith.constant 5 : i32
      %parallel_loop3A_122 = vector.broadcast %parallel_loop3A_121 : i32 to vector<16xi32>
      %parallel_loop3A_123 = tpu.vector_load_idx %arg14[%parallel_loop3A_100, %parallel_loop3A_122] : memref<256x16xf32, #tpu.memory_space<vmem>>[vector<16xi32>, vector<16xi32>], vector<16xf32>,
      %parallel_loop3A_124 = arith.addf %parallel_loop3A_120, %parallel_loop3A_123 : vector<16xf32>
      %parallel_loop3A_125 = arith.constant 6 : i32
      %parallel_loop3A_126 = vector.broadcast %parallel_loop3A_125 : i32 to vector<16xi32>
      %parallel_loop3A_127 = tpu.vector_load_idx %arg14[%parallel_loop3A_100, %parallel_loop3A_126] : memref<256x16xf32, #tpu.memory_space<vmem>>[vector<16xi32>, vector<16xi32>], vector<16xf32>,
      %parallel_loop3A_128 = arith.addf %parallel_loop3A_124, %parallel_loop3A_127 : vector<16xf32>
      %parallel_loop3A_129 = arith.constant 7 : i32
      %parallel_loop3A_130 = vector.broadcast %parallel_loop3A_129 : i32 to vector<16xi32>
      %parallel_loop3A_131 = tpu.vector_load_idx %arg14[%parallel_loop3A_100, %parallel_loop3A_130] : memref<256x16xf32, #tpu.memory_space<vmem>>[vector<16xi32>, vector<16xi32>], vector<16xf32>,
      %parallel_loop3A_132 = arith.addf %parallel_loop3A_128, %parallel_loop3A_131 : vector<16xf32>
      %parallel_loop3A_133 = arith.constant 8 : i32
      %parallel_loop3A_134 = vector.broadcast %parallel_loop3A_133 : i32 to vector<16xi32>
      %parallel_loop3A_135 = tpu.vector_load_idx %arg14[%parallel_loop3A_100, %parallel_loop3A_134] : memref<256x16xf32, #tpu.memory_space<vmem>>[vector<16xi32>, vector<16xi32>], vector<16xf32>,
      %parallel_loop3A_136 = arith.addf %parallel_loop3A_132, %parallel_loop3A_135 : vector<16xf32>
      %parallel_loop3A_137 = arith.constant 9 : i32
      %parallel_loop3A_138 = vector.broadcast %parallel_loop3A_137 : i32 to vector<16xi32>
      %parallel_loop3A_139 = tpu.vector_load_idx %arg14[%parallel_loop3A_100, %parallel_loop3A_138] : memref<256x16xf32, #tpu.memory_space<vmem>>[vector<16xi32>, vector<16xi32>], vector<16xf32>,
      %parallel_loop3A_140 = arith.addf %parallel_loop3A_136, %parallel_loop3A_139 : vector<16xf32>
      %parallel_loop3A_141 = arith.constant 10 : i32
      %parallel_loop3A_142 = vector.broadcast %parallel_loop3A_141 : i32 to vector<16xi32>
      %parallel_loop3A_143 = tpu.vector_load_idx %arg14[%parallel_loop3A_100, %parallel_loop3A_142] : memref<256x16xf32, #tpu.memory_space<vmem>>[vector<16xi32>, vector<16xi32>], vector<16xf32>,
      %parallel_loop3A_144 = arith.addf %parallel_loop3A_140, %parallel_loop3A_143 : vector<16xf32>
      %parallel_loop3A_145 = arith.constant 11 : i32
      %parallel_loop3A_146 = vector.broadcast %parallel_loop3A_145 : i32 to vector<16xi32>
      %parallel_loop3A_147 = tpu.vector_load_idx %arg14[%parallel_loop3A_100, %parallel_loop3A_146] : memref<256x16xf32, #tpu.memory_space<vmem>>[vector<16xi32>, vector<16xi32>], vector<16xf32>,
      %parallel_loop3A_148 = arith.addf %parallel_loop3A_144, %parallel_loop3A_147 : vector<16xf32>
      %parallel_loop3A_149 = arith.constant 12 : i32
      %parallel_loop3A_150 = vector.broadcast %parallel_loop3A_149 : i32 to vector<16xi32>
      %parallel_loop3A_151 = tpu.vector_load_idx %arg14[%parallel_loop3A_100, %parallel_loop3A_150] : memref<256x16xf32, #tpu.memory_space<vmem>>[vector<16xi32>, vector<16xi32>], vector<16xf32>,
      %parallel_loop3A_152 = arith.addf %parallel_loop3A_148, %parallel_loop3A_151 : vector<16xf32>
      %parallel_loop3A_153 = arith.constant 13 : i32
      %parallel_loop3A_154 = vector.broadcast %parallel_loop3A_153 : i32 to vector<16xi32>
      %parallel_loop3A_155 = tpu.vector_load_idx %arg14[%parallel_loop3A_100, %parallel_loop3A_154] : memref<256x16xf32, #tpu.memory_space<vmem>>[vector<16xi32>, vector<16xi32>], vector<16xf32>,
      %parallel_loop3A_156 = arith.addf %parallel_loop3A_152, %parallel_loop3A_155 : vector<16xf32>
      %parallel_loop3A_157 = arith.constant 14 : i32
      %parallel_loop3A_158 = vector.broadcast %parallel_loop3A_157 : i32 to vector<16xi32>
      %parallel_loop3A_159 = tpu.vector_load_idx %arg14[%parallel_loop3A_100, %parallel_loop3A_158] : memref<256x16xf32, #tpu.memory_space<vmem>>[vector<16xi32>, vector<16xi32>], vector<16xf32>,
      %parallel_loop3A_160 = arith.addf %parallel_loop3A_156, %parallel_loop3A_159 : vector<16xf32>
      %parallel_loop3A_161 = arith.constant 15 : i32
      %parallel_loop3A_162 = vector.broadcast %parallel_loop3A_161 : i32 to vector<16xi32>
      %parallel_loop3A_163 = tpu.vector_load_idx %arg14[%parallel_loop3A_100, %parallel_loop3A_162] : memref<256x16xf32, #tpu.memory_space<vmem>>[vector<16xi32>, vector<16xi32>], vector<16xf32>,
      %parallel_loop3A_164 = arith.addf %parallel_loop3A_160, %parallel_loop3A_163 : vector<16xf32>
      %parallel_loop3A_165 = arith.constant 16 : i32
      %parallel_loop3A_166 = arith.muli %parallel_loop3A_96, %parallel_loop3A_165 : i32
      %parallel_loop3A_167 = arith.index_cast %parallel_loop3A_166 : i32 to index
      %parallel_loop3A_168 = tpu.vector_load %arg15[%parallel_loop3A_167] {strides = array<i32>} : memref<256xf32, #tpu.memory_space<vmem>>, vector<16xf32>,
      tpu.vector_store %arg15[%parallel_loop3A_167], %parallel_loop3A_164 {strides = array<i32>} : memref<256xf32, #tpu.memory_space<vmem>>, vector<16xf32>,
    } {sc.loop_unroll_factor = 2 : i64, sc.parallel_access}
    "tpu.region"() ({
      %run_scoped3A = tpu.sem_alloc : memref<!tpu.dma_semaphore, #tpu.memory_space<semaphore_mem>>
      %dma_start3A_96 = tpu.memref_slice %arg7[%arg0, %mul3A_9] : memref<2x4096xf32, #tpu.memory_space<hbm>> -> memref<1x256xf32, #tpu.memory_space<hbm>>
      %dma_start3A_97 = tpu.memref_squeeze %dma_start3A_96 : memref<1x256xf32, #tpu.memory_space<hbm>> -> memref<256xf32, #tpu.memory_space<hbm>>
      %dma_start3A_98 = tpu.memref_slice %arg7[%arg0, %mul3A_9] : memref<2x4096xf32, #tpu.memory_space<hbm>> -> memref<1x256xf32, #tpu.memory_space<hbm>>
      %dma_start3A_99 = tpu.memref_squeeze %dma_start3A_98 : memref<1x256xf32, #tpu.memory_space<hbm>> -> memref<256xf32, #tpu.memory_space<hbm>>
      tpu.enqueue_dma source(%arg15 : memref<256xf32, #tpu.memory_space<vmem>>) target(%dma_start3A_99 : memref<256xf32, #tpu.memory_space<hbm>>) target_semaphore(%run_scoped3A : memref<!tpu.dma_semaphore, #tpu.memory_space<semaphore_mem>>)
      %dma_wait3A_100 = tpu.memref_slice %arg7[%arg0, %mul3A_9] : memref<2x4096xf32, #tpu.memory_space<hbm>> -> memref<1x256xf32, #tpu.memory_space<hbm>>
      %dma_wait3A_101 = tpu.memref_squeeze %dma_wait3A_100 : memref<1x256xf32, #tpu.memory_space<hbm>> -> memref<256xf32, #tpu.memory_space<hbm>>
      %dma_wait3A_102 = tpu.memref_slice %arg7[%arg0, %mul3A_9] : memref<2x4096xf32, #tpu.memory_space<hbm>> -> memref<1x256xf32, #tpu.memory_space<hbm>>
      %dma_wait3A_103 = tpu.memref_squeeze %dma_wait3A_102 : memref<1x256xf32, #tpu.memory_space<hbm>> -> memref<256xf32, #tpu.memory_space<hbm>>
      tpu.wait_dma2 semaphore(%run_scoped3A : memref<!tpu.dma_semaphore, #tpu.memory_space<semaphore_mem>>) src(%arg15 : memref<256xf32, #tpu.memory_space<vmem>>) dst(%dma_wait3A_103 : memref<256xf32, #tpu.memory_space<hbm>>)
      tpu.yield
    }) : () -> ()
    return
  }
}

#map = affine_map<(d0, d1) -> (0, 0, 0)>
#map1 = affine_map<(d0, d1) -> (0, 0)>
#map2 = affine_map<(d0, d1) -> (0)>
module attributes {stable_mosaic.version = 14 : i64} {
  func.func @k2(%arg0: i32, %arg1: i32, %arg2: memref<2x4096x16xf32, #tpu.memory_space<hbm>>, %arg3: memref<2x4096xf32, #tpu.memory_space<hbm>>, %arg4: memref<4096xf32, #tpu.memory_space<hbm>>, %arg5: memref<128x16xf32, #tpu.memory_space<vmem>>, %arg6: memref<128x16xf32, #tpu.memory_space<vmem>>, %arg7: memref<128xf32, #tpu.memory_space<vmem>>, %arg8: memref<128xf32, #tpu.memory_space<vmem>>, %arg9: memref<128xf32, #tpu.memory_space<vmem>>) attributes {dimension_semantics = [#tpu.dimension_semantics<core_parallel>, #tpu.dimension_semantics<subcore_parallel>], iteration_bounds = array<i64: 2, 16>, scalar_prefetch = 0 : i64, scratch_operands = 5 : i64, tpu.core_type = #tpu.core_type<sc_vector_subcore>, window_params = [{transform_indices = #map}, {transform_indices = #map1}, {transform_indices = #map2}]} {
    %mul3A = arith.constant 2 : i32
    %mul3A_0 = arith.muli %arg1, %mul3A : i32
    %add3A = arith.addi %mul3A_0, %arg0 : i32
    %mul3A_1 = arith.constant 128 : i32
    %mul3A_2 = arith.muli %add3A, %mul3A_1 : i32
    %run_scoped3A = arith.constant 0 : i32
    "tpu.region"() ({
      %run_scoped3A_8 = tpu.sem_alloc : memref<!tpu.dma_semaphore, #tpu.memory_space<semaphore_mem>>
      %dma_start3A = arith.constant 0 : i32
      %dma_start3A_9 = tpu.memref_slice %arg2[%run_scoped3A, %mul3A_2, %dma_start3A] : memref<2x4096x16xf32, #tpu.memory_space<hbm>> -> memref<1x128x16xf32, #tpu.memory_space<hbm>>
      %dma_start3A_10 = tpu.memref_squeeze %dma_start3A_9 : memref<1x128x16xf32, #tpu.memory_space<hbm>> -> memref<128x16xf32, #tpu.memory_space<hbm>>
      %dma_start3A_11 = arith.constant 0 : i32
      %dma_start3A_12 = tpu.memref_slice %arg2[%run_scoped3A, %mul3A_2, %dma_start3A_11] : memref<2x4096x16xf32, #tpu.memory_space<hbm>> -> memref<1x128x16xf32, #tpu.memory_space<hbm>>
      %dma_start3A_13 = tpu.memref_squeeze %dma_start3A_12 : memref<1x128x16xf32, #tpu.memory_space<hbm>> -> memref<128x16xf32, #tpu.memory_space<hbm>>
      tpu.enqueue_dma source(%dma_start3A_13 : memref<128x16xf32, #tpu.memory_space<hbm>>) target(%arg5 : memref<128x16xf32, #tpu.memory_space<vmem>>) target_semaphore(%run_scoped3A_8 : memref<!tpu.dma_semaphore, #tpu.memory_space<semaphore_mem>>)
      %dma_wait3A = arith.constant 0 : i32
      %dma_wait3A_14 = tpu.memref_slice %arg2[%run_scoped3A, %mul3A_2, %dma_wait3A] : memref<2x4096x16xf32, #tpu.memory_space<hbm>> -> memref<1x128x16xf32, #tpu.memory_space<hbm>>
      %dma_wait3A_15 = tpu.memref_squeeze %dma_wait3A_14 : memref<1x128x16xf32, #tpu.memory_space<hbm>> -> memref<128x16xf32, #tpu.memory_space<hbm>>
      %dma_wait3A_16 = arith.constant 0 : i32
      %dma_wait3A_17 = tpu.memref_slice %arg2[%run_scoped3A, %mul3A_2, %dma_wait3A_16] : memref<2x4096x16xf32, #tpu.memory_space<hbm>> -> memref<1x128x16xf32, #tpu.memory_space<hbm>>
      %dma_wait3A_18 = tpu.memref_squeeze %dma_wait3A_17 : memref<1x128x16xf32, #tpu.memory_space<hbm>> -> memref<128x16xf32, #tpu.memory_space<hbm>>
      tpu.wait_dma2 semaphore(%run_scoped3A_8 : memref<!tpu.dma_semaphore, #tpu.memory_space<semaphore_mem>>) src(%dma_wait3A_18 : memref<128x16xf32, #tpu.memory_space<hbm>>) dst(%arg5 : memref<128x16xf32, #tpu.memory_space<vmem>>)
      tpu.yield
    }) : () -> ()
    %run_scoped3A_3 = arith.constant 1 : i32
    "tpu.region"() ({
      %run_scoped3A_8 = tpu.sem_alloc : memref<!tpu.dma_semaphore, #tpu.memory_space<semaphore_mem>>
      %dma_start3A = arith.constant 0 : i32
      %dma_start3A_9 = tpu.memref_slice %arg2[%run_scoped3A_3, %mul3A_2, %dma_start3A] : memref<2x4096x16xf32, #tpu.memory_space<hbm>> -> memref<1x128x16xf32, #tpu.memory_space<hbm>>
      %dma_start3A_10 = tpu.memref_squeeze %dma_start3A_9 : memref<1x128x16xf32, #tpu.memory_space<hbm>> -> memref<128x16xf32, #tpu.memory_space<hbm>>
      %dma_start3A_11 = arith.constant 0 : i32
      %dma_start3A_12 = tpu.memref_slice %arg2[%run_scoped3A_3, %mul3A_2, %dma_start3A_11] : memref<2x4096x16xf32, #tpu.memory_space<hbm>> -> memref<1x128x16xf32, #tpu.memory_space<hbm>>
      %dma_start3A_13 = tpu.memref_squeeze %dma_start3A_12 : memref<1x128x16xf32, #tpu.memory_space<hbm>> -> memref<128x16xf32, #tpu.memory_space<hbm>>
      tpu.enqueue_dma source(%dma_start3A_13 : memref<128x16xf32, #tpu.memory_space<hbm>>) target(%arg6 : memref<128x16xf32, #tpu.memory_space<vmem>>) target_semaphore(%run_scoped3A_8 : memref<!tpu.dma_semaphore, #tpu.memory_space<semaphore_mem>>)
      %dma_wait3A = arith.constant 0 : i32
      %dma_wait3A_14 = tpu.memref_slice %arg2[%run_scoped3A_3, %mul3A_2, %dma_wait3A] : memref<2x4096x16xf32, #tpu.memory_space<hbm>> -> memref<1x128x16xf32, #tpu.memory_space<hbm>>
      %dma_wait3A_15 = tpu.memref_squeeze %dma_wait3A_14 : memref<1x128x16xf32, #tpu.memory_space<hbm>> -> memref<128x16xf32, #tpu.memory_space<hbm>>
      %dma_wait3A_16 = arith.constant 0 : i32
      %dma_wait3A_17 = tpu.memref_slice %arg2[%run_scoped3A_3, %mul3A_2, %dma_wait3A_16] : memref<2x4096x16xf32, #tpu.memory_space<hbm>> -> memref<1x128x16xf32, #tpu.memory_space<hbm>>
      %dma_wait3A_18 = tpu.memref_squeeze %dma_wait3A_17 : memref<1x128x16xf32, #tpu.memory_space<hbm>> -> memref<128x16xf32, #tpu.memory_space<hbm>>
      tpu.wait_dma2 semaphore(%run_scoped3A_8 : memref<!tpu.dma_semaphore, #tpu.memory_space<semaphore_mem>>) src(%dma_wait3A_18 : memref<128x16xf32, #tpu.memory_space<hbm>>) dst(%arg6 : memref<128x16xf32, #tpu.memory_space<vmem>>)
      tpu.yield
    }) : () -> ()
    %run_scoped3A_4 = arith.constant 0 : i32
    "tpu.region"() ({
      %run_scoped3A_8 = tpu.sem_alloc : memref<!tpu.dma_semaphore, #tpu.memory_space<semaphore_mem>>
      %dma_start3A = tpu.memref_slice %arg3[%run_scoped3A_4, %mul3A_2] : memref<2x4096xf32, #tpu.memory_space<hbm>> -> memref<1x128xf32, #tpu.memory_space<hbm>>
      %dma_start3A_9 = tpu.memref_squeeze %dma_start3A : memref<1x128xf32, #tpu.memory_space<hbm>> -> memref<128xf32, #tpu.memory_space<hbm>>
      %dma_start3A_10 = tpu.memref_slice %arg3[%run_scoped3A_4, %mul3A_2] : memref<2x4096xf32, #tpu.memory_space<hbm>> -> memref<1x128xf32, #tpu.memory_space<hbm>>
      %dma_start3A_11 = tpu.memref_squeeze %dma_start3A_10 : memref<1x128xf32, #tpu.memory_space<hbm>> -> memref<128xf32, #tpu.memory_space<hbm>>
      tpu.enqueue_dma source(%dma_start3A_11 : memref<128xf32, #tpu.memory_space<hbm>>) target(%arg7 : memref<128xf32, #tpu.memory_space<vmem>>) target_semaphore(%run_scoped3A_8 : memref<!tpu.dma_semaphore, #tpu.memory_space<semaphore_mem>>)
      %dma_wait3A = tpu.memref_slice %arg3[%run_scoped3A_4, %mul3A_2] : memref<2x4096xf32, #tpu.memory_space<hbm>> -> memref<1x128xf32, #tpu.memory_space<hbm>>
      %dma_wait3A_12 = tpu.memref_squeeze %dma_wait3A : memref<1x128xf32, #tpu.memory_space<hbm>> -> memref<128xf32, #tpu.memory_space<hbm>>
      %dma_wait3A_13 = tpu.memref_slice %arg3[%run_scoped3A_4, %mul3A_2] : memref<2x4096xf32, #tpu.memory_space<hbm>> -> memref<1x128xf32, #tpu.memory_space<hbm>>
      %dma_wait3A_14 = tpu.memref_squeeze %dma_wait3A_13 : memref<1x128xf32, #tpu.memory_space<hbm>> -> memref<128xf32, #tpu.memory_space<hbm>>
      tpu.wait_dma2 semaphore(%run_scoped3A_8 : memref<!tpu.dma_semaphore, #tpu.memory_space<semaphore_mem>>) src(%dma_wait3A_14 : memref<128xf32, #tpu.memory_space<hbm>>) dst(%arg7 : memref<128xf32, #tpu.memory_space<vmem>>)
      tpu.yield
    }) : () -> ()
    %run_scoped3A_5 = arith.constant 1 : i32
    "tpu.region"() ({
      %run_scoped3A_8 = tpu.sem_alloc : memref<!tpu.dma_semaphore, #tpu.memory_space<semaphore_mem>>
      %dma_start3A = tpu.memref_slice %arg3[%run_scoped3A_5, %mul3A_2] : memref<2x4096xf32, #tpu.memory_space<hbm>> -> memref<1x128xf32, #tpu.memory_space<hbm>>
      %dma_start3A_9 = tpu.memref_squeeze %dma_start3A : memref<1x128xf32, #tpu.memory_space<hbm>> -> memref<128xf32, #tpu.memory_space<hbm>>
      %dma_start3A_10 = tpu.memref_slice %arg3[%run_scoped3A_5, %mul3A_2] : memref<2x4096xf32, #tpu.memory_space<hbm>> -> memref<1x128xf32, #tpu.memory_space<hbm>>
      %dma_start3A_11 = tpu.memref_squeeze %dma_start3A_10 : memref<1x128xf32, #tpu.memory_space<hbm>> -> memref<128xf32, #tpu.memory_space<hbm>>
      tpu.enqueue_dma source(%dma_start3A_11 : memref<128xf32, #tpu.memory_space<hbm>>) target(%arg8 : memref<128xf32, #tpu.memory_space<vmem>>) target_semaphore(%run_scoped3A_8 : memref<!tpu.dma_semaphore, #tpu.memory_space<semaphore_mem>>)
      %dma_wait3A = tpu.memref_slice %arg3[%run_scoped3A_5, %mul3A_2] : memref<2x4096xf32, #tpu.memory_space<hbm>> -> memref<1x128xf32, #tpu.memory_space<hbm>>
      %dma_wait3A_12 = tpu.memref_squeeze %dma_wait3A : memref<1x128xf32, #tpu.memory_space<hbm>> -> memref<128xf32, #tpu.memory_space<hbm>>
      %dma_wait3A_13 = tpu.memref_slice %arg3[%run_scoped3A_5, %mul3A_2] : memref<2x4096xf32, #tpu.memory_space<hbm>> -> memref<1x128xf32, #tpu.memory_space<hbm>>
      %dma_wait3A_14 = tpu.memref_squeeze %dma_wait3A_13 : memref<1x128xf32, #tpu.memory_space<hbm>> -> memref<128xf32, #tpu.memory_space<hbm>>
      tpu.wait_dma2 semaphore(%run_scoped3A_8 : memref<!tpu.dma_semaphore, #tpu.memory_space<semaphore_mem>>) src(%dma_wait3A_14 : memref<128xf32, #tpu.memory_space<hbm>>) dst(%arg8 : memref<128xf32, #tpu.memory_space<vmem>>)
      tpu.yield
    }) : () -> ()
    %iota3A = tpu.iota {dimensions = array<i32: 0>} : vector<16xi32>
    %parallel_loop3A = arith.constant 0 : i32
    %parallel_loop3A_6 = arith.constant 8 : i32
    %parallel_loop3A_7 = arith.constant 1 : i32
    scf.for %parallel_loop3A_8 = %parallel_loop3A to %parallel_loop3A_6 step %parallel_loop3A_7  : i32 {
      %parallel_loop3A_9 = arith.constant 16 : i32
      %parallel_loop3A_10 = arith.muli %parallel_loop3A_8, %parallel_loop3A_9 : i32
      %parallel_loop3A_11 = vector.broadcast %parallel_loop3A_10 : i32 to vector<16xi32>
      %parallel_loop3A_12 = arith.addi %iota3A, %parallel_loop3A_11 : vector<16xi32>
      %parallel_loop3A_13 = arith.constant 16 : i32
      %parallel_loop3A_14 = arith.muli %parallel_loop3A_8, %parallel_loop3A_13 : i32
      %parallel_loop3A_15 = arith.index_cast %parallel_loop3A_14 : i32 to index
      %parallel_loop3A_16 = tpu.vector_load %arg7[%parallel_loop3A_15] {strides = array<i32>} : memref<128xf32, #tpu.memory_space<vmem>>, vector<16xf32>,
      %parallel_loop3A_17 = arith.constant 16 : i32
      %parallel_loop3A_18 = arith.muli %parallel_loop3A_8, %parallel_loop3A_17 : i32
      %parallel_loop3A_19 = arith.index_cast %parallel_loop3A_18 : i32 to index
      %parallel_loop3A_20 = tpu.vector_load %arg8[%parallel_loop3A_19] {strides = array<i32>} : memref<128xf32, #tpu.memory_space<vmem>>, vector<16xf32>,
      %parallel_loop3A_21 = arith.addf %parallel_loop3A_16, %parallel_loop3A_20 : vector<16xf32>
      %parallel_loop3A_22 = arith.constant 0.000000e+00 : f32
      %parallel_loop3A_23 = vector.broadcast %parallel_loop3A_22 : f32 to vector<16xf32>
      %parallel_loop3A_24 = arith.subf %parallel_loop3A_23, %parallel_loop3A_21 : vector<16xf32>
      %parallel_loop3A_25 = arith.constant 0 : i32
      %parallel_loop3A_26 = vector.broadcast %parallel_loop3A_25 : i32 to vector<16xi32>
      %parallel_loop3A_27 = tpu.vector_load_idx %arg5[%parallel_loop3A_12, %parallel_loop3A_26] : memref<128x16xf32, #tpu.memory_space<vmem>>[vector<16xi32>, vector<16xi32>], vector<16xf32>,
      %parallel_loop3A_28 = tpu.vector_load_idx %arg6[%parallel_loop3A_12, %parallel_loop3A_26] : memref<128x16xf32, #tpu.memory_space<vmem>>[vector<16xi32>, vector<16xi32>], vector<16xf32>,
      %parallel_loop3A_29 = arith.addf %parallel_loop3A_27, %parallel_loop3A_28 : vector<16xf32>
      %parallel_loop3A_30 = arith.mulf %parallel_loop3A_29, %parallel_loop3A_29 : vector<16xf32>
      %parallel_loop3A_31 = arith.addf %parallel_loop3A_24, %parallel_loop3A_30 : vector<16xf32>
      %parallel_loop3A_32 = arith.constant 1 : i32
      %parallel_loop3A_33 = vector.broadcast %parallel_loop3A_32 : i32 to vector<16xi32>
      %parallel_loop3A_34 = tpu.vector_load_idx %arg5[%parallel_loop3A_12, %parallel_loop3A_33] : memref<128x16xf32, #tpu.memory_space<vmem>>[vector<16xi32>, vector<16xi32>], vector<16xf32>,
      %parallel_loop3A_35 = tpu.vector_load_idx %arg6[%parallel_loop3A_12, %parallel_loop3A_33] : memref<128x16xf32, #tpu.memory_space<vmem>>[vector<16xi32>, vector<16xi32>], vector<16xf32>,
      %parallel_loop3A_36 = arith.addf %parallel_loop3A_34, %parallel_loop3A_35 : vector<16xf32>
      %parallel_loop3A_37 = arith.mulf %parallel_loop3A_36, %parallel_loop3A_36 : vector<16xf32>
      %parallel_loop3A_38 = arith.addf %parallel_loop3A_31, %parallel_loop3A_37 : vector<16xf32>
      %parallel_loop3A_39 = arith.constant 2 : i32
      %parallel_loop3A_40 = vector.broadcast %parallel_loop3A_39 : i32 to vector<16xi32>
      %parallel_loop3A_41 = tpu.vector_load_idx %arg5[%parallel_loop3A_12, %parallel_loop3A_40] : memref<128x16xf32, #tpu.memory_space<vmem>>[vector<16xi32>, vector<16xi32>], vector<16xf32>,
      %parallel_loop3A_42 = tpu.vector_load_idx %arg6[%parallel_loop3A_12, %parallel_loop3A_40] : memref<128x16xf32, #tpu.memory_space<vmem>>[vector<16xi32>, vector<16xi32>], vector<16xf32>,
      %parallel_loop3A_43 = arith.addf %parallel_loop3A_41, %parallel_loop3A_42 : vector<16xf32>
      %parallel_loop3A_44 = arith.mulf %parallel_loop3A_43, %parallel_loop3A_43 : vector<16xf32>
      %parallel_loop3A_45 = arith.addf %parallel_loop3A_38, %parallel_loop3A_44 : vector<16xf32>
      %parallel_loop3A_46 = arith.constant 3 : i32
      %parallel_loop3A_47 = vector.broadcast %parallel_loop3A_46 : i32 to vector<16xi32>
      %parallel_loop3A_48 = tpu.vector_load_idx %arg5[%parallel_loop3A_12, %parallel_loop3A_47] : memref<128x16xf32, #tpu.memory_space<vmem>>[vector<16xi32>, vector<16xi32>], vector<16xf32>,
      %parallel_loop3A_49 = tpu.vector_load_idx %arg6[%parallel_loop3A_12, %parallel_loop3A_47] : memref<128x16xf32, #tpu.memory_space<vmem>>[vector<16xi32>, vector<16xi32>], vector<16xf32>,
      %parallel_loop3A_50 = arith.addf %parallel_loop3A_48, %parallel_loop3A_49 : vector<16xf32>
      %parallel_loop3A_51 = arith.mulf %parallel_loop3A_50, %parallel_loop3A_50 : vector<16xf32>
      %parallel_loop3A_52 = arith.addf %parallel_loop3A_45, %parallel_loop3A_51 : vector<16xf32>
      %parallel_loop3A_53 = arith.constant 4 : i32
      %parallel_loop3A_54 = vector.broadcast %parallel_loop3A_53 : i32 to vector<16xi32>
      %parallel_loop3A_55 = tpu.vector_load_idx %arg5[%parallel_loop3A_12, %parallel_loop3A_54] : memref<128x16xf32, #tpu.memory_space<vmem>>[vector<16xi32>, vector<16xi32>], vector<16xf32>,
      %parallel_loop3A_56 = tpu.vector_load_idx %arg6[%parallel_loop3A_12, %parallel_loop3A_54] : memref<128x16xf32, #tpu.memory_space<vmem>>[vector<16xi32>, vector<16xi32>], vector<16xf32>,
      %parallel_loop3A_57 = arith.addf %parallel_loop3A_55, %parallel_loop3A_56 : vector<16xf32>
      %parallel_loop3A_58 = arith.mulf %parallel_loop3A_57, %parallel_loop3A_57 : vector<16xf32>
      %parallel_loop3A_59 = arith.addf %parallel_loop3A_52, %parallel_loop3A_58 : vector<16xf32>
      %parallel_loop3A_60 = arith.constant 5 : i32
      %parallel_loop3A_61 = vector.broadcast %parallel_loop3A_60 : i32 to vector<16xi32>
      %parallel_loop3A_62 = tpu.vector_load_idx %arg5[%parallel_loop3A_12, %parallel_loop3A_61] : memref<128x16xf32, #tpu.memory_space<vmem>>[vector<16xi32>, vector<16xi32>], vector<16xf32>,
      %parallel_loop3A_63 = tpu.vector_load_idx %arg6[%parallel_loop3A_12, %parallel_loop3A_61] : memref<128x16xf32, #tpu.memory_space<vmem>>[vector<16xi32>, vector<16xi32>], vector<16xf32>,
      %parallel_loop3A_64 = arith.addf %parallel_loop3A_62, %parallel_loop3A_63 : vector<16xf32>
      %parallel_loop3A_65 = arith.mulf %parallel_loop3A_64, %parallel_loop3A_64 : vector<16xf32>
      %parallel_loop3A_66 = arith.addf %parallel_loop3A_59, %parallel_loop3A_65 : vector<16xf32>
      %parallel_loop3A_67 = arith.constant 6 : i32
      %parallel_loop3A_68 = vector.broadcast %parallel_loop3A_67 : i32 to vector<16xi32>
      %parallel_loop3A_69 = tpu.vector_load_idx %arg5[%parallel_loop3A_12, %parallel_loop3A_68] : memref<128x16xf32, #tpu.memory_space<vmem>>[vector<16xi32>, vector<16xi32>], vector<16xf32>,
      %parallel_loop3A_70 = tpu.vector_load_idx %arg6[%parallel_loop3A_12, %parallel_loop3A_68] : memref<128x16xf32, #tpu.memory_space<vmem>>[vector<16xi32>, vector<16xi32>], vector<16xf32>,
      %parallel_loop3A_71 = arith.addf %parallel_loop3A_69, %parallel_loop3A_70 : vector<16xf32>
      %parallel_loop3A_72 = arith.mulf %parallel_loop3A_71, %parallel_loop3A_71 : vector<16xf32>
      %parallel_loop3A_73 = arith.addf %parallel_loop3A_66, %parallel_loop3A_72 : vector<16xf32>
      %parallel_loop3A_74 = arith.constant 7 : i32
      %parallel_loop3A_75 = vector.broadcast %parallel_loop3A_74 : i32 to vector<16xi32>
      %parallel_loop3A_76 = tpu.vector_load_idx %arg5[%parallel_loop3A_12, %parallel_loop3A_75] : memref<128x16xf32, #tpu.memory_space<vmem>>[vector<16xi32>, vector<16xi32>], vector<16xf32>,
      %parallel_loop3A_77 = tpu.vector_load_idx %arg6[%parallel_loop3A_12, %parallel_loop3A_75] : memref<128x16xf32, #tpu.memory_space<vmem>>[vector<16xi32>, vector<16xi32>], vector<16xf32>,
      %parallel_loop3A_78 = arith.addf %parallel_loop3A_76, %parallel_loop3A_77 : vector<16xf32>
      %parallel_loop3A_79 = arith.mulf %parallel_loop3A_78, %parallel_loop3A_78 : vector<16xf32>
      %parallel_loop3A_80 = arith.addf %parallel_loop3A_73, %parallel_loop3A_79 : vector<16xf32>
      %parallel_loop3A_81 = arith.constant 8 : i32
      %parallel_loop3A_82 = vector.broadcast %parallel_loop3A_81 : i32 to vector<16xi32>
      %parallel_loop3A_83 = tpu.vector_load_idx %arg5[%parallel_loop3A_12, %parallel_loop3A_82] : memref<128x16xf32, #tpu.memory_space<vmem>>[vector<16xi32>, vector<16xi32>], vector<16xf32>,
      %parallel_loop3A_84 = tpu.vector_load_idx %arg6[%parallel_loop3A_12, %parallel_loop3A_82] : memref<128x16xf32, #tpu.memory_space<vmem>>[vector<16xi32>, vector<16xi32>], vector<16xf32>,
      %parallel_loop3A_85 = arith.addf %parallel_loop3A_83, %parallel_loop3A_84 : vector<16xf32>
      %parallel_loop3A_86 = arith.mulf %parallel_loop3A_85, %parallel_loop3A_85 : vector<16xf32>
      %parallel_loop3A_87 = arith.addf %parallel_loop3A_80, %parallel_loop3A_86 : vector<16xf32>
      %parallel_loop3A_88 = arith.constant 9 : i32
      %parallel_loop3A_89 = vector.broadcast %parallel_loop3A_88 : i32 to vector<16xi32>
      %parallel_loop3A_90 = tpu.vector_load_idx %arg5[%parallel_loop3A_12, %parallel_loop3A_89] : memref<128x16xf32, #tpu.memory_space<vmem>>[vector<16xi32>, vector<16xi32>], vector<16xf32>,
      %parallel_loop3A_91 = tpu.vector_load_idx %arg6[%parallel_loop3A_12, %parallel_loop3A_89] : memref<128x16xf32, #tpu.memory_space<vmem>>[vector<16xi32>, vector<16xi32>], vector<16xf32>,
      %parallel_loop3A_92 = arith.addf %parallel_loop3A_90, %parallel_loop3A_91 : vector<16xf32>
      %parallel_loop3A_93 = arith.mulf %parallel_loop3A_92, %parallel_loop3A_92 : vector<16xf32>
      %parallel_loop3A_94 = arith.addf %parallel_loop3A_87, %parallel_loop3A_93 : vector<16xf32>
      %parallel_loop3A_95 = arith.constant 10 : i32
      %parallel_loop3A_96 = vector.broadcast %parallel_loop3A_95 : i32 to vector<16xi32>
      %parallel_loop3A_97 = tpu.vector_load_idx %arg5[%parallel_loop3A_12, %parallel_loop3A_96] : memref<128x16xf32, #tpu.memory_space<vmem>>[vector<16xi32>, vector<16xi32>], vector<16xf32>,
      %parallel_loop3A_98 = tpu.vector_load_idx %arg6[%parallel_loop3A_12, %parallel_loop3A_96] : memref<128x16xf32, #tpu.memory_space<vmem>>[vector<16xi32>, vector<16xi32>], vector<16xf32>,
      %parallel_loop3A_99 = arith.addf %parallel_loop3A_97, %parallel_loop3A_98 : vector<16xf32>
      %parallel_loop3A_100 = arith.mulf %parallel_loop3A_99, %parallel_loop3A_99 : vector<16xf32>
      %parallel_loop3A_101 = arith.addf %parallel_loop3A_94, %parallel_loop3A_100 : vector<16xf32>
      %parallel_loop3A_102 = arith.constant 11 : i32
      %parallel_loop3A_103 = vector.broadcast %parallel_loop3A_102 : i32 to vector<16xi32>
      %parallel_loop3A_104 = tpu.vector_load_idx %arg5[%parallel_loop3A_12, %parallel_loop3A_103] : memref<128x16xf32, #tpu.memory_space<vmem>>[vector<16xi32>, vector<16xi32>], vector<16xf32>,
      %parallel_loop3A_105 = tpu.vector_load_idx %arg6[%parallel_loop3A_12, %parallel_loop3A_103] : memref<128x16xf32, #tpu.memory_space<vmem>>[vector<16xi32>, vector<16xi32>], vector<16xf32>,
      %parallel_loop3A_106 = arith.addf %parallel_loop3A_104, %parallel_loop3A_105 : vector<16xf32>
      %parallel_loop3A_107 = arith.mulf %parallel_loop3A_106, %parallel_loop3A_106 : vector<16xf32>
      %parallel_loop3A_108 = arith.addf %parallel_loop3A_101, %parallel_loop3A_107 : vector<16xf32>
      %parallel_loop3A_109 = arith.constant 12 : i32
      %parallel_loop3A_110 = vector.broadcast %parallel_loop3A_109 : i32 to vector<16xi32>
      %parallel_loop3A_111 = tpu.vector_load_idx %arg5[%parallel_loop3A_12, %parallel_loop3A_110] : memref<128x16xf32, #tpu.memory_space<vmem>>[vector<16xi32>, vector<16xi32>], vector<16xf32>,
      %parallel_loop3A_112 = tpu.vector_load_idx %arg6[%parallel_loop3A_12, %parallel_loop3A_110] : memref<128x16xf32, #tpu.memory_space<vmem>>[vector<16xi32>, vector<16xi32>], vector<16xf32>,
      %parallel_loop3A_113 = arith.addf %parallel_loop3A_111, %parallel_loop3A_112 : vector<16xf32>
      %parallel_loop3A_114 = arith.mulf %parallel_loop3A_113, %parallel_loop3A_113 : vector<16xf32>
      %parallel_loop3A_115 = arith.addf %parallel_loop3A_108, %parallel_loop3A_114 : vector<16xf32>
      %parallel_loop3A_116 = arith.constant 13 : i32
      %parallel_loop3A_117 = vector.broadcast %parallel_loop3A_116 : i32 to vector<16xi32>
      %parallel_loop3A_118 = tpu.vector_load_idx %arg5[%parallel_loop3A_12, %parallel_loop3A_117] : memref<128x16xf32, #tpu.memory_space<vmem>>[vector<16xi32>, vector<16xi32>], vector<16xf32>,
      %parallel_loop3A_119 = tpu.vector_load_idx %arg6[%parallel_loop3A_12, %parallel_loop3A_117] : memref<128x16xf32, #tpu.memory_space<vmem>>[vector<16xi32>, vector<16xi32>], vector<16xf32>,
      %parallel_loop3A_120 = arith.addf %parallel_loop3A_118, %parallel_loop3A_119 : vector<16xf32>
      %parallel_loop3A_121 = arith.mulf %parallel_loop3A_120, %parallel_loop3A_120 : vector<16xf32>
      %parallel_loop3A_122 = arith.addf %parallel_loop3A_115, %parallel_loop3A_121 : vector<16xf32>
      %parallel_loop3A_123 = arith.constant 14 : i32
      %parallel_loop3A_124 = vector.broadcast %parallel_loop3A_123 : i32 to vector<16xi32>
      %parallel_loop3A_125 = tpu.vector_load_idx %arg5[%parallel_loop3A_12, %parallel_loop3A_124] : memref<128x16xf32, #tpu.memory_space<vmem>>[vector<16xi32>, vector<16xi32>], vector<16xf32>,
      %parallel_loop3A_126 = tpu.vector_load_idx %arg6[%parallel_loop3A_12, %parallel_loop3A_124] : memref<128x16xf32, #tpu.memory_space<vmem>>[vector<16xi32>, vector<16xi32>], vector<16xf32>,
      %parallel_loop3A_127 = arith.addf %parallel_loop3A_125, %parallel_loop3A_126 : vector<16xf32>
      %parallel_loop3A_128 = arith.mulf %parallel_loop3A_127, %parallel_loop3A_127 : vector<16xf32>
      %parallel_loop3A_129 = arith.addf %parallel_loop3A_122, %parallel_loop3A_128 : vector<16xf32>
      %parallel_loop3A_130 = arith.constant 15 : i32
      %parallel_loop3A_131 = vector.broadcast %parallel_loop3A_130 : i32 to vector<16xi32>
      %parallel_loop3A_132 = tpu.vector_load_idx %arg5[%parallel_loop3A_12, %parallel_loop3A_131] : memref<128x16xf32, #tpu.memory_space<vmem>>[vector<16xi32>, vector<16xi32>], vector<16xf32>,
      %parallel_loop3A_133 = tpu.vector_load_idx %arg6[%parallel_loop3A_12, %parallel_loop3A_131] : memref<128x16xf32, #tpu.memory_space<vmem>>[vector<16xi32>, vector<16xi32>], vector<16xf32>,
      %parallel_loop3A_134 = arith.addf %parallel_loop3A_132, %parallel_loop3A_133 : vector<16xf32>
      %parallel_loop3A_135 = arith.mulf %parallel_loop3A_134, %parallel_loop3A_134 : vector<16xf32>
      %parallel_loop3A_136 = arith.addf %parallel_loop3A_129, %parallel_loop3A_135 : vector<16xf32>
      %parallel_loop3A_137 = arith.constant 16 : i32
      %parallel_loop3A_138 = arith.muli %parallel_loop3A_8, %parallel_loop3A_137 : i32
      %parallel_loop3A_139 = arith.index_cast %parallel_loop3A_138 : i32 to index
      %parallel_loop3A_140 = tpu.vector_load %arg9[%parallel_loop3A_139] {strides = array<i32>} : memref<128xf32, #tpu.memory_space<vmem>>, vector<16xf32>,
      tpu.vector_store %arg9[%parallel_loop3A_139], %parallel_loop3A_136 {strides = array<i32>} : memref<128xf32, #tpu.memory_space<vmem>>, vector<16xf32>,
    } {sc.loop_unroll_factor = 2 : i64, sc.parallel_access}
    "tpu.region"() ({
      %run_scoped3A_8 = tpu.sem_alloc : memref<!tpu.dma_semaphore, #tpu.memory_space<semaphore_mem>>
      %dma_start3A = tpu.memref_slice %arg4[%mul3A_2] : memref<4096xf32, #tpu.memory_space<hbm>> -> memref<128xf32, #tpu.memory_space<hbm>>
      %dma_start3A_9 = tpu.memref_slice %arg4[%mul3A_2] : memref<4096xf32, #tpu.memory_space<hbm>> -> memref<128xf32, #tpu.memory_space<hbm>>
      tpu.enqueue_dma source(%arg9 : memref<128xf32, #tpu.memory_space<vmem>>) target(%dma_start3A_9 : memref<128xf32, #tpu.memory_space<hbm>>) target_semaphore(%run_scoped3A_8 : memref<!tpu.dma_semaphore, #tpu.memory_space<semaphore_mem>>)
      %dma_wait3A = tpu.memref_slice %arg4[%mul3A_2] : memref<4096xf32, #tpu.memory_space<hbm>> -> memref<128xf32, #tpu.memory_space<hbm>>
      %dma_wait3A_10 = tpu.memref_slice %arg4[%mul3A_2] : memref<4096xf32, #tpu.memory_space<hbm>> -> memref<128xf32, #tpu.memory_space<hbm>>
      tpu.wait_dma2 semaphore(%run_scoped3A_8 : memref<!tpu.dma_semaphore, #tpu.memory_space<semaphore_mem>>) src(%arg9 : memref<128xf32, #tpu.memory_space<vmem>>) dst(%dma_wait3A_10 : memref<128xf32, #tpu.memory_space<hbm>>)
      tpu.yield
    }) : () -> ()
    return
  }
}

</mosaic_0001>

<sc_bundles>
// kernel: kernel.11.cloned.1.call-start
scs
__scs_entry_jumppad:
0x0: {  	(pc) =	sbr.rel $0x88, $3  }
0x1: {  	(tag) =	ssettag $0x0;
	lr =	simm.s32 $0x1  }
0x2: {  	[smem:$0x3F9D] =	sst lr;
	_ =	strace $0xD0000000  }
0x3: {  	_ = 	snop  }
0x4: {  	_ = 	snop  }
0x5: {  	_ = 	snop  }
0x6: {  	_ = 	snop  }
0x7: {  	_ = 	snop  }
__scs_overlays_trampoline_lowered:
0x8: {  	[smem:$0x3FAC] =	sst s0  }
0x9: {  	[smem:$0x3FAD] =	sst s1  }
0xa: {  	[smem:$0x3FAE] =	sst s2  }
0xb: {  	[smem:$0x3FAF] =	sst s3  }
0xc: {  	[smem:$0x3FB0] =	sst s4  }
0xd: {  	[smem:$0x3FB1] =	sst s5  }
0xe: {  	[smem:$0x3FB2] =	sst s6  }
0xf: {  	[smem:$0x3FB3] =	sst s7  }
0x10: {  	[smem:$0x3FB4] =	sst s8  }
0x11: {  	[smem:$0x3FB5] =	sst s9;
	s0 =	simm.s32 @!p0 $0x0  }
0x12: {  	s1 =	sld [smem:$0x3F9B];
	s0 =	simm.s32 @p0 $0x1  }
0x13: {  	[smem:$0x3FB6] =	sst s0;
	s0 =	simm.s32 @!p1 $0x0  }
0x14: {  	s2 =	sld [smem:$0x3F9A];
	s0 =	simm.s32 @p1 $0x1  }
0x15: {  	[smem:$0x3FB7] =	sst s0;
	s0 =	simm.s32 @!p2 $0x0  }
0x16: {  	s3 =	sld [smem:$0x3FDB];
	s0 =	simm.s32 @p2 $0x1  }
0x17: {  	s4 =	simm.s32 $0x1BF5;
	[smem:$0x3FB9] =	sst s0  }
0x18: {  	s0 =	sld [smem:$0x3F9C];
	_ =	swait.ge [sflag:s4], $0x0  }
0x19: {  	s7 =	sld [smem:$0x3F9D]  }
0x1a: {  	s8 =	sadd.s32 $0xFFFFE003, lr  }
0x1b: {  	s9 =	sadd.s32 $0xFFFFFEF7, lr;
	s5 =	simm.s32 $0xFFFFFFFF;
	p2 =	slt.u32 s8, $0xFFFFF086  }
0x1c: {  	p1 =	slt.u32 s9, $0xF7A;
	s5 =	simm.s32 @!p2 $0x0  }
0x1d: {  	s5 =	simm.s32 @p1 $0x1;
	p0 =	seq.s32 s7, s2  }
0x1e: {  	s7 =	smul.u32 @!p0 $0xF7A, s2;
	p2 =	seq.s32 @!p0 s5, $0x0  }
0x1f: {  	s9 =	smul.u32 $0xF7A, s1;
	s8 =	simm.s32 @!p0 $0x1BF5;
	p2 =	por !p2, p0  }
0x20: {  	[sflag:s8] =	ssyncset.s32 @!p0 $0xFFFFF086;
	s6 =	sadd.s32 @!p0 s3, s7;
	s7 =	simm.s32 @!p0 $0x108  }
0x21: {  	s3 =	sadd.s32 s3, s9;
	s6 =	sadd.s32 @!p0 $0x88, s6;
	s7 =	simm.s32 @p2 $0x1082  }
0x22: {  	[simem:s7], [sflag:s8] =	dma.local @!p0 [hbm:s6], $0xF7A  }
0x23: {  	s9 =	sor.u32 $0xD0000000, s2;
	s6 =	simm.s32 $0x108;
	_ =	swait.ge @!p0 [sflag:s8], $0x0  }
0x24: {  	s3 =	sadd.s32 $0x88, s3;
	s6 =	simm.s32 @!p1 $0x1082;
	[sflag:s4] =	ssyncset.s32 $0xFFFFF086  }
0x25: {  	[simem:s6], [sflag:s4] =	dma.local [hbm:s3], $0xF7A  }
0x26: {  	[smem:$0x3F9D] =	sst s1;
	(tag) =	ssettag s2;
	_ =	strace s9  }
0x27: {  	s1 =	sld [smem:$0x3FAD]  }
0x28: {  	s2 =	sld [smem:$0x3FAE]  }
0x29: {  	s4 =	sld [smem:$0x3FB0]  }
0x2a: {  	p0 =	seq.s32 s5, $0x0;
	s5 =	sld [smem:$0x3FB1]  }
0x2b: {  	s6 =	sld [smem:$0x3FB2]  }
0x2c: {  	s7 =	sld [smem:$0x3FB3]  }
0x2d: {  	s3 =	simm.s32 $0x108;
	s8 =	sld [smem:$0x3FB4]  }
0x2e: {  	s3 =	simm.s32 @!p0 $0x1082;
	s9 =	sld [smem:$0x3FB5]  }
0x2f: {  	lr =	sadd.s32 s0, s3;
	s0 =	sld [smem:$0x3FAC]  }
0x30: {  	s3 =	sld [smem:$0x3FAF]  }
0x31: {  	[smem:$0x3FB8] =	sst s10  }
0x32: {  	s10 =	sld [smem:$0x3FB6];
	_ =	sdelay $0x3  }
0x33: {  	p0 =	seq.s32 s10, $0x1;
	s10 =	sld [smem:$0x3FB8];
	_ =	sdelay $0x3  }
0x34: {  	[smem:$0x3FB8] =	sst s10  }
0x35: {  	s10 =	sld [smem:$0x3FB7];
	_ =	sdelay $0x3  }
0x36: {  	p1 =	seq.s32 s10, $0x1;
	s10 =	sld [smem:$0x3FB8];
	_ =	sdelay $0x3  }
0x37: {  	[smem:$0x3FB8] =	sst s10  }
0x38: {  	s10 =	sld [smem:$0x3FB9]  }
0x39: {  	_ = 	snop;
	(pc) =	sbr.ind lr, $3  }
0x3a: {  	_ = 	snop  }
0x3b: {  	_ = 	snop  }
0x3c: {  	p2 =	seq.s32 s10, $0x1;
	s10 =	sld [smem:$0x3FB8]  }
0x3d: {  	_ =	shalt  }
0x3e: {  	_ =	shalt  }
0x3f: {  	_ =	shalt  }
0x40: {  	_ =	shalt  }
0x41: {  	_ =	shalt  }
0x42: {  	_ =	shalt  }
0x43: {  	_ =	shalt  }
0x44: {  	_ =	shalt  }
0x45: {  	_ =	shalt  }
0x46: {  	_ =	shalt  }
0x47: {  	_ =	shalt  }
0x48: {  	_ =	shalt  }
0x49: {  	_ =	shalt  }
0x4a: {  	_ =	shalt  }
0x4b: {  	_ =	shalt  }
0x4c: {  	_ =	shalt  }
0x4d: {  	_ =	shalt  }
0x4e: {  	_ =	shalt  }
0x4f: {  	_ =	shalt  }
0x50: {  	_ =	shalt  }
0x51: {  	_ =	shalt  }
0x52: {  	_ =	shalt  }
0x53: {  	_ =	shalt  }
0x54: {  	_ =	shalt  }
0x55: {  	_ =	shalt  }
0x56: {  	_ =	shalt  }
0x57: {  	_ =	shalt  }
0x58: {  	_ =	shalt  }
0x59: {  	_ =	shalt  }
0x5a: {  	_ =	shalt  }
0x5b: {  	_ =	shalt  }
0x5c: {  	_ =	shalt  }
0x5d: {  	_ =	shalt  }
0x5e: {  	_ =	shalt  }
0x5f: {  	_ =	shalt  }
0x60: {  	_ =	shalt  }
0x61: {  	_ =	shalt  }
0x62: {  	_ =	shalt  }
0x63: {  	_ =	shalt  }
0x64: {  	_ =	shalt  }
0x65: {  	_ =	shalt  }
0x66: {  	_ =	shalt  }
0x67: {  	_ =	shalt  }
0x68: {  	_ =	shalt  }
0x69: {  	_ =	shalt  }
0x6a: {  	_ =	shalt  }
0x6b: {  	_ =	shalt  }
0x6c: {  	_ =	shalt  }
0x6d: {  	_ =	shalt  }
0x6e: {  	_ =	shalt  }
0x6f: {  	_ =	shalt  }
0x70: {  	_ =	shalt  }
0x71: {  	_ =	shalt  }
0x72: {  	_ =	shalt  }
0x73: {  	_ =	shalt  }
0x74: {  	_ =	shalt  }
0x75: {  	_ =	shalt  }
0x76: {  	_ =	shalt  }
0x77: {  	_ =	shalt  }
0x78: {  	_ =	shalt  }
0x79: {  	_ =	shalt  }
0x7a: {  	_ =	shalt  }
0x7b: {  	_ =	shalt  }
0x7c: {  	_ =	shalt  }
0x7d: {  	_ =	shalt  }
0x7e: {  	_ =	shalt  }
0x7f: {  	_ =	shalt  }
0x80: {  	_ =	shalt  }
0x81: {  	_ =	shalt  }
0x82: {  	_ =	shalt  }
0x83: {  	_ =	shalt  }
0x84: {  	_ =	shalt  }
0x85: {  	_ =	shalt  }
0x86: {  	_ =	shalt  }
0x87: {  	_ =	shalt  }
.Lfunc_end0:
.L_simem_size_0:
called_computation.2_lowered:
.L_overlay_start_0:
0x88: {  	s2 =	sld [smem:$0x3FD9]  }
0x89: {  	s3 =	sld [smem:$0x3FFE];
	_ =	sdelay $0x1  }
0x8a: {  	s1 =	srdreg.scid  }
0x8b: {  	s0 =	sand.u32 $0x1, s1  }
0x8c: {  	s17 =	sshll.u32 s0, $0xA;
	s2 =	sadd.s32 s3, s2  }
0x8d: {  	s2 =	sadd.s32 s2, s17  }
0x8e: {  	[smem:$0x3FC4] =	sst s2  }
0x8f: {  	_ = 	snop  }
0x90: {  	s2 =	sld [smem:$0x3FD0];
	(tm) =	ssettm $0x1  }
0x91: {  	s18 =	sld [smem:$0x3FFB];
	_ =	sdelay $0x3  }
0x92: {  	_ =	strace s18  }
0x93: {  	s3 =	sld [smem:$0x3FFC];
	_ =	sdelay $0x3  }
0x94: {  	_ =	strace s3  }
0x95: {  	s3 =	sld [smem:$0x3FFD];
	_ =	sdelay $0x3  }
0x96: {  	_ =	strace s3  }
0x97: {  	_ =	strace $0x8FFFFFFF  }
0x98: {  	s19 =	sld [smem:$0x3FDB];
	_ =	sdelay $0x1  }
0x99: {  	s4 =	simm.s32 $_scs_section_size  }
0x9a: {  	s5 =	simm.s32 $_size__tile_overlayer_lowered;
	s6 =	simm.s32 $_tile_overlayer_lowered  }
0x9b: {  	s22 =	simm.s32 $0x1BFF;
	s21 =	sshll.u32 s6, $0x1;
	s3 =	sadd.s32 s4, s19  }
0x9c: {  	s7 =	simm.s32 $0x0;
	s20 =	sshll.u32 s5, $0x1;
	s5 =	sadd.s32 s21, s3  }
0x9d: {  	[timem:s7], [sflag:s22] =	dma.local [hbm:s5], s20  }
0x9e: {  	_ =	swait.ge [sflag:s22], s20  }
0x9f: {  	s4 =	ssub.s32 $0x0, s20;
	[sflag:s22] =	ssyncset.done $0x0  }
0xa0: {  	[sflag:s22] =	ssyncadd.s32 s4;
	_ =	sdelay $0x1  }
0xa1: {  	s23 =	simm.s32 $0x1B8B  }
0xa2: {  	_ =	swait.ge [sflag:s23], $0x1  }
0xa3: {  	[sflag:s23] =	ssyncset.done $0x0  }
0xa4: {  	s25 =	simm.s32 $0x1B8E;
	s24 =	sld [smem:$0x3FFE];
	[sflag:s23] =	ssyncadd.s32 $0xFFFFFFFF  }
0xa5: {  	s26 =	simm.s32 $execute0_lowered;
	[smem:$0x3FD2] =	sst s25  }
0xa6: {  	s5 =	sshll.u32 s26, $0x1;
	_ =	strace $0x8000004C;
	[dreg:$0x1] =	wrdreg $0xFFFFFFFF  }
0xa7: {  	s28 =	simm.s32 $_size_execute0_lowered;
	s3 =	sadd.s32 s3, s5;
	[dreg:$0x0] =	wrdreg $0x0  }
0xa8: {  	s5 =	sshll.u32 s28, $0x1;
	[dreg:$0x2] =	wrdreg s3  }
0xa9: {  	[dreg:$0x3] =	wrdreg s5  }
0xaa: {  	[dreg:$0x4] =	wrdreg $0xC0  }
0xab: {  	_ =	task [dreg:s7], $0x5FFFF  }
0xac: {  	[dreg:$0x1] =	wrdreg $0xFFFFFFFF  }
0xad: {  	[dreg:$0x0] =	wrdreg $0x60  }
0xae: {  	[dreg:$0x2] =	wrdreg s24  }
0xaf: {  	[dreg:$0x3] =	wrdreg s2  }
0xb0: {  	[dreg:$0x4] =	wrdreg $0x9  }
0xb1: {  	_ =	task.clear_ibuf [dreg:s7], $0x5FFFF;
	_ =	strace $0x9000004C  }
0xb2: {  	s29 =	simm.s32 $0x9;
	_ =	strace $0x8000004E  }
0xb3: {  	_ =	swait.ge [sflag:s29], $0x1  }
0xb4: {  	[sflag:s29] =	ssyncadd.s32 $0xFFFFFFFF  }
0xb5: {  	_ =	strace $0x9000004E  }
0xb6: {  	_ =	sfence  }
0xb7: {  	s30 =	sld [smem:$0x0];
	_ =	sdelay $0x2  }
0xb8: {  	s31 =	sshll.u32 s1, $0xD;
	s1 =	sshrl.u32 s1, $0x2  }
0xb9: {  	s3 =	sand.u32 $0x4000, s31;
	s1 =	sadd.s32 s1, s30  }
0xba: {  	s0 =	sor.u32 s3, s0;
	s1 =	sshll.u32 s1, $0x11  }
0xbb: {  	s0 =	sor.u32 s1, s0  }
0xbc: {  	s0 =	sadd.s32 $0x8F2B, s0  }
0xbd: {  	[sflag:s0] =	ssyncadd.remote.s32 $0x1  }
0xbe: {  	_ =	sfence.sel $0xFFFF  }
0xbf: {  	[dreg:$0x0] =	wrdreg $0xFFFFFFFF;
	(pc) =	sbr.abs _section_cstart, $3  }
0xc0: {  	[dreg:$0x1] =	wrdreg $0xFFFFFFFF  }
0xc1: {  	_ =	task.clear_ibuf [dreg:s7], $0x2FFFF;
	_ =	strace $0x9FFFFFFF  }
0xc2: {  	(tm) =	ssettm $0x7FFFFFFF  }
0xc3: {  	_ =	shalt  }
tec
execute0_lowered:
.L_overlay_start_1:
0x0: {  	(tag) =	ssettag $0x1  }
0x1: {  	s3 =	rddreg [dreg:$0x0]  }
0x2: {  	s7 =	rddreg [dreg:$0x1]  }
0x3: {  	s2 =	srdreg.scid;
	s0 =	rddreg [dreg:$0x2]  }
0x4: {  	s1 =	stileid.u32;
	s11 =	simm.s32 $0x1000;
	s12 =	simm.s32 $0x1080  }
0x5: {  	s13 =	simm.s32 $0x1100;
	s4 =	sand.u32 $0x1, s2;
	s2 =	simm.s32 $0x0  }
0x6: {  	s5 =	sshll.u32 s1, $0x8;
	s6 =	sshll.u32 s4, $0x7;
	[smem:$0x7FF] =	sst s2  }
0x7: {  	s4 =	ssub.s32 $0x2, s4;
	s5 =	sor.u32 s6, s5;
	_ =	strace $0x8000004D  }
0x8: {  	s31 =	sshrl.u32 s4, $0x1;
	s6 =	sshll.u32 s5, $0x1;
	s8 =	sshrl.u32 s5, $0x3  }
0x9: {  	s10 =	ssub.s32 s4, s31;
	s6 =	sadd.s32 s6, s3;
	s9 =	sadd.s32 s8, s3  }
0xa: {  	s7 =	sadd.s32 s7, s8;
	s8 =	smax.u32 s10, $0x1;
	s10 =	simm.s32 $0x800  }
0xb: {  	v0 =	vlaneseq.u32;
	s14 =	simm.s32 $0x0;
	s3 =	sadd.s32 $0x1E9600, s6;
	s4 =	sadd.s32 $0x1EB600, s6  }
0xc: {  	v0 =	vmul.u32 $0x10, v0;
	s5 =	sadd.s32 $0x1ED600, s9;
	s6 =	sadd.s32 $0x1ED800, s9;
	s9 =	simm.s32 $0x1  }
.LBB2_1:
0xd: {  	[tilespmem:s2], [sflag:$0x1] =	stream.linear.gather [hbm4b:s3+s2], $0x800, $0x38;
	[tilespmem:$0x1180] =	vst v63  }
0xe: {  	_ =	swait.ge [sflag:s9], $0x800  }
0xf: {  	[sflag:s9] =	ssyncset.done $0x0  }
0x10: {  	[sflag:s9] =	ssyncadd.s32 $0xFFFFF800  }
0x11: {  	[tilespmem:s10], [sflag:$0x1] =	stream.linear.gather [hbm4b:s4+s2], $0x800, $0x38;
	[tilespmem:$0x1180] =	vst v63  }
0x12: {  	_ =	swait.ge [sflag:s9], $0x800  }
0x13: {  	[sflag:s9] =	ssyncset.done $0x0  }
0x14: {  	[sflag:s9] =	ssyncadd.s32 $0xFFFFF800  }
0x15: {  	[tilespmem:s11], [sflag:$0x1] =	stream.linear.gather [hbm4b:s5+s2], $0x80, $0x38;
	[tilespmem:$0x1180] =	vst v63  }
0x16: {  	_ =	swait.ge [sflag:s9], $0x80  }
0x17: {  	s15 =	simm.s32 $0x0;
	[sflag:s9] =	ssyncset.done $0x0  }
0x18: {  	v1 =	vmov s15;
	[sflag:s9] =	ssyncadd.s32 $0xFFFFFF80  }
0x19: {  	v1 =	vshll.u32 v1, $0x4;
	[tilespmem:s12], [sflag:$0x1] =	stream.linear.gather [hbm4b:s6+s2], $0x80, $0x38;
	[tilespmem:$0x1180] =	vst v63  }
0x1a: {  	v1 =	vor.u32 v0, v1;
	_ =	swait.ge [sflag:s9], $0x80  }
0x1b: {  	[sflag:s9] =	ssyncset.done $0x0  }
0x1c: {  	s15 =	simm.s32 $0x1010;
	v2 =	vor.u32 $0x1, v1;
	[sflag:s9] =	ssyncadd.s32 $0xFFFFFF80  }
0x1d: {  	s16 =	simm.s32 $0x1090;
	v3 =	vld [tilespmem:s15+$0xFFFFFFF0]  }
0x1e: {  	v5 =	vor.u32 $0x2, v1;
	v4 =	vld [tilespmem:s16+$0xFFFFFFF0]  }
0x1f: {  	v6 =	vld.idx.msk [tilespmem:v1+s2+$0x0], $0xffff  }
0x20: {  	v8 =	vor.u32 $0x3, v1;
	v7 =	vld.idx.msk [tilespmem:v1+s10+$0x0], $0xffff  }
0x21: {  	v9 =	vld.idx.msk [tilespmem:v2+s2+$0x0], $0xffff  }
0x22: {  	v10 =	vor.u32 $0x4, v1;
	v2 =	vld.idx.msk [tilespmem:v2+s10+$0x0], $0xffff  }
0x23: {  	v11 =	vld.idx.msk [tilespmem:v5+s2+$0x0], $0xffff  }
0x24: {  	v12 =	vor.u32 $0x5, v1;
	v5 =	vld.idx.msk [tilespmem:v5+s10+$0x0], $0xffff  }
0x25: {  	v13 =	vld.idx.msk [tilespmem:v8+s2+$0x0], $0xffff  }
0x26: {  	v14 =	vor.u32 $0x6, v1;
	v8 =	vld.idx.msk [tilespmem:v8+s10+$0x0], $0xffff  }
0x27: {  	v15 =	vld.idx.msk [tilespmem:v10+s2+$0x0], $0xffff  }
0x28: {  	v16 =	vor.u32 $0x7, v1;
	v10 =	vld.idx.msk [tilespmem:v10+s10+$0x0], $0xffff  }
0x29: {  	v17 =	vld.idx.msk [tilespmem:v12+s2+$0x0], $0xffff  }
0x2a: {  	v18 =	vor.u32 $0x8, v1;
	v12 =	vld.idx.msk [tilespmem:v12+s10+$0x0], $0xffff  }
0x2b: {  	v19 =	vld.idx.msk [tilespmem:v14+s2+$0x0], $0xffff  }
0x2c: {  	v20 =	vor.u32 $0x9, v1;
	v14 =	vld.idx.msk [tilespmem:v14+s10+$0x0], $0xffff  }
0x2d: {  	v21 =	vld.idx.msk [tilespmem:v16+s2+$0x0], $0xffff  }
0x2e: {  	v24 =	vor.u32 $0xB, v1;
	v16 =	vld.idx.msk [tilespmem:v16+s10+$0x0], $0xffff  }
0x2f: {  	v23 =	vld.idx.msk [tilespmem:v18+s2+$0x0], $0xffff  }
0x30: {  	v28 =	vor.u32 $0xE, v1;
	v18 =	vld.idx.msk [tilespmem:v18+s10+$0x0], $0xffff  }
0x31: {  	v25 =	vld.idx.msk [tilespmem:v20+s2+$0x0], $0xffff  }
0x32: {  	v20 =	vld.idx.msk [tilespmem:v20+s10+$0x0], $0xffff  }
0x33: {  	v22 =	vor.u32 $0xA, v1;
	v46 =	vld.idx.msk [tilespmem:v24+s2+$0x0], $0xffff;
	v3 =	vadd.f32 v4, v3;
	v4 =	vadd.f32 v7, v6  }
0x34: {  	v26 =	vor.u32 $0xC, v1;
	v24 =	vld.idx.msk [tilespmem:v24+s10+$0x0], $0xffff  }
0x35: {  	s17 =	simm.s32 $0x10;
	v48 =	vld.idx.msk [tilespmem:v28+s2+$0x0], $0xffff;
	v2 =	vadd.f32 v2, v9;
	v3 =	vsub.f32 $0.0e+00, v3;
	v4 =	vmul.f32 v4, v4  }
0x36: {  	v27 =	vmov s17;
	v49 =	vld.idx.msk [tilespmem:v28+s10+$0x0], $0xffff;
	v7 =	vor.u32 $0xD, v1;
	v1 =	vor.u32 $0xF, v1  }
0x37: {  	v53 =	vld [tilespmem:s16+$0x0];
	v2 =	vmul.f32 v2, v2;
	v3 =	vadd.f32 v4, v3;
	v4 =	vadd.f32 v5, v11  }
0x38: {  	v47 =	vshll.u32 v27, $0x4;
	v6 =	vld.idx.msk [tilespmem:v22+s2+$0x0], $0xffff  }
0x39: {  	v22 =	vld.idx.msk [tilespmem:v22+s10+$0x0], $0xffff;
	v2 =	vadd.f32 v2, v3;
	v3 =	vmul.f32 v4, v4;
	v4 =	vadd.f32 v8, v13  }
0x3a: {  	v5 =	vld.idx.msk [tilespmem:v26+s2+$0x0], $0xffff;
	v11 =	vor.u32 v0, v47  }
0x3b: {  	v26 =	vld.idx.msk [tilespmem:v26+s10+$0x0], $0xffff;
	v2 =	vadd.f32 v3, v2;
	v3 =	vmul.f32 v4, v4;
	v4 =	vadd.f32 v10, v15  }
0x3c: {  	v50 =	vld.idx.msk [tilespmem:v1+s2+$0x0], $0xffff  }
0x3d: {  	v1 =	vld.idx.msk [tilespmem:v1+s10+$0x0], $0xffff;
	v2 =	vadd.f32 v3, v2;
	v3 =	vmul.f32 v4, v4;
	v4 =	vadd.f32 v12, v17  }
0x3e: {  	v51 =	vor.u32 $0x1, v11;
	v8 =	vld.idx.msk [tilespmem:v7+s2+$0x0], $0xffff  }
0x3f: {  	v7 =	vld.idx.msk [tilespmem:v7+s10+$0x0], $0xffff;
	v2 =	vadd.f32 v3, v2;
	v3 =	vmul.f32 v4, v4;
	v4 =	vadd.f32 v14, v19  }
0x40: {  	v52 =	vld.idx.msk [tilespmem:v11+s2+$0x0], $0xffff;
	v17 =	vor.u32 $0x2, v11  }
0x41: {  	v2 =	vadd.f32 v3, v2;
	v3 =	vmul.f32 v4, v4;
	v4 =	vadd.f32 v16, v21;
	v16 =	vld [tilespmem:s15+$0x0]  }
0x42: {  	v20 =	vadd.f32 v20, v25;
	v19 =	vld.idx.msk [tilespmem:v11+s10+$0x0], $0xffff;
	v21 =	vor.u32 $0x3, v11  }
0x43: {  	v15 =	vld.idx.msk [tilespmem:v51+s10+$0x0], $0xffff;
	v2 =	vadd.f32 v3, v2;
	v3 =	vmul.f32 v4, v4;
	v4 =	vadd.f32 v18, v23  }
0x44: {  	v9 =	vadd.f32 v24, v46;
	v20 =	vmul.f32 v20, v20;
	v18 =	vld.idx.msk [tilespmem:v51+s2+$0x0], $0xffff;
	v23 =	vor.u32 $0x4, v11  }
0x45: {  	v54 =	vor.u32 $0x5, v11;
	v2 =	vadd.f32 v3, v2;
	v3 =	vmul.f32 v4, v4;
	v4 =	vld.idx.msk [tilespmem:v17+s2+$0x0], $0xffff  }
0x46: {  	v29 =	vor.u32 $0x6, v11;
	v30 =	vor.u32 $0x7, v11;
	v17 =	vld.idx.msk [tilespmem:v17+s10+$0x0], $0xffff;
	v16 =	vadd.f32 v53, v16  }
0x47: {  	v31 =	vor.u32 $0x8, v11;
	v56 =	vld.idx.msk [tilespmem:v21+s2+$0x0], $0xffff;
	v2 =	vadd.f32 v3, v2;
	v3 =	vadd.f32 v19, v52  }
0x48: {  	v55 =	vor.u32 $0x9, v11;
	v57 =	vor.u32 $0xB, v11;
	v6 =	vadd.f32 v22, v6;
	v21 =	vld.idx.msk [tilespmem:v21+s10+$0x0], $0xffff  }
0x49: {  	v22 =	vld.idx.msk [tilespmem:v23+s2+$0x0], $0xffff;
	v15 =	vadd.f32 v15, v18;
	v16 =	vsub.f32 $0.0e+00, v16;
	v3 =	vmul.f32 v3, v3  }
0x4a: {  	v32 =	vor.u32 $0xC, v11;
	v6 =	vmul.f32 v6, v6;
	v18 =	vld.idx.msk [tilespmem:v23+s10+$0x0], $0xffff;
	v2 =	vadd.f32 v20, v2  }
0x4b: {  	v20 =	vld.idx.msk [tilespmem:v54+s2+$0x0], $0xffff;
	v15 =	vmul.f32 v15, v15;
	v4 =	vadd.f32 v17, v4;
	v3 =	vadd.f32 v3, v16  }
0x4c: {  	v5 =	vadd.f32 v26, v5;
	v16 =	vld.idx.msk [tilespmem:v54+s10+$0x0], $0xffff;
	v2 =	vadd.f32 v6, v2;
	v6 =	vmul.f32 v9, v9  }
0x4d: {  	v58 =	vld.idx.msk [tilespmem:v29+s2+$0x0], $0xffff;
	v14 =	vadd.f32 v21, v56;
	v4 =	vmul.f32 v4, v4;
	v3 =	vadd.f32 v15, v3  }
0x4e: {  	v59 =	vld.idx.msk [tilespmem:v29+s10+$0x0], $0xffff;
	v5 =	vmul.f32 v5, v5;
	v2 =	vadd.f32 v6, v2;
	v6 =	vadd.f32 v7, v8  }
0x4f: {  	v60 =	vld.idx.msk [tilespmem:v30+s10+$0x0], $0xffff;
	v8 =	vadd.f32 v18, v22;
	v3 =	vadd.f32 v4, v3;
	v4 =	vmul.f32 v14, v14  }
0x50: {  	v61 =	vld.idx.msk [tilespmem:v31+s2+$0x0], $0xffff;
	v2 =	vadd.f32 v5, v2;
	v5 =	vmul.f32 v6, v6;
	v6 =	vadd.f32 v49, v48  }
0x51: {  	v62 =	vld.idx.msk [tilespmem:v31+s10+$0x0], $0xffff;
	v3 =	vadd.f32 v4, v3;
	v4 =	vmul.f32 v8, v8;
	v8 =	vadd.f32 v16, v20  }
0x52: {  	v19 =	vor.u32 $0xA, v11;
	v7 =	vld.idx.msk [tilespmem:v30+s2+$0x0], $0xffff;
	v2 =	vadd.f32 v5, v2;
	v5 =	vmul.f32 v6, v6  }
0x53: {  	v63 =	vld.idx.msk [tilespmem:v55+s2+$0x0], $0xffff;
	v6 =	vadd.f32 v59, v58;
	v3 =	vadd.f32 v4, v3;
	v4 =	vmul.f32 v8, v8  }
0x54: {  	v1 =	vadd.f32 v1, v50;
	v23 =	vld.idx.msk [tilespmem:v32+s10+$0x0], $0xffff  }
0x55: {  	v21 =	vld.idx.msk [tilespmem:v32+s2+$0x0], $0xffff;
	v3 =	vadd.f32 v4, v3;
	v4 =	vmul.f32 v6, v6  }
0x56: {  	v1 =	vmul.f32 v1, v1;
	v8 =	vld.idx.msk [tilespmem:v55+s10+$0x0], $0xffff;
	v2 =	vadd.f32 v5, v2  }
0x57: {  	v18 =	vld.idx.msk [tilespmem:v19+s2+$0x0], $0xffff;
	v5 =	vadd.f32 v60, v7;
	v4 =	vadd.f32 v4, v3;
	v3 =	vor.u32 $0xD, v11  }
0x58: {  	v22 =	vld.idx.msk [tilespmem:v57+s10+$0x0], $0xffff;
	v7 =	vadd.f32 v62, v61  }
0x59: {  	v20 =	vld.idx.msk [tilespmem:v19+s10+$0x0], $0xffff;
	v6 =	vadd.f32 v1, v2;
	v5 =	vmul.f32 v5, v5;
	v2 =	vor.u32 $0xE, v11  }
0x5a: {  	s17 =	simm.s32 $0x1110;
	v19 =	vld.idx.msk [tilespmem:v57+s2+$0x0], $0xffff;
	v1 =	vor.u32 $0xF, v11  }
0x5b: {  	s18 =	simm.s32 $0x0;
	s19 =	simm.s32 $0x30;
	v7 =	vmul.f32 v7, v7;
	[tilespmem:s17+$0xFFFFFFF0] =	vst v6;
	v6 =	vadd.f32 v5, v4;
	v5 =	vadd.f32 v8, v63  }
.LBB2_2:
0x5c: {  	s20 =	sadd.s32 $0xFFFFFFF0, s19;
	v4 =	vmov s19;
	v24 =	vld.idx.msk [tilespmem:v3+s2+$0x0], $0xffff  }
0x5d: {  	s18 =	sadd.s32 $0x2, s18;
	v8 =	vmov s20;
	v4 =	vshll.u32 v4, $0x4;
	v25 =	vadd.f32 v7, v6;
	v26 =	vld.idx.msk [tilespmem:v3+s10+$0x0], $0xffff  }
0x5e: {  	p0 =	slt.u32 s18, $0x6;
	v27 =	vmul.f32 v5, v5;
	v3 =	vshll.u32 v8, $0x4;
	v16 =	vor.u32 v0, v4;
	v28 =	vld.idx.msk [tilespmem:v2+s2+$0x0], $0xffff  }
0x5f: {  	v17 =	vor.u32 v0, v3;
	v15 =	vor.u32 $0x1, v16;
	v14 =	vor.u32 $0x2, v16;
	v29 =	vld.idx.msk [tilespmem:v2+s10+$0x0], $0xffff  }
0x60: {  	v13 =	vor.u32 $0x3, v16;
	v12 =	vor.u32 $0x4, v16;
	v11 =	vor.u32 $0x5, v16;
	v30 =	vld.idx.msk [tilespmem:v1+s2+$0x0], $0xffff  }
0x61: {  	s15 =	sadd.s32 $0x20, s15;
	v10 =	vor.u32 $0x6, v16;
	v9 =	vor.u32 $0x7, v16;
	v31 =	vor.u32 $0x1, v17;
	v32 =	vld.idx.msk [tilespmem:v1+s10+$0x0], $0xffff  }
0x62: {  	s16 =	sadd.s32 $0x20, s16;
	v8 =	vor.u32 $0x8, v16;
	v7 =	vor.u32 $0x9, v16;
	v6 =	vor.u32 $0xA, v16;
	v33 =	vld [tilespmem:s15+$0xFFFFFFF0]  }
0x63: {  	v5 =	vor.u32 $0xB, v16;
	v4 =	vor.u32 $0xC, v16;
	v35 =	vor.u32 $0x2, v17;
	v34 =	vld [tilespmem:s16+$0xFFFFFFF0]  }
0x64: {  	v18 =	vadd.f32 v20, v18;
	v3 =	vor.u32 $0xD, v16;
	v25 =	vadd.f32 v27, v25;
	v36 =	vld.idx.msk [tilespmem:v17+s2+$0x0], $0xffff  }
0x65: {  	v19 =	vadd.f32 v22, v19;
	v2 =	vor.u32 $0xE, v16;
	v27 =	vor.u32 $0x3, v17;
	v20 =	vld.idx.msk [tilespmem:v17+s10+$0x0], $0xffff  }
0x66: {  	v18 =	vmul.f32 v18, v18;
	v21 =	vadd.f32 v23, v21;
	v1 =	vor.u32 $0xF, v16;
	v22 =	vld.idx.msk [tilespmem:v31+s2+$0x0], $0xffff  }
0x67: {  	v19 =	vmul.f32 v19, v19;
	v24 =	vadd.f32 v26, v24;
	v23 =	vld.idx.msk [tilespmem:v31+s10+$0x0], $0xffff;
	v31 =	vor.u32 $0x4, v17  }
0x68: {  	v18 =	vadd.f32 v18, v25;
	v21 =	vmul.f32 v21, v21;
	v25 =	vadd.f32 v29, v28;
	v26 =	vld.idx.msk [tilespmem:v35+s2+$0x0], $0xffff  }
0x69: {  	v29 =	vor.u32 $0x5, v17;
	v24 =	vmul.f32 v24, v24;
	v30 =	vadd.f32 v32, v30;
	v28 =	vld.idx.msk [tilespmem:v35+s10+$0x0], $0xffff  }
0x6a: {  	v18 =	vadd.f32 v19, v18;
	v19 =	vmul.f32 v25, v25;
	v32 =	vld.idx.msk [tilespmem:v27+s2+$0x0], $0xffff  }
0x6b: {  	v25 =	vadd.f32 v34, v33;
	v33 =	vor.u32 $0x6, v17;
	v20 =	vadd.f32 v20, v36;
	v27 =	vld.idx.msk [tilespmem:v27+s10+$0x0], $0xffff  }
0x6c: {  	v18 =	vadd.f32 v21, v18;
	v21 =	vmul.f32 v30, v30;
	v35 =	vor.u32 $0x7, v17;
	v34 =	vld.idx.msk [tilespmem:v31+s2+$0x0], $0xffff  }
0x6d: {  	v25 =	vsub.f32 $0.0e+00, v25;
	v20 =	vmul.f32 v20, v20;
	v22 =	vadd.f32 v23, v22;
	v23 =	vld.idx.msk [tilespmem:v31+s10+$0x0], $0xffff  }
0x6e: {  	v18 =	vadd.f32 v24, v18;
	v31 =	vor.u32 $0x8, v17;
	v30 =	vld.idx.msk [tilespmem:v29+s2+$0x0], $0xffff  }
0x6f: {  	v20 =	vadd.f32 v20, v25;
	v22 =	vmul.f32 v22, v22;
	v24 =	vadd.f32 v28, v26;
	v25 =	vld.idx.msk [tilespmem:v29+s10+$0x0], $0xffff  }
0x70: {  	v18 =	vadd.f32 v19, v18;
	v28 =	vor.u32 $0x9, v17;
	v26 =	vld.idx.msk [tilespmem:v33+s2+$0x0], $0xffff  }
0x71: {  	v19 =	vadd.f32 v22, v20;
	v20 =	vmul.f32 v24, v24;
	v22 =	vadd.f32 v27, v32;
	v24 =	vld.idx.msk [tilespmem:v33+s10+$0x0], $0xffff  }
0x72: {  	v18 =	vadd.f32 v21, v18;
	v29 =	vor.u32 $0xA, v17;
	v27 =	vld.idx.msk [tilespmem:v35+s2+$0x0], $0xffff  }
0x73: {  	v19 =	vadd.f32 v20, v19;
	v20 =	vmul.f32 v22, v22;
	v21 =	vadd.f32 v23, v34;
	v22 =	vld.idx.msk [tilespmem:v35+s10+$0x0], $0xffff  }
0x74: {  	v32 =	vor.u32 $0xB, v17;
	v23 =	vld.idx.msk [tilespmem:v31+s2+$0x0], $0xffff;
	[tilespmem:s17+$0x0] =	vst v18  }
0x75: {  	v18 =	vadd.f32 v20, v19;
	v19 =	vmul.f32 v21, v21;
	v20 =	vadd.f32 v25, v30;
	v21 =	vld.idx.msk [tilespmem:v31+s10+$0x0], $0xffff  }
0x76: {  	v30 =	vor.u32 $0xC, v17;
	v25 =	vld.idx.msk [tilespmem:v28+s2+$0x0], $0xffff  }
0x77: {  	v18 =	vadd.f32 v19, v18;
	v19 =	vmul.f32 v20, v20;
	v20 =	vadd.f32 v24, v26;
	v24 =	vld.idx.msk [tilespmem:v28+s10+$0x0], $0xffff  }
0x78: {  	v28 =	vor.u32 $0xD, v17;
	v26 =	vld.idx.msk [tilespmem:v29+s2+$0x0], $0xffff  }
0x79: {  	v18 =	vadd.f32 v19, v18;
	v19 =	vmul.f32 v20, v20;
	v20 =	vadd.f32 v22, v27;
	v22 =	vld.idx.msk [tilespmem:v29+s10+$0x0], $0xffff  }
0x7a: {  	v29 =	vor.u32 $0xE, v17;
	v27 =	vld.idx.msk [tilespmem:v32+s2+$0x0], $0xffff  }
0x7b: {  	v18 =	vadd.f32 v19, v18;
	v19 =	vmul.f32 v20, v20;
	v20 =	vadd.f32 v21, v23;
	v21 =	vld.idx.msk [tilespmem:v32+s10+$0x0], $0xffff  }
0x7c: {  	v17 =	vor.u32 $0xF, v17;
	v23 =	vld.idx.msk [tilespmem:v30+s2+$0x0], $0xffff  }
0x7d: {  	v18 =	vadd.f32 v19, v18;
	v19 =	vmul.f32 v20, v20;
	v20 =	vadd.f32 v24, v25;
	v24 =	vld.idx.msk [tilespmem:v30+s10+$0x0], $0xffff  }
0x7e: {  	v25 =	vld.idx.msk [tilespmem:v28+s2+$0x0], $0xffff  }
0x7f: {  	v18 =	vadd.f32 v19, v18;
	v19 =	vmul.f32 v20, v20;
	v20 =	vadd.f32 v22, v26;
	v22 =	vld.idx.msk [tilespmem:v28+s10+$0x0], $0xffff  }
0x80: {  	v26 =	vld.idx.msk [tilespmem:v29+s2+$0x0], $0xffff  }
0x81: {  	v18 =	vadd.f32 v19, v18;
	v19 =	vmul.f32 v20, v20;
	v20 =	vadd.f32 v21, v27;
	v21 =	vld.idx.msk [tilespmem:v29+s10+$0x0], $0xffff  }
0x82: {  	v27 =	vld.idx.msk [tilespmem:v17+s2+$0x0], $0xffff  }
0x83: {  	v18 =	vadd.f32 v19, v18;
	v19 =	vmul.f32 v20, v20;
	v20 =	vadd.f32 v24, v23;
	v17 =	vld.idx.msk [tilespmem:v17+s10+$0x0], $0xffff  }
0x84: {  	v23 =	vld.idx.msk [tilespmem:v16+s2+$0x0], $0xffff  }
0x85: {  	v18 =	vadd.f32 v19, v18;
	v19 =	vmul.f32 v20, v20;
	v20 =	vadd.f32 v22, v25;
	v16 =	vld.idx.msk [tilespmem:v16+s10+$0x0], $0xffff  }
0x86: {  	v22 =	vld [tilespmem:s15+$0x0]  }
0x87: {  	v18 =	vadd.f32 v19, v18;
	v19 =	vmul.f32 v20, v20;
	v20 =	vadd.f32 v21, v26;
	v21 =	vld [tilespmem:s16+$0x0]  }
0x88: {  	v24 =	vld.idx.msk [tilespmem:v15+s2+$0x0], $0xffff  }
0x89: {  	v18 =	vadd.f32 v19, v18;
	v19 =	vmul.f32 v20, v20;
	v17 =	vadd.f32 v17, v27;
	v15 =	vld.idx.msk [tilespmem:v15+s10+$0x0], $0xffff  }
0x8a: {  	v20 =	vld.idx.msk [tilespmem:v14+s2+$0x0], $0xffff  }
0x8b: {  	v18 =	vadd.f32 v19, v18;
	v17 =	vmul.f32 v17, v17;
	v16 =	vadd.f32 v16, v23;
	v14 =	vld.idx.msk [tilespmem:v14+s10+$0x0], $0xffff  }
0x8c: {  	v19 =	vadd.f32 v21, v22;
	v21 =	vld.idx.msk [tilespmem:v13+s2+$0x0], $0xffff  }
0x8d: {  	v17 =	vadd.f32 v17, v18;
	v16 =	vmul.f32 v16, v16;
	v13 =	vld.idx.msk [tilespmem:v13+s10+$0x0], $0xffff  }
0x8e: {  	s17 =	sadd.s32 $0x20, s17;
	v18 =	vsub.f32 $0.0e+00, v19;
	v19 =	vld.idx.msk [tilespmem:v12+s2+$0x0], $0xffff  }
0x8f: {  	v15 =	vadd.f32 v15, v24;
	[tilespmem:s17+$0xFFFFFFF0] =	vst v17;
	v12 =	vld.idx.msk [tilespmem:v12+s10+$0x0], $0xffff  }
0x90: {  	v16 =	vadd.f32 v16, v18;
	v17 =	vld.idx.msk [tilespmem:v11+s2+$0x0], $0xffff  }
0x91: {  	v15 =	vmul.f32 v15, v15;
	v14 =	vadd.f32 v14, v20;
	v11 =	vld.idx.msk [tilespmem:v11+s10+$0x0], $0xffff  }
0x92: {  	v18 =	vld.idx.msk [tilespmem:v10+s2+$0x0], $0xffff  }
0x93: {  	v15 =	vadd.f32 v15, v16;
	v14 =	vmul.f32 v14, v14;
	v13 =	vadd.f32 v13, v21;
	v10 =	vld.idx.msk [tilespmem:v10+s10+$0x0], $0xffff  }
0x94: {  	v16 =	vld.idx.msk [tilespmem:v9+s2+$0x0], $0xffff  }
0x95: {  	v14 =	vadd.f32 v14, v15;
	v13 =	vmul.f32 v13, v13;
	v12 =	vadd.f32 v12, v19;
	v9 =	vld.idx.msk [tilespmem:v9+s10+$0x0], $0xffff  }
0x96: {  	v15 =	vld.idx.msk [tilespmem:v8+s2+$0x0], $0xffff  }
0x97: {  	v13 =	vadd.f32 v13, v14;
	v12 =	vmul.f32 v12, v12;
	v11 =	vadd.f32 v11, v17;
	v8 =	vld.idx.msk [tilespmem:v8+s10+$0x0], $0xffff  }
0x98: {  	v14 =	vld.idx.msk [tilespmem:v7+s2+$0x0], $0xffff  }
0x99: {  	v12 =	vadd.f32 v12, v13;
	v11 =	vmul.f32 v11, v11;
	v10 =	vadd.f32 v10, v18;
	v13 =	vld.idx.msk [tilespmem:v7+s10+$0x0], $0xffff  }
0x9a: {  	v18 =	vld.idx.msk [tilespmem:v6+s2+$0x0], $0xffff  }
.Ltmp0:
0x9b: {  	v7 =	vadd.f32 v11, v12;
	v10 =	vmul.f32 v10, v10;
	v9 =	vadd.f32 v9, v16;
	v20 =	vld.idx.msk [tilespmem:v6+s10+$0x0], $0xffff;
	(pc) =	sbr.rel @p0 .LBB2_2-.Ltmp0, $4  }
0x9c: {  	v19 =	vld.idx.msk [tilespmem:v5+s2+$0x0], $0xffff  }
0x9d: {  	v6 =	vadd.f32 v10, v7;
	v7 =	vmul.f32 v9, v9;
	v8 =	vadd.f32 v8, v15;
	v22 =	vld.idx.msk [tilespmem:v5+s10+$0x0], $0xffff  }
0x9e: {  	v21 =	vld.idx.msk [tilespmem:v4+s2+$0x0], $0xffff  }
0x9f: {  	s19 =	sadd.s32 $0x20, s19;
	v6 =	vadd.f32 v7, v6;
	v7 =	vmul.f32 v8, v8;
	v5 =	vadd.f32 v13, v14;
	v23 =	vld.idx.msk [tilespmem:v4+s10+$0x0], $0xffff  }
0xa0: {  	_ =	sdelay $0x3  }
0xa1: {  	v4 =	vld.idx.msk [tilespmem:v3+s2+$0x0], $0xffff;
	v61 =	vadd.f32 v20, v18;
	v6 =	vadd.f32 v7, v6;
	v5 =	vmul.f32 v5, v5  }
0xa2: {  	v3 =	vld.idx.msk [tilespmem:v3+s10+$0x0], $0xffff  }
0xa3: {  	v8 =	vld.idx.msk [tilespmem:v2+s2+$0x0], $0xffff;
	v62 =	vadd.f32 v22, v19;
	v7 =	vmul.f32 v61, v61;
	v5 =	vadd.f32 v5, v6  }
0xa4: {  	v2 =	vld.idx.msk [tilespmem:v2+s10+$0x0], $0xffff  }
0xa5: {  	v9 =	vld.idx.msk [tilespmem:v1+s2+$0x0], $0xffff;
	v10 =	vadd.f32 v23, v21;
	v6 =	vmul.f32 v62, v62;
	v5 =	vadd.f32 v7, v5  }
0xa6: {  	v1 =	vld.idx.msk [tilespmem:v1+s10+$0x0], $0xffff  }
0xa7: {  	v3 =	vadd.f32 v3, v4;
	v63 =	vmul.f32 v10, v10;
	v5 =	vadd.f32 v6, v5;
	_ =	sdelay $0x1  }
0xa8: {  	v2 =	vadd.f32 v2, v8;
	v3 =	vmul.f32 v3, v3;
	v4 =	vadd.f32 v63, v5;
	_ =	sdelay $0x1  }
0xa9: {  	v1 =	vadd.f32 v1, v9;
	v2 =	vmul.f32 v2, v2;
	v3 =	vadd.f32 v3, v4;
	_ =	sdelay $0x1  }
0xaa: {  	v1 =	vmul.f32 v1, v1;
	v2 =	vadd.f32 v2, v3;
	_ =	sdelay $0x1  }
0xab: {  	s14 =	sadd.s32 $0x1, s14;
	v1 =	vadd.f32 v1, v2  }
0xac: {  	p0 =	sne.s32 s14, s8  }
.Ltmp1:
0xad: {  	[tilespmem:s17+$0x0] =	vst v1;
	(pc) =	sbr.rel @p0 .LBB2_1-.Ltmp1, $4  }
0xae: {  	[hbm4b:s7+s2] =	stream.linear.scatter [tilespmem:s13], [sflag:$0x1], $0x80, $0x38;
	[tilespmem:$0x1180] =	vst v63  }
0xaf: {  	_ =	swait.ge [sflag:s9], $0x80  }
0xb0: {  	[sflag:s9] =	ssyncset.done $0x0  }
0xb1: {  	[sflag:s9] =	ssyncadd.s32 $0xFFFFFF80  }
0xb2: {  	_ =	sfence.sel $0x180000  }
0xb3: {  	[bflag:$0x0] =	sbarrier.arrive $0xFFFF  }
0xb4: {  	p0 =	sne.s32 s1, $0x0;
	_ =	strace $0x9000004D  }
0xb5: {  	s0 =	sadd.s32 @!p0 $0x100000, s0;
	[bflag:$0x2] =	sbarrier.arrive $0xFFFF  }
0xb6: {  	[sflag:s0] =	ssyncadd.tile.s32 @!p0 $0x1;
	_ =	shalt  }
.Lfunc_end2:
_tile_overlayer_lowered:
.L_overlay_start_2:
0xb7: {  	(tag) =	ssettag $0x2  }
0xb8: {  	s0 =	rddreg [dreg:$0x0];
	s2 =	stileid.u32  }
0xb9: {  	s1 =	rddreg [dreg:$0x1];
	p0 =	sne.s32 s2, $0x0  }
0xba: {  	s3 =	rddreg [dreg:$0x2];
	[bflag:$0x3] =	sbarrier.arrive $0xFFFF;
	s2 =	simm.s32 @!p0 $0x1C01  }
0xbb: {  	[timem:s3], [sflag:s2] =	dma.local @!p0 [hbm:s0], s1  }
0xbc: {  	s0 =	simm.s32 @!p0 $0x1  }
0xbd: {  	_ =	swait.ge @!p0 [sflag:s0], s1  }
0xbe: {  	s1 =	ssub.s32 @!p0 $0x0, s1;
	[sflag:s0] =	ssyncset.done @!p0 $0x0  }
0xbf: {  	[sflag:s0] =	ssyncadd.s32 @!p0 s1  }
0xc0: {  	[bflag:$0x3] =	sbarrier.arrive $0xFFFF  }
0xc1: {  	_ =	shalt  }

// kernel: kernel.5.cloned.1.call-start
scs
__scs_entry_jumppad:
0x0: {  	(pc) =	sbr.rel $0x88, $3  }
0x1: {  	(tag) =	ssettag $0x0;
	lr =	simm.s32 $0x1  }
0x2: {  	[smem:$0x3F9D] =	sst lr;
	_ =	strace $0xD0000000  }
0x3: {  	_ = 	snop  }
0x4: {  	_ = 	snop  }
0x5: {  	_ = 	snop  }
0x6: {  	_ = 	snop  }
0x7: {  	_ = 	snop  }
__scs_overlays_trampoline_lowered:
0x8: {  	[smem:$0x3FAC] =	sst s0  }
0x9: {  	[smem:$0x3FAD] =	sst s1  }
0xa: {  	[smem:$0x3FAE] =	sst s2  }
0xb: {  	[smem:$0x3FAF] =	sst s3  }
0xc: {  	[smem:$0x3FB0] =	sst s4  }
0xd: {  	[smem:$0x3FB1] =	sst s5  }
0xe: {  	[smem:$0x3FB2] =	sst s6  }
0xf: {  	[smem:$0x3FB3] =	sst s7  }
0x10: {  	[smem:$0x3FB4] =	sst s8  }
0x11: {  	[smem:$0x3FB5] =	sst s9;
	s0 =	simm.s32 @!p0 $0x0  }
0x12: {  	s1 =	sld [smem:$0x3F9B];
	s0 =	simm.s32 @p0 $0x1  }
0x13: {  	[smem:$0x3FB6] =	sst s0;
	s0 =	simm.s32 @!p1 $0x0  }
0x14: {  	s2 =	sld [smem:$0x3F9A];
	s0 =	simm.s32 @p1 $0x1  }
0x15: {  	[smem:$0x3FB7] =	sst s0;
	s0 =	simm.s32 @!p2 $0x0  }
0x16: {  	s3 =	sld [smem:$0x3FDB];
	s0 =	simm.s32 @p2 $0x1  }
0x17: {  	s4 =	simm.s32 $0x1BF5;
	[smem:$0x3FB9] =	sst s0  }
0x18: {  	s0 =	sld [smem:$0x3F9C];
	_ =	swait.ge [sflag:s4], $0x0  }
0x19: {  	s7 =	sld [smem:$0x3F9D]  }
0x1a: {  	s8 =	sadd.s32 $0xFFFFE003, lr  }
0x1b: {  	s9 =	sadd.s32 $0xFFFFFEF7, lr;
	s5 =	simm.s32 $0xFFFFFFFF;
	p2 =	slt.u32 s8, $0xFFFFF086  }
0x1c: {  	p1 =	slt.u32 s9, $0xF7A;
	s5 =	simm.s32 @!p2 $0x0  }
0x1d: {  	s5 =	simm.s32 @p1 $0x1;
	p0 =	seq.s32 s7, s2  }
0x1e: {  	s7 =	smul.u32 @!p0 $0xF7A, s2;
	p2 =	seq.s32 @!p0 s5, $0x0  }
0x1f: {  	s9 =	smul.u32 $0xF7A, s1;
	s8 =	simm.s32 @!p0 $0x1BF5;
	p2 =	por !p2, p0  }
0x20: {  	[sflag:s8] =	ssyncset.s32 @!p0 $0xFFFFF086;
	s6 =	sadd.s32 @!p0 s3, s7;
	s7 =	simm.s32 @!p0 $0x108  }
0x21: {  	s3 =	sadd.s32 s3, s9;
	s6 =	sadd.s32 @!p0 $0x88, s6;
	s7 =	simm.s32 @p2 $0x1082  }
0x22: {  	[simem:s7], [sflag:s8] =	dma.local @!p0 [hbm:s6], $0xF7A  }
0x23: {  	s9 =	sor.u32 $0xD0000000, s2;
	s6 =	simm.s32 $0x108;
	_ =	swait.ge @!p0 [sflag:s8], $0x0  }
0x24: {  	s3 =	sadd.s32 $0x88, s3;
	s6 =	simm.s32 @!p1 $0x1082;
	[sflag:s4] =	ssyncset.s32 $0xFFFFF086  }
0x25: {  	[simem:s6], [sflag:s4] =	dma.local [hbm:s3], $0xF7A  }
0x26: {  	[smem:$0x3F9D] =	sst s1;
	(tag) =	ssettag s2;
	_ =	strace s9  }
0x27: {  	s1 =	sld [smem:$0x3FAD]  }
0x28: {  	s2 =	sld [smem:$0x3FAE]  }
0x29: {  	s4 =	sld [smem:$0x3FB0]  }
0x2a: {  	p0 =	seq.s32 s5, $0x0;
	s5 =	sld [smem:$0x3FB1]  }
0x2b: {  	s6 =	sld [smem:$0x3FB2]  }
0x2c: {  	s7 =	sld [smem:$0x3FB3]  }
0x2d: {  	s3 =	simm.s32 $0x108;
	s8 =	sld [smem:$0x3FB4]  }
0x2e: {  	s3 =	simm.s32 @!p0 $0x1082;
	s9 =	sld [smem:$0x3FB5]  }
0x2f: {  	lr =	sadd.s32 s0, s3;
	s0 =	sld [smem:$0x3FAC]  }
0x30: {  	s3 =	sld [smem:$0x3FAF]  }
0x31: {  	[smem:$0x3FB8] =	sst s10  }
0x32: {  	s10 =	sld [smem:$0x3FB6];
	_ =	sdelay $0x3  }
0x33: {  	p0 =	seq.s32 s10, $0x1;
	s10 =	sld [smem:$0x3FB8];
	_ =	sdelay $0x3  }
0x34: {  	[smem:$0x3FB8] =	sst s10  }
0x35: {  	s10 =	sld [smem:$0x3FB7];
	_ =	sdelay $0x3  }
0x36: {  	p1 =	seq.s32 s10, $0x1;
	s10 =	sld [smem:$0x3FB8];
	_ =	sdelay $0x3  }
0x37: {  	[smem:$0x3FB8] =	sst s10  }
0x38: {  	s10 =	sld [smem:$0x3FB9]  }
0x39: {  	_ = 	snop;
	(pc) =	sbr.ind lr, $3  }
0x3a: {  	_ = 	snop  }
0x3b: {  	_ = 	snop  }
0x3c: {  	p2 =	seq.s32 s10, $0x1;
	s10 =	sld [smem:$0x3FB8]  }
0x3d: {  	_ =	shalt  }
0x3e: {  	_ =	shalt  }
0x3f: {  	_ =	shalt  }
0x40: {  	_ =	shalt  }
0x41: {  	_ =	shalt  }
0x42: {  	_ =	shalt  }
0x43: {  	_ =	shalt  }
0x44: {  	_ =	shalt  }
0x45: {  	_ =	shalt  }
0x46: {  	_ =	shalt  }
0x47: {  	_ =	shalt  }
0x48: {  	_ =	shalt  }
0x49: {  	_ =	shalt  }
0x4a: {  	_ =	shalt  }
0x4b: {  	_ =	shalt  }
0x4c: {  	_ =	shalt  }
0x4d: {  	_ =	shalt  }
0x4e: {  	_ =	shalt  }
0x4f: {  	_ =	shalt  }
0x50: {  	_ =	shalt  }
0x51: {  	_ =	shalt  }
0x52: {  	_ =	shalt  }
0x53: {  	_ =	shalt  }
0x54: {  	_ =	shalt  }
0x55: {  	_ =	shalt  }
0x56: {  	_ =	shalt  }
0x57: {  	_ =	shalt  }
0x58: {  	_ =	shalt  }
0x59: {  	_ =	shalt  }
0x5a: {  	_ =	shalt  }
0x5b: {  	_ =	shalt  }
0x5c: {  	_ =	shalt  }
0x5d: {  	_ =	shalt  }
0x5e: {  	_ =	shalt  }
0x5f: {  	_ =	shalt  }
0x60: {  	_ =	shalt  }
0x61: {  	_ =	shalt  }
0x62: {  	_ =	shalt  }
0x63: {  	_ =	shalt  }
0x64: {  	_ =	shalt  }
0x65: {  	_ =	shalt  }
0x66: {  	_ =	shalt  }
0x67: {  	_ =	shalt  }
0x68: {  	_ =	shalt  }
0x69: {  	_ =	shalt  }
0x6a: {  	_ =	shalt  }
0x6b: {  	_ =	shalt  }
0x6c: {  	_ =	shalt  }
0x6d: {  	_ =	shalt  }
0x6e: {  	_ =	shalt  }
0x6f: {  	_ =	shalt  }
0x70: {  	_ =	shalt  }
0x71: {  	_ =	shalt  }
0x72: {  	_ =	shalt  }
0x73: {  	_ =	shalt  }
0x74: {  	_ =	shalt  }
0x75: {  	_ =	shalt  }
0x76: {  	_ =	shalt  }
0x77: {  	_ =	shalt  }
0x78: {  	_ =	shalt  }
0x79: {  	_ =	shalt  }
0x7a: {  	_ =	shalt  }
0x7b: {  	_ =	shalt  }
0x7c: {  	_ =	shalt  }
0x7d: {  	_ =	shalt  }
0x7e: {  	_ =	shalt  }
0x7f: {  	_ =	shalt  }
0x80: {  	_ =	shalt  }
0x81: {  	_ =	shalt  }
0x82: {  	_ =	shalt  }
0x83: {  	_ =	shalt  }
0x84: {  	_ =	shalt  }
0x85: {  	_ =	shalt  }
0x86: {  	_ =	shalt  }
0x87: {  	_ =	shalt  }
.Lfunc_end0:
.L_simem_size_0:
called_computation_lowered:
.L_overlay_start_0:
0x88: {  	s2 =	sld [smem:$0x3FD9]  }
0x89: {  	s3 =	sld [smem:$0x3FFE];
	_ =	sdelay $0x1  }
0x8a: {  	s1 =	srdreg.scid  }
0x8b: {  	s0 =	sand.u32 $0x1, s1  }
0x8c: {  	s17 =	sshll.u32 s0, $0xA;
	s2 =	sadd.s32 s3, s2  }
0x8d: {  	s2 =	sadd.s32 s2, s17  }
0x8e: {  	[smem:$0x3FC4] =	sst s2  }
0x8f: {  	_ = 	snop  }
0x90: {  	s2 =	sld [smem:$0x3FC6]  }
0x91: {  	s18 =	sld [smem:$0x3FD0];
	(tm) =	ssettm $0x1  }
0x92: {  	s4 =	sld [smem:$0x3FFB];
	_ =	sdelay $0x3  }
0x93: {  	_ =	strace s4  }
0x94: {  	s4 =	sld [smem:$0x3FFC];
	_ =	sdelay $0x3  }
0x95: {  	_ =	strace s4  }
0x96: {  	s4 =	sld [smem:$0x3FFD];
	_ =	sdelay $0x3  }
0x97: {  	_ =	strace s4  }
0x98: {  	_ =	strace $0x8FFFFFFF  }
0x99: {  	s19 =	sld [smem:$0x3FDB];
	_ =	sdelay $0x1  }
0x9a: {  	s5 =	simm.s32 $_scs_section_size  }
0x9b: {  	s6 =	simm.s32 $_size__tile_overlayer_lowered;
	s7 =	simm.s32 $_tile_overlayer_lowered  }
0x9c: {  	s22 =	simm.s32 $0x1BFF;
	s21 =	sshll.u32 s7, $0x1;
	s4 =	sadd.s32 s5, s19  }
0x9d: {  	s8 =	simm.s32 $0x0;
	s20 =	sshll.u32 s6, $0x1;
	s6 =	sadd.s32 s21, s4  }
0x9e: {  	[timem:s8], [sflag:s22] =	dma.local [hbm:s6], s20  }
0x9f: {  	_ =	swait.ge [sflag:s22], s20  }
0xa0: {  	s5 =	ssub.s32 $0x0, s20;
	[sflag:s22] =	ssyncset.done $0x0  }
0xa1: {  	[sflag:s22] =	ssyncadd.s32 s5;
	_ =	sdelay $0x1  }
0xa2: {  	s23 =	simm.s32 $0x1B8B  }
0xa3: {  	_ =	swait.ge [sflag:s23], $0x1  }
0xa4: {  	[sflag:s23] =	ssyncset.done $0x0  }
0xa5: {  	s25 =	simm.s32 $0x1B8E;
	s24 =	sld [smem:$0x3FFE];
	[sflag:s23] =	ssyncadd.s32 $0xFFFFFFFF  }
0xa6: {  	s26 =	simm.s32 $execute0_lowered;
	[smem:$0x3FD2] =	sst s25  }
0xa7: {  	s6 =	sshll.u32 s26, $0x1;
	_ =	strace $0x80000046;
	[dreg:$0x1] =	wrdreg $0xFFFFFFFF  }
0xa8: {  	s28 =	simm.s32 $_size_execute0_lowered;
	s4 =	sadd.s32 s4, s6;
	[dreg:$0x0] =	wrdreg $0x0  }
0xa9: {  	s6 =	sshll.u32 s28, $0x1;
	[dreg:$0x2] =	wrdreg s4  }
0xaa: {  	[dreg:$0x3] =	wrdreg s6  }
0xab: {  	[dreg:$0x4] =	wrdreg $0xC0  }
0xac: {  	_ =	task [dreg:s8], $0x5FFFF  }
0xad: {  	[dreg:$0x1] =	wrdreg $0xFFFFFFFF  }
0xae: {  	[dreg:$0x0] =	wrdreg $0x60  }
0xaf: {  	[dreg:$0x2] =	wrdreg s2  }
0xb0: {  	[dreg:$0x3] =	wrdreg s18  }
0xb1: {  	[dreg:$0x4] =	wrdreg s24  }
0xb2: {  	[dreg:$0x5] =	wrdreg $0x9  }
0xb3: {  	_ =	task.clear_ibuf [dreg:s8], $0x6FFFF;
	_ =	strace $0x90000046  }
0xb4: {  	s29 =	simm.s32 $0x9;
	_ =	strace $0x80000048  }
0xb5: {  	_ =	swait.ge [sflag:s29], $0x1  }
0xb6: {  	[sflag:s29] =	ssyncadd.s32 $0xFFFFFFFF  }
0xb7: {  	_ =	strace $0x90000048  }
0xb8: {  	_ =	sfence  }
0xb9: {  	s30 =	sld [smem:$0x0];
	_ =	sdelay $0x2  }
0xba: {  	s31 =	sshll.u32 s1, $0xD;
	s1 =	sshrl.u32 s1, $0x2  }
0xbb: {  	s3 =	sand.u32 $0x4000, s31;
	s1 =	sadd.s32 s1, s30  }
0xbc: {  	s0 =	sor.u32 s3, s0;
	s1 =	sshll.u32 s1, $0x11  }
0xbd: {  	s0 =	sor.u32 s1, s0  }
0xbe: {  	s0 =	sadd.s32 $0x8F2B, s0  }
0xbf: {  	[sflag:s0] =	ssyncadd.remote.s32 $0x1  }
0xc0: {  	_ =	sfence.sel $0xFFFF  }
0xc1: {  	[dreg:$0x0] =	wrdreg $0xFFFFFFFF;
	(pc) =	sbr.abs _section_cstart, $3  }
0xc2: {  	[dreg:$0x1] =	wrdreg $0xFFFFFFFF  }
0xc3: {  	_ =	task.clear_ibuf [dreg:s8], $0x2FFFF;
	_ =	strace $0x9FFFFFFF  }
0xc4: {  	(tm) =	ssettm $0x7FFFFFFF  }
0xc5: {  	_ =	shalt  }
tec
execute0_lowered:
.L_overlay_start_1:
0x0: {  	(tag) =	ssettag $0x1  }
0x1: {  	v0 =	vlaneseq.u32;
	v16 =	vimm.s32 $0x2780  }
0x2: {  	vm0 =	vcmask $0x300;
	v17 =	vimm.s32 $0x2783;
	vm1 =	vcmask $0x704  }
0x3: {  	vm15 =	vcmask $0xB08;
	vm4 =	vcmask $0xF0C;
	vm5 =	vcmask $0x1310  }
0x4: {  	vm6 =	vcmask $0x1714;
	vm7 =	vcmask $0x1B18;
	vm8 =	vcmask $0x1F1C  }
0x5: {  	vm9 =	vcmask $0x2320;
	vm10 =	vcmask $0x2724;
	vm11 =	vcmask $0x2B28  }
0x6: {  	vm12 =	vcmask $0x2F2C;
	vm13 =	vcmask $0x3330;
	vm14 =	vcmask $0x3734  }
0x7: {  	v1 =	vand.u32 $0x7, v0;
	v16 =	vsel vm0, $0x0, v16;
	v17 =	vsel vm0, $0x3, v17  }
0x8: {  	s0 =	rddreg [dreg:$0x0];
	v1 =	vmul.u32 $0x80, v1;
	v16 =	vsel vm1, $0x80, v16;
	v17 =	vsel vm1, $0x83, v17  }
0x9: {  	s14 =	rddreg [dreg:$0x1];
	v16 =	vsel vm15, $0x100, v16;
	v17 =	vsel vm15, $0x103, v17;
	vm15 =	vcmask $0x3B38  }
0xa: {  	s1 =	rddreg [dreg:$0x2];
	s4 =	simm.s32 $0x0;
	v2 =	vor.u32 $0x1, v1;
	v3 =	vor.u32 $0x2, v1;
	v4 =	vor.u32 $0x3, v1  }
0xb: {  	s2 =	srdreg.scid;
	s20 =	stileid.u32;
	s17 =	simm.s32 $0x2400;
	v5 =	vor.u32 $0x4, v1;
	v16 =	vsel vm4, $0x180, v16;
	v17 =	vsel vm4, $0x183, v17  }
0xc: {  	s18 =	simm.s32 $0x4800;
	s19 =	simm.s32 $0x6C00;
	s21 =	simm.s32 $0x4;
	v6 =	vor.u32 $0x5, v1;
	v16 =	vsel vm5, $0x200, v16;
	v17 =	vsel vm5, $0x203, v17  }
0xd: {  	s22 =	simm.s32 $0x5;
	s23 =	simm.s32 $0x9000;
	s24 =	simm.s32 $0x0;
	v7 =	vor.u32 $0x6, v1;
	v16 =	vsel vm6, $0x280, v16;
	v17 =	vsel vm6, $0x283, v17  }
0xe: {  	[smem:$0x7FF] =	sst s4;
	s2 =	sand.u32 $0x1, s2;
	s3 =	sshll.u32 s20, $0x1;
	v8 =	vor.u32 $0x7, v1;
	v16 =	vsel vm7, $0x300, v16;
	v17 =	vsel vm7, $0x303, v17  }
0xf: {  	s6 =	sadd.s32 $0x1000, s1;
	s14 =	sadd.s32 $0x80, s14;
	s15 =	sadd.s32 $0x1E9400, s1;
	v9 =	vor.u32 $0x8, v1;
	v16 =	vsel vm8, $0x380, v16;
	v17 =	vsel vm8, $0x383, v17  }
0x10: {  	p0 =	sgt.u32 s20, $0x1;
	s20 =	simm.s32 $0x3;
	s7 =	ssub.s32 $0x2, s2;
	v10 =	vor.u32 $0x9, v1;
	v16 =	vsel vm9, $0x2400, v16;
	v17 =	vsel vm9, $0x2403, v17  }
0x11: {  	_ =	strace $0x80000047;
	s5 =	sor.u32 s2, s3;
	s30 =	sshrl.u32 s7, $0x1;
	v11 =	vor.u32 $0xA, v1;
	v16 =	vsel vm10, $0x2480, v16;
	v17 =	vsel vm10, $0x2483, v17  }
.Ltmp0:
0x12: {  	s3 =	sshll.u32 s5, $0xA;
	s31 =	sor.u32 $0x1E80, s5;
	v12 =	vor.u32 $0xB, v1;
	v16 =	vsel vm11, $0x2500, v16;
	v17 =	vsel vm11, $0x2503, v17;
	(pc) =	sbr.rel .LBB2_1-.Ltmp0, $4  }
0x13: {  	p1 =	sne.s32 s5, $0x1F;
	v13 =	vor.u32 $0xC, v1;
	s2 =	ssub.s32 s7, s30;
	s7 =	sadd.s32 s0, s3;
	v16 =	vsel vm12, $0x2580, v16;
	v17 =	vsel vm12, $0x2583, v17  }
0x14: {  	v14 =	vor.u32 $0xD, v1;
	s11 =	sshll.u32 s31, $0x7;
	s3 =	sshll.u32 s31, $0x8;
	s8 =	sadd.s32 $0xF4280, s7;
	v16 =	vsel vm13, $0x2600, v16;
	v17 =	vsel vm13, $0x2603, v17  }
0x15: {  	v15 =	vor.u32 $0xE, v1;
	s9 =	sadd.s32 $0x8000, s7;
	s10 =	sadd.s32 $0xFC280, s7;
	s11 =	sadd.s32 s0, s11;
	v18 =	vsel vm14, $0x2680, v16;
	v19 =	vsel vm14, $0x2683, v17  }
0x16: {  	s13 =	sadd.s32 s6, s3;
	s16 =	smax.u32 s2, $0x1;
	s12 =	sadd.s32 $0xF4280, s11;
	v16 =	vor.u32 $0xF, v1;
	v17 =	vsel vm15, $0x2700, v18;
	v18 =	vsel vm15, $0x2703, v19  }
.LBB2_15:
0x17: {  	s24 =	sadd.s32 $0x1, s24  }
0x18: {  	p2 =	sne.s32 s24, s16  }
.Ltmp1:
0x19: {  	_ = 	snop;
	(pc) =	sbr.rel @!p2 .LBB2_16-.Ltmp1, $1  }
0x1a: {  	_ =	sdelay $0x3  }
.LBB2_1:
0x1b: {  	[tilespmem:s4], [sflag:$0x1] =	stream.linear.gather [hbm4b:s7+s4], $0x2000, $0x38;
	[tilespmem:$0x11000] =	vst v63  }
0x1c: {  	_ = 	snop  }
0x1d: {  	[tilespmem:s17], [sflag:$0x1] =	stream.linear.gather [hbm4b:s8+s4], $0x2000, $0x38;
	[tilespmem:$0x11000] =	vst v63  }
.Ltmp2:
0x1e: {  	_ = 	snop;
	(pc) =	sbr.rel .LBB2_2-.Ltmp2, $4  }
0x1f: {  	_ = 	snop  }
0x20: {  	[tilespmem:s18], [sflag:$0x2] =	stream.linear.gather [hbm4b:s9+s4], $0x2000, $0x38;
	[tilespmem:$0x11000] =	vst v63  }
0x21: {  	p2 =	por $0x0, $0x0;
	s25 =	simm.s32 $0x0  }
0x22: {  	[tilespmem:s19], [sflag:$0x2] =	stream.linear.gather [hbm4b:s10+s4], $0x2000, $0x38;
	[tilespmem:$0x11000] =	vst v63  }
.LBB2_6:
0x23: {  	s25 =	sadd.s32 $0x1, s25  }
0x24: {  	p3 =	sne.s32 s25, $0x1F  }
.Ltmp3:
0x25: {  	_ = 	snop;
	(pc) =	sbr.rel @!p3 .LBB2_7-.Ltmp3, $2  }
0x26: {  	_ =	sdelay $0x2  }
0x27: {  	p2 =	por !p2, !p2  }
.LBB2_2:
0x28: {  	s1 =	sshll.u32 s25, $0x5  }
0x29: {  	s28 =	sor.u32 s5, s1  }
0x2a: {  	p3 =	sgt.u32 s28, $0x3CF  }
.Ltmp4:
0x2b: {  	_ = 	snop;
	(pc) =	sbr.rel @p3 .LBB2_6-.Ltmp4, $1  }
0x2c: {  	_ =	sdelay $0x3  }
0x2d: {  	s29 =	sand.u32 $0x1, s25  }
0x2e: {  	s1 =	sshll.u32 s29, $0x4  }
0x2f: {  	v19 =	vor.u32 s1, v0  }
0x30: {  	v20 =	vimm.s32 $0x0;
	s26 =	sadd.s32 $0x1, s29;
	v19 =	vshrl.u32 v19, $0x3  }
0x31: {  	v21 =	vshll.u32 v20, $0x3;
	_ =	swait.ge [sflag:s26], $0x2000;
	v19 =	vmul.u32 $0x2400, v19  }
0x32: {  	v21 =	vand.u32 $0xFFFFFC00, v21;
	[sflag:s26] =	ssyncset.done $0x0  }
0x33: {  	v22 =	vand.u32 $0x70, v20;
	[sflag:s26] =	ssyncadd.s32 $0xFFFFE000;
	v21 =	vadd.s32 v19, v21  }
0x34: {  	_ =	swait.ge [sflag:s26], $0x2000;
	v21 =	vor.u32 v22, v21  }
0x35: {  	p3 =	slt.u32 s25, $0x2;
	[sflag:s26] =	ssyncset.done $0x0;
	v22 =	vor.u32 v16, v21  }
0x36: {  	s1 =	sadd.s32 @!p3 $0x3, s29;
	[sflag:s26] =	ssyncadd.s32 $0xFFFFE000;
	v23 =	vor.u32 v15, v21  }
0x37: {  	_ =	swait.ge @!p3 [sflag:s1], $0x4000;
	v24 =	vor.u32 v14, v21  }
0x38: {  	v25 =	vor.u32 v13, v21;
	[sflag:s1] =	ssyncset.done @!p3 $0x0  }
0x39: {  	v26 =	vor.u32 v12, v21;
	[sflag:s1] =	ssyncadd.s32 @!p3 $0xFFFFC000  }
0x3a: {  	v27 =	vor.u32 v11, v21;
	v22 =	vld.idx.msk [tilespmem:v22+s4+$0x0], $0xffff  }
0x3b: {  	v28 =	vor.u32 v10, v21;
	v23 =	vld.idx.msk [tilespmem:v23+s4+$0x0], $0xffff  }
0x3c: {  	v31 =	vor.u32 v7, v21;
	v24 =	vld.idx.msk [tilespmem:v24+s4+$0x0], $0xffff  }
0x3d: {  	v29 =	vor.u32 v9, v21;
	v25 =	vld.idx.msk [tilespmem:v25+s4+$0x0], $0xffff  }
0x3e: {  	v32 =	vor.u32 v6, v21;
	s1 =	simm.s32 $0x1;
	v26 =	vld.idx.msk [tilespmem:v26+s4+$0x0], $0xffff  }
0x3f: {  	v30 =	vor.u32 v8, v21;
	s1 =	simm.s32 @!p2 $0x0;
	v27 =	vld.idx.msk [tilespmem:v27+s4+$0x0], $0xffff  }
0x40: {  	s1 =	sshll.u32 s1, $0xE;
	v28 =	vld.idx.msk [tilespmem:v28+s4+$0x0], $0xffff  }
0x41: {  	v36 =	vadd.s32 $0x10, v20;
	v34 =	vor.u32 v1, v21;
	s30 =	sor.u32 $0x9080, s1;
	v35 =	vld.idx.msk [tilespmem:v31+s4+$0x0], $0xffff  }
0x42: {  	v20 =	vor.u32 v2, v21;
	[tilespmem:s30+$0x70] =	vst v22;
	v22 =	vld.idx.msk [tilespmem:v29+s4+$0x0], $0xffff;
	v29 =	vshll.u32 v36, $0x3  }
0x43: {  	v33 =	vor.u32 v5, v21;
	v31 =	vld.idx.msk [tilespmem:v32+s4+$0x0], $0xffff;
	[tilespmem:s30+$0x60] =	vst v23;
	v29 =	vand.u32 $0xFFFFFC00, v29  }
0x44: {  	v23 =	vld.idx.msk [tilespmem:v30+s4+$0x0], $0xffff;
	v30 =	vor.u32 v4, v21;
	[tilespmem:s30+$0x50] =	vst v24;
	v24 =	vand.u32 $0x70, v36;
	v29 =	vadd.s32 v19, v29  }
0x45: {  	v21 =	vor.u32 v3, v21;
	[tilespmem:s30+$0x40] =	vst v25;
	v25 =	vor.u32 v24, v29  }
0x46: {  	v62 =	vld.idx.msk [tilespmem:v34+s4+$0x0], $0xffff;
	[tilespmem:s30+$0x30] =	vst v26;
	v26 =	vor.u32 v16, v25  }
0x47: {  	v61 =	vld.idx.msk [tilespmem:v20+s4+$0x0], $0xffff;
	[tilespmem:s30+$0x20] =	vst v27;
	v27 =	vor.u32 v15, v25  }
0x48: {  	[tilespmem:s30+$0x10] =	vst v28;
	v29 =	vld.idx.msk [tilespmem:v33+s4+$0x0], $0xffff;
	v20 =	vor.u32 v14, v25  }
0x49: {  	[tilespmem:s30+$0xFFFFFFD0] =	vst v31;
	v28 =	vor.u32 v13, v25;
	v30 =	vld.idx.msk [tilespmem:v30+s4+$0x0], $0xffff  }
0x4a: {  	[tilespmem:s30+$0xFFFFFFE0] =	vst v35;
	v63 =	vor.u32 v11, v25;
	v24 =	vld.idx.msk [tilespmem:v21+s4+$0x0], $0xffff  }
0x4b: {  	[tilespmem:s30+$0xFFFFFF80] =	vst v62;
	v38 =	vor.u32 v10, v25;
	v37 =	vld.idx.msk [tilespmem:v26+s4+$0x0], $0xffff  }
0x4c: {  	[tilespmem:s30+$0x0] =	vst v22;
	v22 =	vor.u32 v12, v25;
	v39 =	vld.idx.msk [tilespmem:v27+s4+$0x0], $0xffff  }
0x4d: {  	[tilespmem:s30+$0xFFFFFF90] =	vst v61;
	v40 =	vor.u32 v9, v25;
	v31 =	vld.idx.msk [tilespmem:v20+s4+$0x0], $0xffff  }
0x4e: {  	v34 =	vor.u32 v8, v25;
	[tilespmem:s30+$0xFFFFFFF0] =	vst v23;
	v26 =	vld.idx.msk [tilespmem:v28+s4+$0x0], $0xffff  }
0x4f: {  	v32 =	vor.u32 v7, v25;
	[tilespmem:s30+$0xFFFFFFC0] =	vst v29;
	v29 =	vld.idx.msk [tilespmem:v63+s4+$0x0], $0xffff  }
0x50: {  	s1 =	sadd.s32 $0x100, s30;
	v33 =	vor.u32 v6, v25;
	v35 =	vor.u32 v5, v25;
	v28 =	vld.idx.msk [tilespmem:v38+s4+$0x0], $0xffff;
	[tilespmem:s30+$0xFFFFFFB0] =	vst v30  }
0x51: {  	s2 =	sshll.u32 s29, $0xE;
	v21 =	vor.u32 v1, v25;
	v23 =	vor.u32 v2, v25;
	v27 =	vld.idx.msk [tilespmem:v22+s4+$0x0], $0xffff;
	[tilespmem:s1+$0x70] =	vst v37  }
0x52: {  	s3 =	simm.s32 $0x10;
	s2 =	sor.u32 $0x9000, s2;
	s31 =	smov.u32 s1;
	v20 =	vor.u32 v4, v25;
	v22 =	vor.u32 v3, v25;
	v30 =	vld.idx.msk [tilespmem:v40+s4+$0x0], $0xffff;
	v25 =	vadd.s32 $0x10, v36;
	[tilespmem:s1+$0x60] =	vst v39  }
.LBB2_4:
0x53: {  	v36 =	vshll.u32 v25, $0x3;
	s3 =	sadd.s32 $0x10, s3;
	v34 =	vld.idx.msk [tilespmem:v34+s4+$0x0], $0xffff;
	[tilespmem:s1+$0x50] =	vst v31;
	s31 =	sadd.s32 $0x100, s31  }
0x54: {  	v31 =	vand.u32 $0xFFFFFC00, v36;
	p3 =	slt.u32 s3, $0x3F0;
	v32 =	vld.idx.msk [tilespmem:v32+s4+$0x0], $0xffff;
	[tilespmem:s30+$0xFFFFFFA0] =	vst v24;
	s30 =	smov.u32 s1;
	s1 =	smov.u32 s31  }
0x55: {  	v24 =	vand.u32 $0x70, v25;
	v31 =	vadd.s32 v19, v31;
	v33 =	vld.idx.msk [tilespmem:v33+s4+$0x0], $0xffff;
	[tilespmem:s30+$0x40] =	vst v26  }
0x56: {  	v36 =	vor.u32 v24, v31;
	v26 =	vld.idx.msk [tilespmem:v35+s4+$0x0], $0xffff;
	[tilespmem:s30+$0x30] =	vst v27  }
0x57: {  	v24 =	vor.u32 v1, v36;
	v27 =	vor.u32 v4, v36;
	v31 =	vor.u32 v16, v36;
	[tilespmem:s30+$0x20] =	vst v29  }
0x58: {  	v29 =	vor.u32 v3, v36;
	v35 =	vor.u32 v15, v36;
	v37 =	vld.idx.msk [tilespmem:v23+s4+$0x0], $0xffff;
	v23 =	vor.u32 v2, v36  }
0x59: {  	v38 =	vor.u32 v14, v36;
	v39 =	vld.idx.msk [tilespmem:v21+s4+$0x0], $0xffff;
	[tilespmem:s30+$0x10] =	vst v28;
	v21 =	vmov v24  }
0x5a: {  	v28 =	vor.u32 v13, v36;
	v40 =	vld.idx.msk [tilespmem:v20+s4+$0x0], $0xffff;
	[tilespmem:s30+$0x0] =	vst v30;
	v20 =	vmov v27  }
0x5b: {  	v27 =	vor.u32 v12, v36;
	v24 =	vld.idx.msk [tilespmem:v22+s4+$0x0], $0xffff;
	[tilespmem:s30+$0xFFFFFFF0] =	vst v34;
	v22 =	vmov v29  }
0x5c: {  	v29 =	vor.u32 v11, v36;
	v30 =	vld.idx.msk [tilespmem:v31+s4+$0x0], $0xffff;
	[tilespmem:s30+$0xFFFFFFC0] =	vst v26  }
0x5d: {  	v41 =	vor.u32 v10, v36;
	v42 =	vld.idx.msk [tilespmem:v35+s4+$0x0], $0xffff;
	[tilespmem:s30+$0xFFFFFFD0] =	vst v33  }
0x5e: {  	v43 =	vor.u32 v9, v36;
	v31 =	vld.idx.msk [tilespmem:v38+s4+$0x0], $0xffff;
	[tilespmem:s30+$0xFFFFFFE0] =	vst v32  }
.Ltmp5:
0x5f: {  	v34 =	vor.u32 v8, v36;
	v26 =	vld.idx.msk [tilespmem:v28+s4+$0x0], $0xffff;
	[tilespmem:s30+$0xFFFFFF80] =	vst v39;
	(pc) =	sbr.rel @p3 .LBB2_4-.Ltmp5, $4  }
0x60: {  	v32 =	vor.u32 v7, v36;
	v27 =	vld.idx.msk [tilespmem:v27+s4+$0x0], $0xffff;
	[tilespmem:s30+$0xFFFFFFB0] =	vst v40  }
0x61: {  	v33 =	vor.u32 v6, v36;
	v29 =	vld.idx.msk [tilespmem:v29+s4+$0x0], $0xffff;
	[tilespmem:s30+$0xFFFFFF90] =	vst v37  }
0x62: {  	v35 =	vor.u32 v5, v36;
	v28 =	vld.idx.msk [tilespmem:v41+s4+$0x0], $0xffff;
	[tilespmem:s31+$0x70] =	vst v30  }
0x63: {  	v25 =	vadd.s32 $0x10, v25;
	v30 =	vld.idx.msk [tilespmem:v43+s4+$0x0], $0xffff;
	[tilespmem:s31+$0x60] =	vst v42  }
0x64: {  	_ =	sdelay $0x1  }
0x65: {  	[tilespmem:s1+$0x50] =	vst v31  }
0x66: {  	[tilespmem:s30+$0xFFFFFFA0] =	vst v24  }
0x67: {  	v19 =	vld.idx.msk [tilespmem:v34+s4+$0x0], $0xffff;
	[tilespmem:s1+$0x40] =	vst v26  }
0x68: {  	v62 =	vld.idx.msk [tilespmem:v35+s4+$0x0], $0xffff;
	[tilespmem:s1+$0x30] =	vst v27  }
0x69: {  	v25 =	vld.idx.msk [tilespmem:v33+s4+$0x0], $0xffff;
	[tilespmem:s1+$0x20] =	vst v29  }
0x6a: {  	v63 =	vld.idx.msk [tilespmem:v32+s4+$0x0], $0xffff;
	[tilespmem:s1+$0x10] =	vst v28  }
0x6b: {  	v21 =	vld.idx.msk [tilespmem:v21+s4+$0x0], $0xffff;
	[tilespmem:s1+$0x0] =	vst v30  }
0x6c: {  	v20 =	vld.idx.msk [tilespmem:v20+s4+$0x0], $0xffff;
	[tilespmem:s1+$0xFFFFFFF0] =	vst v19  }
0x6d: {  	v22 =	vld.idx.msk [tilespmem:v22+s4+$0x0], $0xffff;
	[tilespmem:s1+$0xFFFFFFC0] =	vst v62  }
0x6e: {  	v19 =	vld.idx.msk [tilespmem:v23+s4+$0x0], $0xffff;
	[tilespmem:s1+$0xFFFFFFD0] =	vst v25  }
0x6f: {  	[tilespmem:s1+$0xFFFFFFE0] =	vst v63  }
0x70: {  	[tilespmem:s1+$0xFFFFFF80] =	vst v21  }
0x71: {  	[tilespmem:s1+$0xFFFFFFB0] =	vst v20  }
0x72: {  	s3 =	sshll.u32 s28, $0xB;
	p3 =	sgt.u32 s28, $0x38F;
	[tilespmem:s1+$0xFFFFFFA0] =	vst v22  }
0x73: {  	s31 =	sadd.s32 $0x3, s29;
	s3 =	sadd.s32 s6, s3;
	[tilespmem:s1+$0xFFFFFF90] =	vst v19;
	s1 =	sshll.u32 @!p3 s28, $0xA  }
0x74: {  	[hbm4b:s3+s4] =	stream.linear.scatter [tilespmem:s2], [sflag:s31], $0x4000, $0x38;
	[tilespmem:$0x11000] =	vst v63  }
0x75: {  	s1 =	sand.u32 @!p3 $0x1FFFFC00, s1;
	s2 =	smul.u32 @!p3 $0x12000, s29  }
.Ltmp6:
0x76: {  	s1 =	sadd.s32 @!p3 s0, s1;
	(pc) =	sbr.rel .LBB2_6-.Ltmp6, $4  }
0x77: {  	s28 =	simm.s32 @!p3 $0x0;
	s3 =	sadd.s32 @!p3 $0x10000, s1;
	s2 =	sshrl.u32 @!p3 s2, $0x2  }
0x78: {  	[tilespmem:s2], [sflag:s26] =	stream.linear.gather @!p3 [hbm4b:s3+s28], $0x2000, $0x38;
	[tilespmem:$0x11000] =	vst v63  }
0x79: {  	s1 =	sadd.s32 @!p3 $0x104280, s1;
	s2 =	sadd.s32 @!p3 $0x2400, s2  }
0x7a: {  	[tilespmem:s2], [sflag:s26] =	stream.linear.gather @!p3 [hbm4b:s1+s28], $0x2000, $0x38;
	[tilespmem:$0x11000] =	vst v63  }
.LBB2_7:
0x7b: {  	_ =	swait.ge [sflag:s20], $0x4000  }
.Ltmp7:
0x7c: {  	[sflag:s20] =	ssyncset.done $0x0;
	(pc) =	sbr.rel @p0 .LBB2_11-.Ltmp7, $4  }
0x7d: {  	[sflag:s20] =	ssyncadd.s32 $0xFFFFC000  }
0x7e: {  	_ =	swait.ge [sflag:s21], $0x4000  }
0x7f: {  	[sflag:s21] =	ssyncset.done $0x0  }
0x80: {  	[sflag:s21] =	ssyncadd.s32 $0xFFFFC000  }
0x81: {  	v24 =	vimm.s32 $0x0  }
0x82: {  	[tilespmem:s4], [sflag:$0x5] =	stream.linear.gather [hbm4b:s11+s4], $0x400, $0x38;
	v19 =	vshll.u32 v24, $0x3;
	[tilespmem:$0x11000] =	vst v63  }
0x83: {  	_ =	swait.ge [sflag:s22], $0x400;
	v20 =	vand.u32 $0x70, v24;
	v19 =	vand.u32 $0xFFFFFC00, v19  }
0x84: {  	[sflag:s22] =	ssyncset.done $0x0;
	v20 =	vor.u32 v20, v19  }
0x85: {  	[sflag:s22] =	ssyncadd.s32 $0xFFFFFC00;
	v21 =	vadd.s32 v17, v20  }
0x86: {  	[tilespmem:s17], [sflag:$0x5] =	stream.linear.gather [hbm4b:s12+s4], $0x400, $0x38;
	v22 =	vor.u32 $0xF, v21;
	[tilespmem:$0x11000] =	vst v63  }
0x87: {  	_ =	swait.ge [sflag:s22], $0x400;
	v23 =	vor.u32 $0x1, v21  }
0x88: {  	v25 =	vor.u32 $0x2, v21;
	[sflag:s22] =	ssyncset.done $0x0  }
0x89: {  	v26 =	vor.u32 $0x4, v21;
	[sflag:s22] =	ssyncadd.s32 $0xFFFFFC00  }
0x8a: {  	v27 =	vor.u32 $0x5, v21;
	v19 =	vld.idx.msk [tilespmem:v21+s4+$0x0], $0xffff  }
0x8b: {  	v31 =	vor.u32 $0x6, v21;
	v35 =	vld.idx.msk [tilespmem:v22+s4+$0x0], $0xffff  }
0x8c: {  	v32 =	vor.u32 $0x7, v21;
	v34 =	vld.idx.msk [tilespmem:v23+s4+$0x0], $0xffff  }
0x8d: {  	v28 =	vor.u32 $0x8, v21;
	v33 =	vld.idx.msk [tilespmem:v25+s4+$0x0], $0xffff  }
0x8e: {  	v29 =	vld.idx.msk [tilespmem:v26+s4+$0x0], $0xffff;
	v26 =	vor.u32 $0x9, v21  }
0x8f: {  	v30 =	vld.idx.msk [tilespmem:v27+s4+$0x0], $0xffff;
	v27 =	vor.u32 $0xA, v21  }
0x90: {  	s2 =	simm.s32 $0x9080;
	v24 =	vadd.s32 $0x10, v24;
	v20 =	vadd.s32 v18, v20;
	v25 =	vor.u32 $0xB, v21;
	v31 =	vld.idx.msk [tilespmem:v31+s4+$0x0], $0xffff  }
0x91: {  	s1 =	simm.s32 $0x0;
	v22 =	vor.u32 $0xC, v21;
	v23 =	vor.u32 $0xD, v21;
	v21 =	vor.u32 $0xE, v21;
	v32 =	vld.idx.msk [tilespmem:v32+s4+$0x0], $0xffff;
	[tilespmem:s2+$0x70] =	vst v35  }
.LBB2_9:
0x92: {  	v35 =	vshll.u32 v24, $0x3;
	s1 =	sadd.s32 $0x10, s1;
	[tilespmem:s2+$0xFFFFFF90] =	vst v34;
	v34 =	vld.idx.msk [tilespmem:v28+s4+$0x0], $0xffff  }
0x93: {  	v28 =	vand.u32 $0x70, v24;
	v35 =	vand.u32 $0xFFFFFC00, v35;
	p2 =	slt.u32 s1, $0x70;
	[tilespmem:s2+$0xFFFFFFA0] =	vst v33;
	v33 =	vld.idx.msk [tilespmem:v26+s4+$0x0], $0xffff  }
0x94: {  	v26 =	vor.u32 v28, v35;
	[tilespmem:s2+$0xFFFFFFC0] =	vst v29;
	v29 =	vld.idx.msk [tilespmem:v27+s4+$0x0], $0xffff  }
0x95: {  	v35 =	vadd.s32 v17, v26;
	v36 =	vadd.s32 v18, v26;
	[tilespmem:s2+$0xFFFFFFD0] =	vst v30;
	v30 =	vld.idx.msk [tilespmem:v25+s4+$0x0], $0xffff  }
0x96: {  	v37 =	vor.u32 $0x1, v35;
	v38 =	vor.u32 $0x2, v35;
	v39 =	vor.u32 $0xF, v35;
	[tilespmem:s2+$0xFFFFFFE0] =	vst v31;
	v31 =	vld.idx.msk [tilespmem:v22+s4+$0x0], $0xffff  }
0x97: {  	v40 =	vor.u32 $0x4, v35;
	v41 =	vor.u32 $0x5, v35;
	v42 =	vor.u32 $0x6, v35;
	[tilespmem:s2+$0xFFFFFFF0] =	vst v32;
	v32 =	vld.idx.msk [tilespmem:v23+s4+$0x0], $0xffff  }
0x98: {  	v43 =	vor.u32 $0x7, v35;
	v28 =	vor.u32 $0x8, v35;
	v26 =	vor.u32 $0x9, v35;
	[tilespmem:s2+$0x0] =	vst v34;
	v44 =	vld.idx.msk [tilespmem:v21+s4+$0x0], $0xffff  }
0x99: {  	v27 =	vor.u32 $0xA, v35;
	v25 =	vor.u32 $0xB, v35;
	v22 =	vor.u32 $0xC, v35;
	v45 =	vld.idx.msk [tilespmem:v20+s4+$0x0], $0xffff;
	[tilespmem:s2+$0x10] =	vst v33;
	v20 =	vmovc v36  }
0x9a: {  	v23 =	vor.u32 $0xD, v35;
	v21 =	vor.u32 $0xE, v35;
	v36 =	vld.idx.msk [tilespmem:v35+s4+$0x0], $0xffff;
	[tilespmem:s2+$0x20] =	vst v29  }
0x9b: {  	v35 =	vld.idx.msk [tilespmem:v39+s4+$0x0], $0xffff;
	[tilespmem:s2+$0x30] =	vst v30  }
0x9c: {  	v34 =	vld.idx.msk [tilespmem:v37+s4+$0x0], $0xffff;
	[tilespmem:s2+$0x40] =	vst v31  }
.Ltmp8:
0x9d: {  	v33 =	vld.idx.msk [tilespmem:v38+s4+$0x0], $0xffff;
	[tilespmem:s2+$0x50] =	vst v32;
	(pc) =	sbr.rel @p2 .LBB2_9-.Ltmp8, $4  }
0x9e: {  	v29 =	vld.idx.msk [tilespmem:v40+s4+$0x0], $0xffff;
	[tilespmem:s2+$0x60] =	vst v44  }
0x9f: {  	v30 =	vld.idx.msk [tilespmem:v41+s4+$0x0], $0xffff;
	[tilespmem:s2+$0xFFFFFF80] =	vst v19  }
0xa0: {  	v19 =	vmov v36;
	v31 =	vld.idx.msk [tilespmem:v42+s4+$0x0], $0xffff;
	[tilespmem:s2+$0xFFFFFFB0] =	vst v45;
	s2 =	sadd.s32 $0x100, s2  }
0xa1: {  	v24 =	vadd.s32 $0x10, v24;
	v32 =	vld.idx.msk [tilespmem:v43+s4+$0x0], $0xffff;
	[tilespmem:s2+$0x70] =	vst v35  }
0xa2: {  	_ =	sdelay $0x1  }
0xa3: {  	[tilespmem:s2+$0xFFFFFF90] =	vst v34  }
0xa4: {  	[tilespmem:s2+$0xFFFFFFA0] =	vst v33  }
0xa5: {  	v24 =	vld.idx.msk [tilespmem:v28+s4+$0x0], $0xffff;
	[tilespmem:s2+$0xFFFFFF80] =	vst v19  }
0xa6: {  	v26 =	vld.idx.msk [tilespmem:v26+s4+$0x0], $0xffff;
	[tilespmem:s2+$0xFFFFFFC0] =	vst v29  }
0xa7: {  	v27 =	vld.idx.msk [tilespmem:v27+s4+$0x0], $0xffff;
	[tilespmem:s2+$0xFFFFFFD0] =	vst v30  }
0xa8: {  	v25 =	vld.idx.msk [tilespmem:v25+s4+$0x0], $0xffff;
	[tilespmem:s2+$0xFFFFFFE0] =	vst v31  }
0xa9: {  	v22 =	vld.idx.msk [tilespmem:v22+s4+$0x0], $0xffff;
	[tilespmem:s2+$0xFFFFFFF0] =	vst v32  }
0xaa: {  	v23 =	vld.idx.msk [tilespmem:v23+s4+$0x0], $0xffff;
	[tilespmem:s2+$0x0] =	vst v24  }
0xab: {  	v21 =	vld.idx.msk [tilespmem:v21+s4+$0x0], $0xffff;
	[tilespmem:s2+$0x10] =	vst v26  }
0xac: {  	v20 =	vld.idx.msk [tilespmem:v20+s4+$0x0], $0xffff;
	[tilespmem:s2+$0x20] =	vst v27  }
0xad: {  	[tilespmem:s2+$0x30] =	vst v25  }
0xae: {  	[tilespmem:s2+$0x40] =	vst v22  }
0xaf: {  	[tilespmem:s2+$0x50] =	vst v23  }
0xb0: {  	[tilespmem:s2+$0x60] =	vst v21  }
0xb1: {  	[tilespmem:s2+$0xFFFFFFB0] =	vst v20  }
0xb2: {  	[hbm4b:s13+s4] =	stream.linear.scatter [tilespmem:s23], [sflag:$0x5], $0x800, $0x38;
	[tilespmem:$0x11000] =	vst v63  }
0xb3: {  	_ =	swait.ge [sflag:s22], $0x800  }
0xb4: {  	[sflag:s22] =	ssyncset.done $0x0  }
0xb5: {  	[sflag:s22] =	ssyncadd.s32 $0xFFFFF800  }
.LBB2_11:
.Ltmp9:
0xb6: {  	(pc) =	sbr.rel @p1 .LBB2_15-.Ltmp9, $1  }
0xb7: {  	_ =	sdelay $0x3  }
0xb8: {  	v24 =	vimm.s32 $0x0;
	s1 =	rddreg [dreg:$0x1]  }
0xb9: {  	[tilespmem:s4], [sflag:$0x5] =	stream.linear.gather [hbm4b:s1+s4], $0x400, $0x38;
	v19 =	vshll.u32 v24, $0x3;
	[tilespmem:$0x11000] =	vst v63  }
0xba: {  	v20 =	vand.u32 $0x70, v24;
	_ =	swait.ge [sflag:s22], $0x400;
	v19 =	vand.u32 $0xFFFFFC00, v19  }
0xbb: {  	[sflag:s22] =	ssyncset.done $0x0;
	v20 =	vor.u32 v20, v19  }
0xbc: {  	[sflag:s22] =	ssyncadd.s32 $0xFFFFFC00;
	v21 =	vadd.s32 v17, v20  }
0xbd: {  	[tilespmem:s17], [sflag:$0x5] =	stream.linear.gather [hbm4b:s14+s4], $0x400, $0x38;
	v22 =	vor.u32 $0xF, v21;
	[tilespmem:$0x11000] =	vst v63  }
0xbe: {  	v23 =	vor.u32 $0x1, v21;
	_ =	swait.ge [sflag:s22], $0x400  }
0xbf: {  	v25 =	vor.u32 $0x2, v21;
	[sflag:s22] =	ssyncset.done $0x0  }
0xc0: {  	v26 =	vor.u32 $0x4, v21;
	[sflag:s22] =	ssyncadd.s32 $0xFFFFFC00  }
0xc1: {  	v27 =	vor.u32 $0x5, v21;
	v19 =	vld.idx.msk [tilespmem:v21+s4+$0x0], $0xffff  }
0xc2: {  	v31 =	vor.u32 $0x6, v21;
	v35 =	vld.idx.msk [tilespmem:v22+s4+$0x0], $0xffff  }
0xc3: {  	v32 =	vor.u32 $0x7, v21;
	v34 =	vld.idx.msk [tilespmem:v23+s4+$0x0], $0xffff  }
0xc4: {  	v28 =	vor.u32 $0x8, v21;
	v33 =	vld.idx.msk [tilespmem:v25+s4+$0x0], $0xffff  }
0xc5: {  	v29 =	vld.idx.msk [tilespmem:v26+s4+$0x0], $0xffff;
	v26 =	vor.u32 $0x9, v21  }
0xc6: {  	v30 =	vld.idx.msk [tilespmem:v27+s4+$0x0], $0xffff;
	v27 =	vor.u32 $0xA, v21  }
0xc7: {  	s2 =	simm.s32 $0x9080;
	v24 =	vadd.s32 $0x10, v24;
	v20 =	vadd.s32 v18, v20;
	v25 =	vor.u32 $0xB, v21;
	v31 =	vld.idx.msk [tilespmem:v31+s4+$0x0], $0xffff  }
0xc8: {  	s1 =	simm.s32 $0x0;
	v22 =	vor.u32 $0xC, v21;
	v23 =	vor.u32 $0xD, v21;
	v21 =	vor.u32 $0xE, v21;
	v32 =	vld.idx.msk [tilespmem:v32+s4+$0x0], $0xffff;
	[tilespmem:s2+$0x70] =	vst v35  }
.LBB2_13:
0xc9: {  	v35 =	vshll.u32 v24, $0x3;
	s1 =	sadd.s32 $0x10, s1;
	[tilespmem:s2+$0xFFFFFF90] =	vst v34;
	v34 =	vld.idx.msk [tilespmem:v28+s4+$0x0], $0xffff  }
0xca: {  	v28 =	vand.u32 $0x70, v24;
	v35 =	vand.u32 $0xFFFFFC00, v35;
	p2 =	slt.u32 s1, $0x30;
	[tilespmem:s2+$0xFFFFFFA0] =	vst v33;
	v33 =	vld.idx.msk [tilespmem:v26+s4+$0x0], $0xffff  }
0xcb: {  	v26 =	vor.u32 v28, v35;
	[tilespmem:s2+$0xFFFFFFC0] =	vst v29;
	v29 =	vld.idx.msk [tilespmem:v27+s4+$0x0], $0xffff  }
0xcc: {  	v35 =	vadd.s32 v17, v26;
	v36 =	vadd.s32 v18, v26;
	[tilespmem:s2+$0xFFFFFFD0] =	vst v30;
	v30 =	vld.idx.msk [tilespmem:v25+s4+$0x0], $0xffff  }
0xcd: {  	v37 =	vor.u32 $0x1, v35;
	v38 =	vor.u32 $0x2, v35;
	v39 =	vor.u32 $0xF, v35;
	[tilespmem:s2+$0xFFFFFFE0] =	vst v31;
	v31 =	vld.idx.msk [tilespmem:v22+s4+$0x0], $0xffff  }
0xce: {  	v40 =	vor.u32 $0x4, v35;
	v41 =	vor.u32 $0x5, v35;
	v42 =	vor.u32 $0x6, v35;
	[tilespmem:s2+$0xFFFFFFF0] =	vst v32;
	v32 =	vld.idx.msk [tilespmem:v23+s4+$0x0], $0xffff  }
0xcf: {  	v43 =	vor.u32 $0x7, v35;
	v28 =	vor.u32 $0x8, v35;
	v26 =	vor.u32 $0x9, v35;
	[tilespmem:s2+$0x0] =	vst v34;
	v44 =	vld.idx.msk [tilespmem:v21+s4+$0x0], $0xffff  }
0xd0: {  	v27 =	vor.u32 $0xA, v35;
	v25 =	vor.u32 $0xB, v35;
	v22 =	vor.u32 $0xC, v35;
	v45 =	vld.idx.msk [tilespmem:v20+s4+$0x0], $0xffff;
	[tilespmem:s2+$0x10] =	vst v33;
	v20 =	vmovc v36  }
0xd1: {  	v23 =	vor.u32 $0xD, v35;
	v21 =	vor.u32 $0xE, v35;
	v36 =	vld.idx.msk [tilespmem:v35+s4+$0x0], $0xffff;
	[tilespmem:s2+$0x20] =	vst v29  }
0xd2: {  	v35 =	vld.idx.msk [tilespmem:v39+s4+$0x0], $0xffff;
	[tilespmem:s2+$0x30] =	vst v30  }
0xd3: {  	v34 =	vld.idx.msk [tilespmem:v37+s4+$0x0], $0xffff;
	[tilespmem:s2+$0x40] =	vst v31  }
.Ltmp10:
0xd4: {  	v33 =	vld.idx.msk [tilespmem:v38+s4+$0x0], $0xffff;
	[tilespmem:s2+$0x50] =	vst v32;
	(pc) =	sbr.rel @p2 .LBB2_13-.Ltmp10, $4  }
0xd5: {  	v29 =	vld.idx.msk [tilespmem:v40+s4+$0x0], $0xffff;
	[tilespmem:s2+$0x60] =	vst v44  }
0xd6: {  	v30 =	vld.idx.msk [tilespmem:v41+s4+$0x0], $0xffff;
	[tilespmem:s2+$0xFFFFFF80] =	vst v19  }
0xd7: {  	v19 =	vmov v36;
	v31 =	vld.idx.msk [tilespmem:v42+s4+$0x0], $0xffff;
	[tilespmem:s2+$0xFFFFFFB0] =	vst v45;
	s2 =	sadd.s32 $0x100, s2  }
0xd8: {  	v24 =	vadd.s32 $0x10, v24;
	v32 =	vld.idx.msk [tilespmem:v43+s4+$0x0], $0xffff;
	[tilespmem:s2+$0x70] =	vst v35  }
0xd9: {  	_ =	sdelay $0x1  }
0xda: {  	[tilespmem:s2+$0xFFFFFF90] =	vst v34  }
0xdb: {  	[tilespmem:s2+$0xFFFFFFA0] =	vst v33  }
0xdc: {  	v24 =	vld.idx.msk [tilespmem:v28+s4+$0x0], $0xffff;
	[tilespmem:s2+$0xFFFFFF80] =	vst v19  }
0xdd: {  	v26 =	vld.idx.msk [tilespmem:v26+s4+$0x0], $0xffff;
	[tilespmem:s2+$0xFFFFFFC0] =	vst v29  }
0xde: {  	v27 =	vld.idx.msk [tilespmem:v27+s4+$0x0], $0xffff;
	[tilespmem:s2+$0xFFFFFFD0] =	vst v30  }
0xdf: {  	v25 =	vld.idx.msk [tilespmem:v25+s4+$0x0], $0xffff;
	[tilespmem:s2+$0xFFFFFFE0] =	vst v31  }
0xe0: {  	v22 =	vld.idx.msk [tilespmem:v22+s4+$0x0], $0xffff;
	[tilespmem:s2+$0xFFFFFFF0] =	vst v32  }
0xe1: {  	v23 =	vld.idx.msk [tilespmem:v23+s4+$0x0], $0xffff;
	[tilespmem:s2+$0x0] =	vst v24  }
0xe2: {  	v21 =	vld.idx.msk [tilespmem:v21+s4+$0x0], $0xffff;
	[tilespmem:s2+$0x10] =	vst v26  }
0xe3: {  	v20 =	vld.idx.msk [tilespmem:v20+s4+$0x0], $0xffff;
	[tilespmem:s2+$0x20] =	vst v27  }
0xe4: {  	[tilespmem:s2+$0x30] =	vst v25  }
0xe5: {  	[tilespmem:s2+$0x40] =	vst v22  }
0xe6: {  	[tilespmem:s2+$0x50] =	vst v23  }
0xe7: {  	[tilespmem:s2+$0x60] =	vst v21  }
.Ltmp11:
0xe8: {  	[tilespmem:s2+$0xFFFFFFB0] =	vst v20;
	(pc) =	sbr.rel .LBB2_15-.Ltmp11, $4  }
0xe9: {  	[hbm4b:s15+s4] =	stream.linear.scatter [tilespmem:s23], [sflag:$0x5], $0x400, $0x38;
	[tilespmem:$0x11000] =	vst v63  }
0xea: {  	_ =	swait.ge [sflag:s22], $0x400  }
0xeb: {  	[sflag:s22] =	ssyncset.done $0x0  }
0xec: {  	[sflag:s22] =	ssyncadd.s32 $0xFFFFFC00  }
.LBB2_16:
0xed: {  	_ =	sfence.sel $0x180000  }
0xee: {  	[bflag:$0x0] =	sbarrier.arrive $0xFFFF  }
0xef: {  	_ =	strace $0x90000047  }
0xf0: {  	s0 =	stileid.u32;
	[bflag:$0x2] =	sbarrier.arrive $0xFFFF  }
0xf1: {  	p0 =	sne.s32 s0, $0x0;
	s0 =	rddreg [dreg:$0x3]  }
0xf2: {  	s0 =	sadd.s32 @!p0 $0x100000, s0  }
0xf3: {  	[sflag:s0] =	ssyncadd.tile.s32 @!p0 $0x1;
	_ =	shalt  }
.Lfunc_end2:
_tile_overlayer_lowered:
.L_overlay_start_2:
0xf4: {  	(tag) =	ssettag $0x2  }
0xf5: {  	s0 =	rddreg [dreg:$0x0];
	s2 =	stileid.u32  }
0xf6: {  	s1 =	rddreg [dreg:$0x1];
	p0 =	sne.s32 s2, $0x0  }
0xf7: {  	s3 =	rddreg [dreg:$0x2];
	[bflag:$0x3] =	sbarrier.arrive $0xFFFF;
	s2 =	simm.s32 @!p0 $0x1C05  }
0xf8: {  	[timem:s3], [sflag:s2] =	dma.local @!p0 [hbm:s0], s1  }
0xf9: {  	s0 =	simm.s32 @!p0 $0x5  }
0xfa: {  	_ =	swait.ge @!p0 [sflag:s0], s1  }
0xfb: {  	s1 =	ssub.s32 @!p0 $0x0, s1;
	[sflag:s0] =	ssyncset.done @!p0 $0x0  }
0xfc: {  	[sflag:s0] =	ssyncadd.s32 @!p0 s1  }
0xfd: {  	[bflag:$0x3] =	sbarrier.arrive $0xFFFF  }
0xfe: {  	_ =	shalt  }

// kernel: kernel.8.cloned.1.call-start
scs
__scs_entry_jumppad:
0x0: {  	(pc) =	sbr.rel $0x88, $3  }
0x1: {  	(tag) =	ssettag $0x0;
	lr =	simm.s32 $0x1  }
0x2: {  	[smem:$0x3F9D] =	sst lr;
	_ =	strace $0xD0000000  }
0x3: {  	_ = 	snop  }
0x4: {  	_ = 	snop  }
0x5: {  	_ = 	snop  }
0x6: {  	_ = 	snop  }
0x7: {  	_ = 	snop  }
__scs_overlays_trampoline_lowered:
0x8: {  	[smem:$0x3FAC] =	sst s0  }
0x9: {  	[smem:$0x3FAD] =	sst s1  }
0xa: {  	[smem:$0x3FAE] =	sst s2  }
0xb: {  	[smem:$0x3FAF] =	sst s3  }
0xc: {  	[smem:$0x3FB0] =	sst s4  }
0xd: {  	[smem:$0x3FB1] =	sst s5  }
0xe: {  	[smem:$0x3FB2] =	sst s6  }
0xf: {  	[smem:$0x3FB3] =	sst s7  }
0x10: {  	[smem:$0x3FB4] =	sst s8  }
0x11: {  	[smem:$0x3FB5] =	sst s9;
	s0 =	simm.s32 @!p0 $0x0  }
0x12: {  	s1 =	sld [smem:$0x3F9B];
	s0 =	simm.s32 @p0 $0x1  }
0x13: {  	[smem:$0x3FB6] =	sst s0;
	s0 =	simm.s32 @!p1 $0x0  }
0x14: {  	s2 =	sld [smem:$0x3F9A];
	s0 =	simm.s32 @p1 $0x1  }
0x15: {  	[smem:$0x3FB7] =	sst s0;
	s0 =	simm.s32 @!p2 $0x0  }
0x16: {  	s3 =	sld [smem:$0x3FDB];
	s0 =	simm.s32 @p2 $0x1  }
0x17: {  	s4 =	simm.s32 $0x1BF5;
	[smem:$0x3FB9] =	sst s0  }
0x18: {  	s0 =	sld [smem:$0x3F9C];
	_ =	swait.ge [sflag:s4], $0x0  }
0x19: {  	s7 =	sld [smem:$0x3F9D]  }
0x1a: {  	s8 =	sadd.s32 $0xFFFFE003, lr  }
0x1b: {  	s9 =	sadd.s32 $0xFFFFFEF7, lr;
	s5 =	simm.s32 $0xFFFFFFFF;
	p2 =	slt.u32 s8, $0xFFFFF086  }
0x1c: {  	p1 =	slt.u32 s9, $0xF7A;
	s5 =	simm.s32 @!p2 $0x0  }
0x1d: {  	s5 =	simm.s32 @p1 $0x1;
	p0 =	seq.s32 s7, s2  }
0x1e: {  	s7 =	smul.u32 @!p0 $0xF7A, s2;
	p2 =	seq.s32 @!p0 s5, $0x0  }
0x1f: {  	s9 =	smul.u32 $0xF7A, s1;
	s8 =	simm.s32 @!p0 $0x1BF5;
	p2 =	por !p2, p0  }
0x20: {  	[sflag:s8] =	ssyncset.s32 @!p0 $0xFFFFF086;
	s6 =	sadd.s32 @!p0 s3, s7;
	s7 =	simm.s32 @!p0 $0x108  }
0x21: {  	s3 =	sadd.s32 s3, s9;
	s6 =	sadd.s32 @!p0 $0x88, s6;
	s7 =	simm.s32 @p2 $0x1082  }
0x22: {  	[simem:s7], [sflag:s8] =	dma.local @!p0 [hbm:s6], $0xF7A  }
0x23: {  	s9 =	sor.u32 $0xD0000000, s2;
	s6 =	simm.s32 $0x108;
	_ =	swait.ge @!p0 [sflag:s8], $0x0  }
0x24: {  	s3 =	sadd.s32 $0x88, s3;
	s6 =	simm.s32 @!p1 $0x1082;
	[sflag:s4] =	ssyncset.s32 $0xFFFFF086  }
0x25: {  	[simem:s6], [sflag:s4] =	dma.local [hbm:s3], $0xF7A  }
0x26: {  	[smem:$0x3F9D] =	sst s1;
	(tag) =	ssettag s2;
	_ =	strace s9  }
0x27: {  	s1 =	sld [smem:$0x3FAD]  }
0x28: {  	s2 =	sld [smem:$0x3FAE]  }
0x29: {  	s4 =	sld [smem:$0x3FB0]  }
0x2a: {  	p0 =	seq.s32 s5, $0x0;
	s5 =	sld [smem:$0x3FB1]  }
0x2b: {  	s6 =	sld [smem:$0x3FB2]  }
0x2c: {  	s7 =	sld [smem:$0x3FB3]  }
0x2d: {  	s3 =	simm.s32 $0x108;
	s8 =	sld [smem:$0x3FB4]  }
0x2e: {  	s3 =	simm.s32 @!p0 $0x1082;
	s9 =	sld [smem:$0x3FB5]  }
0x2f: {  	lr =	sadd.s32 s0, s3;
	s0 =	sld [smem:$0x3FAC]  }
0x30: {  	s3 =	sld [smem:$0x3FAF]  }
0x31: {  	[smem:$0x3FB8] =	sst s10  }
0x32: {  	s10 =	sld [smem:$0x3FB6];
	_ =	sdelay $0x3  }
0x33: {  	p0 =	seq.s32 s10, $0x1;
	s10 =	sld [smem:$0x3FB8];
	_ =	sdelay $0x3  }
0x34: {  	[smem:$0x3FB8] =	sst s10  }
0x35: {  	s10 =	sld [smem:$0x3FB7];
	_ =	sdelay $0x3  }
0x36: {  	p1 =	seq.s32 s10, $0x1;
	s10 =	sld [smem:$0x3FB8];
	_ =	sdelay $0x3  }
0x37: {  	[smem:$0x3FB8] =	sst s10  }
0x38: {  	s10 =	sld [smem:$0x3FB9]  }
0x39: {  	_ = 	snop;
	(pc) =	sbr.ind lr, $3  }
0x3a: {  	_ = 	snop  }
0x3b: {  	_ = 	snop  }
0x3c: {  	p2 =	seq.s32 s10, $0x1;
	s10 =	sld [smem:$0x3FB8]  }
0x3d: {  	_ =	shalt  }
0x3e: {  	_ =	shalt  }
0x3f: {  	_ =	shalt  }
0x40: {  	_ =	shalt  }
0x41: {  	_ =	shalt  }
0x42: {  	_ =	shalt  }
0x43: {  	_ =	shalt  }
0x44: {  	_ =	shalt  }
0x45: {  	_ =	shalt  }
0x46: {  	_ =	shalt  }
0x47: {  	_ =	shalt  }
0x48: {  	_ =	shalt  }
0x49: {  	_ =	shalt  }
0x4a: {  	_ =	shalt  }
0x4b: {  	_ =	shalt  }
0x4c: {  	_ =	shalt  }
0x4d: {  	_ =	shalt  }
0x4e: {  	_ =	shalt  }
0x4f: {  	_ =	shalt  }
0x50: {  	_ =	shalt  }
0x51: {  	_ =	shalt  }
0x52: {  	_ =	shalt  }
0x53: {  	_ =	shalt  }
0x54: {  	_ =	shalt  }
0x55: {  	_ =	shalt  }
0x56: {  	_ =	shalt  }
0x57: {  	_ =	shalt  }
0x58: {  	_ =	shalt  }
0x59: {  	_ =	shalt  }
0x5a: {  	_ =	shalt  }
0x5b: {  	_ =	shalt  }
0x5c: {  	_ =	shalt  }
0x5d: {  	_ =	shalt  }
0x5e: {  	_ =	shalt  }
0x5f: {  	_ =	shalt  }
0x60: {  	_ =	shalt  }
0x61: {  	_ =	shalt  }
0x62: {  	_ =	shalt  }
0x63: {  	_ =	shalt  }
0x64: {  	_ =	shalt  }
0x65: {  	_ =	shalt  }
0x66: {  	_ =	shalt  }
0x67: {  	_ =	shalt  }
0x68: {  	_ =	shalt  }
0x69: {  	_ =	shalt  }
0x6a: {  	_ =	shalt  }
0x6b: {  	_ =	shalt  }
0x6c: {  	_ =	shalt  }
0x6d: {  	_ =	shalt  }
0x6e: {  	_ =	shalt  }
0x6f: {  	_ =	shalt  }
0x70: {  	_ =	shalt  }
0x71: {  	_ =	shalt  }
0x72: {  	_ =	shalt  }
0x73: {  	_ =	shalt  }
0x74: {  	_ =	shalt  }
0x75: {  	_ =	shalt  }
0x76: {  	_ =	shalt  }
0x77: {  	_ =	shalt  }
0x78: {  	_ =	shalt  }
0x79: {  	_ =	shalt  }
0x7a: {  	_ =	shalt  }
0x7b: {  	_ =	shalt  }
0x7c: {  	_ =	shalt  }
0x7d: {  	_ =	shalt  }
0x7e: {  	_ =	shalt  }
0x7f: {  	_ =	shalt  }
0x80: {  	_ =	shalt  }
0x81: {  	_ =	shalt  }
0x82: {  	_ =	shalt  }
0x83: {  	_ =	shalt  }
0x84: {  	_ =	shalt  }
0x85: {  	_ =	shalt  }
0x86: {  	_ =	shalt  }
0x87: {  	_ =	shalt  }
.Lfunc_end0:
.L_simem_size_0:
called_computation.1_lowered:
.L_overlay_start_0:
0x88: {  	s2 =	sld [smem:$0x3FD9]  }
0x89: {  	s3 =	sld [smem:$0x3FFE];
	_ =	sdelay $0x1  }
0x8a: {  	s1 =	srdreg.scid  }
0x8b: {  	s0 =	sand.u32 $0x1, s1  }
0x8c: {  	s17 =	sshll.u32 s0, $0xA;
	s2 =	sadd.s32 s3, s2  }
0x8d: {  	s2 =	sadd.s32 s2, s17  }
0x8e: {  	[smem:$0x3FC4] =	sst s2  }
0x8f: {  	_ = 	snop  }
0x90: {  	s2 =	sld [smem:$0x3FC9]  }
0x91: {  	s18 =	sld [smem:$0x3FC8]  }
0x92: {  	s4 =	sld [smem:$0x3FC7];
	(tm) =	ssettm $0x1  }
0x93: {  	s5 =	sld [smem:$0x3FFB];
	_ =	sdelay $0x3  }
0x94: {  	_ =	strace s5  }
0x95: {  	s5 =	sld [smem:$0x3FFC];
	_ =	sdelay $0x3  }
0x96: {  	_ =	strace s5  }
0x97: {  	s5 =	sld [smem:$0x3FFD];
	_ =	sdelay $0x3  }
0x98: {  	_ =	strace s5  }
0x99: {  	_ =	strace $0x8FFFFFFF  }
0x9a: {  	s19 =	sld [smem:$0x3FDB];
	_ =	sdelay $0x1  }
0x9b: {  	s6 =	simm.s32 $_scs_section_size  }
0x9c: {  	s7 =	simm.s32 $_size__tile_overlayer_lowered;
	s8 =	simm.s32 $_tile_overlayer_lowered  }
0x9d: {  	s22 =	simm.s32 $0x1BFF;
	s21 =	sshll.u32 s8, $0x1;
	s5 =	sadd.s32 s6, s19  }
0x9e: {  	s9 =	simm.s32 $0x0;
	s20 =	sshll.u32 s7, $0x1;
	s7 =	sadd.s32 s21, s5  }
0x9f: {  	[timem:s9], [sflag:s22] =	dma.local [hbm:s7], s20  }
0xa0: {  	_ =	swait.ge [sflag:s22], s20  }
0xa1: {  	s6 =	ssub.s32 $0x0, s20;
	[sflag:s22] =	ssyncset.done $0x0  }
0xa2: {  	[sflag:s22] =	ssyncadd.s32 s6;
	_ =	sdelay $0x1  }
0xa3: {  	s23 =	simm.s32 $0x1B8B  }
0xa4: {  	_ =	swait.ge [sflag:s23], $0x1  }
0xa5: {  	[sflag:s23] =	ssyncset.done $0x0  }
0xa6: {  	s25 =	simm.s32 $0x1B8E;
	s24 =	sld [smem:$0x3FFE];
	[sflag:s23] =	ssyncadd.s32 $0xFFFFFFFF  }
0xa7: {  	s26 =	simm.s32 $execute0_lowered;
	[smem:$0x3FD2] =	sst s25  }
0xa8: {  	s7 =	sshll.u32 s26, $0x1;
	_ =	strace $0x80000049;
	[dreg:$0x1] =	wrdreg $0xFFFFFFFF  }
0xa9: {  	s28 =	simm.s32 $_size_execute0_lowered;
	s5 =	sadd.s32 s5, s7;
	[dreg:$0x0] =	wrdreg $0x0  }
0xaa: {  	s7 =	sshll.u32 s28, $0x1;
	[dreg:$0x2] =	wrdreg s5  }
0xab: {  	[dreg:$0x3] =	wrdreg s7  }
0xac: {  	[dreg:$0x4] =	wrdreg $0xC0  }
0xad: {  	_ =	task [dreg:s9], $0x5FFFF  }
0xae: {  	[dreg:$0x1] =	wrdreg $0xFFFFFFFF  }
0xaf: {  	[dreg:$0x0] =	wrdreg $0x60  }
0xb0: {  	[dreg:$0x2] =	wrdreg s24  }
0xb1: {  	[dreg:$0x3] =	wrdreg s2  }
0xb2: {  	[dreg:$0x4] =	wrdreg s18  }
0xb3: {  	[dreg:$0x5] =	wrdreg s4  }
0xb4: {  	[dreg:$0x6] =	wrdreg $0x68000  }
0xb5: {  	[dreg:$0x7] =	wrdreg $0x78000  }
0xb6: {  	[dreg:$0x8] =	wrdreg $0x9  }
0xb7: {  	_ =	task.clear_ibuf [dreg:s9], $0x9FFFF;
	_ =	strace $0x90000049  }
0xb8: {  	s29 =	simm.s32 $0x9;
	_ =	strace $0x8000004B  }
0xb9: {  	_ =	swait.ge [sflag:s29], $0x1  }
0xba: {  	[sflag:s29] =	ssyncadd.s32 $0xFFFFFFFF  }
0xbb: {  	_ =	strace $0x9000004B  }
0xbc: {  	_ =	sfence  }
0xbd: {  	s30 =	sld [smem:$0x0];
	_ =	sdelay $0x2  }
0xbe: {  	s31 =	sshll.u32 s1, $0xD;
	s1 =	sshrl.u32 s1, $0x2  }
0xbf: {  	s3 =	sand.u32 $0x4000, s31;
	s1 =	sadd.s32 s1, s30  }
0xc0: {  	s0 =	sor.u32 s3, s0;
	s1 =	sshll.u32 s1, $0x11  }
0xc1: {  	s0 =	sor.u32 s1, s0  }
0xc2: {  	s0 =	sadd.s32 $0x8F2B, s0  }
0xc3: {  	[sflag:s0] =	ssyncadd.remote.s32 $0x1  }
0xc4: {  	_ =	sfence.sel $0xFFFF  }
0xc5: {  	[dreg:$0x0] =	wrdreg $0xFFFFFFFF;
	(pc) =	sbr.abs _section_cstart, $3  }
0xc6: {  	[dreg:$0x1] =	wrdreg $0xFFFFFFFF  }
0xc7: {  	_ =	task.clear_ibuf [dreg:s9], $0x2FFFF;
	_ =	strace $0x9FFFFFFF  }
0xc8: {  	(tm) =	ssettm $0x7FFFFFFF  }
0xc9: {  	_ =	shalt  }
tec
execute0_lowered:
.L_overlay_start_1:
0x0: {  	(tag) =	ssettag $0x1  }
0x1: {  	s0 =	rddreg [dreg:$0x0]  }
0x2: {  	s1 =	rddreg [dreg:$0x1]  }
0x3: {  	s9 =	rddreg [dreg:$0x2]  }
0x4: {  	s10 =	rddreg [dreg:$0x3]  }
0x5: {  	s2 =	rddreg [dreg:$0x4]  }
0x6: {  	s3 =	rddreg [dreg:$0x5]  }
0x7: {  	s4 =	srdreg.scid;
	s8 =	stileid.u32;
	s28 =	simm.s32 $0x0  }
0x8: {  	s15 =	simm.s32 $0x5;
	s18 =	simm.s32 $0x80;
	s19 =	simm.s32 $0x2700  }
0x9: {  	s21 =	simm.s32 $0x3700;
	s22 =	simm.s32 $0x4700;
	s23 =	simm.s32 $0x3  }
0xa: {  	s24 =	simm.s32 $0x4;
	s26 =	simm.s32 $0x0;
	s11 =	sand.u32 $0x1, s4  }
0xb: {  	s7 =	sshll.u32 s8, $0xC;
	[smem:$0x7FF] =	sst s28;
	s29 =	sshll.u32 s8, $0x1  }
0xc: {  	s8 =	sshll.u32 s8, $0x5;
	s5 =	sshll.u32 s11, $0x10;
	_ =	strace $0x8000004A  }
0xd: {  	s13 =	ssub.s32 $0x2, s11;
	s31 =	sshll.u32 s11, $0x9;
	s5 =	sor.u32 s7, s5  }
0xe: {  	s30 =	sshrl.u32 s13, $0x1;
	s6 =	sshrl.u32 s5, $0x3;
	s5 =	sadd.s32 $0x1000, s0  }
0xf: {  	s13 =	ssub.s32 s13, s30;
	s12 =	sadd.s32 s6, s0;
	s6 =	sor.u32 s11, s29  }
0x10: {  	s0 =	sadd.s32 s8, s0;
	s13 =	smax.u32 s13, $0x1;
	s14 =	smul.u32 $0x1A0, s6  }
0x11: {  	s6 =	sadd.s32 s7, s2;
	s7 =	sadd.s32 s7, s3;
	s0 =	sadd.s32 s31, s0  }
0x12: {  	v1 =	vlaneseq.u32;
	s11 =	sadd.s32 $0x1E9600, s12;
	s12 =	sadd.s32 $0x1ED600, s0;
	s8 =	sadd.s32 s1, s14  }
0x13: {  	v0 =	vimm.f32 $0.0e+00;
	v1 =	vmul.u32 $0x10, v1;
	s9 =	sadd.s32 s9, s14;
	s10 =	sadd.s32 s10, s14;
	s14 =	simm.s32 $0x5700  }
.LBB2_1:
0x14: {  	s0 =	simm.s32 $0x40;
	s1 =	simm.s32 $0x0  }
.LBB2_2:
0x15: {  	p0 =	sne.s32 s0, $0x3FC0;
	[tilespmem:s1+$0x5700] =	vst v0;
	s1 =	smov.u32 s0;
	s0 =	sadd.s32 $0x40, s0  }
.Ltmp0:
0x16: {  	(pc) =	sbr.rel @p0 .LBB2_2-.Ltmp0, $2  }
0x17: {  	_ =	sdelay $0x2  }
0x18: {  	s1 =	sshra.s32 s1, $0x2  }
0x19: {  	[tilespmem:s1+$0x5700] =	vst v0  }
0x1a: {  	[spmem:s6] =	stream.linear.scatter [tilespmem:s14], [sflag:$0x5], $0x1000, $0x38;
	[tilespmem:$0x8800] =	vst v63  }
0x1b: {  	_ =	swait.ge [sflag:s15], $0x1000  }
0x1c: {  	[sflag:s15] =	ssyncset.done $0x0  }
0x1d: {  	[sflag:s15] =	ssyncadd.s32 $0xFFFFF000  }
0x1e: {  	[spmem:s7] =	stream.linear.scatter [tilespmem:s14], [sflag:$0x5], $0x1000, $0x38;
	[tilespmem:$0x8800] =	vst v63  }
0x1f: {  	_ =	swait.ge [sflag:s15], $0x1000  }
0x20: {  	[sflag:s15] =	ssyncset.done $0x0  }
0x21: {  	[sflag:s15] =	ssyncadd.s32 $0xFFFFF000  }
0x22: {  	s28 =	simm.s32 $0x0;
	[bflag:$0x0] =	sbarrier.arrive $0xFFFF  }
0x23: {  	[tilespmem:s28], [sflag:$0x5] =	stream.linear.gather [hbm4b:s8+s28], $0xD00, $0x38;
	[tilespmem:$0x8800] =	vst v63  }
0x24: {  	_ =	swait.ge [sflag:s15], $0xD00  }
0x25: {  	[sflag:s15] =	ssyncset.done $0x0  }
0x26: {  	s0 =	simm.s32 $0xD00;
	[sflag:s15] =	ssyncadd.s32 $0xFFFFF300  }
0x27: {  	[tilespmem:s0], [sflag:$0x5] =	stream.linear.gather [hbm4b:s9+s28], $0xD00, $0x38;
	[tilespmem:$0x8800] =	vst v63  }
0x28: {  	_ =	swait.ge [sflag:s15], $0xD00  }
0x29: {  	[sflag:s15] =	ssyncset.done $0x0  }
0x2a: {  	s30 =	simm.s32 $0x1A00;
	[sflag:s15] =	ssyncadd.s32 $0xFFFFF300  }
0x2b: {  	[tilespmem:s30], [sflag:$0x5] =	stream.linear.gather [hbm4b:s10+s28], $0xD00, $0x38;
	[tilespmem:$0x8800] =	vst v63  }
0x2c: {  	_ =	swait.ge [sflag:s15], $0xD00  }
0x2d: {  	[sflag:s15] =	ssyncset.done $0x0  }
0x2e: {  	[sflag:s15] =	ssyncadd.s32 $0xFFFFF300  }
0x2f: {  	[tilespmem:s19], [sflag:$0x1] =	stream.indirect.gather [hbm4b:s5+s18], $0x10, s28, s18, $0xb8;
	[tilespmem:$0x8800] =	vst v63  }
0x30: {  	s31 =	simm.s32 $0x2F00;
	s29 =	simm.s32 $0x1A10  }
0x31: {  	[tilespmem:s31], [sflag:$0x2] =	stream.indirect.gather [hbm4b:s5+s18], $0x10, s18, s18, $0xb8;
	[tilespmem:$0x8800] =	vst v63  }
.LBB2_4:
0x32: {  	s31 =	sand.u32 $0x1, s28  }
0x33: {  	s30 =	sadd.s32 $0x1, s31  }
0x34: {  	s1 =	simm.s32 $0x0;
	s0 =	sshll.u32 s31, $0x7;
	_ =	swait.ge [sflag:s30], $0x800  }
0x35: {  	p0 =	slt.u32 s28, $0x2;
	s1 =	sor.u32 s0, s1;
	[sflag:s30] =	ssyncset.done $0x0  }
0x36: {  	s16 =	sadd.s32 @!p0 $0x3, s31;
	v2 =	vmov s1;
	[sflag:s30] =	ssyncadd.s32 $0xFFFFF800  }
0x37: {  	v2 =	vshll.u32 v2, $0x4;
	_ =	swait.ge @!p0 [sflag:s16], $0x800  }
0x38: {  	v12 =	vor.u32 v1, v2;
	[sflag:s16] =	ssyncset.done @!p0 $0x0  }
0x39: {  	[sflag:s16] =	ssyncadd.s32 @!p0 $0xFFFFF800  }
0x3a: {  	_ =	swait.ge @!p0 [sflag:s16], $0x800  }
0x3b: {  	[sflag:s16] =	ssyncset.done @!p0 $0x0  }
0x3c: {  	s17 =	simm.s32 $0x10;
	[sflag:s16] =	ssyncadd.s32 @!p0 $0xFFFFF800  }
0x3d: {  	s1 =	sor.u32 s0, s17;
	v2 =	vld.idx.msk [tilespmem:v12+s19+$0x0], $0xffff  }
0x3e: {  	v3 =	vmov s1;
	v11 =	vld [tilespmem:s29+$0xFFFFFFF0]  }
0x3f: {  	v3 =	vshll.u32 v3, $0x4  }
0x40: {  	v13 =	vor.u32 v1, v3;
	_ =	sdelay $0x2  }
0x41: {  	v4 =	vor.u32 $0x1, v12;
	v3 =	vmul.f32 v2, v11;
	_ =	sdelay $0x1  }
0x42: {  	v6 =	vld.idx.msk [tilespmem:v13+s19+$0x0], $0xffff;
	v5 =	vmul.f32 v3, v3  }
0x43: {  	v2 =	vld [tilespmem:s29+$0x0];
	[tilespmem:v12+s21+$0x0] =	vst.idx.msk $0xffff, v3  }
0x44: {  	[tilespmem:v12+s22+$0x0] =	vst.idx.msk $0xffff, v5  }
0x45: {  	v3 =	vld.idx.msk [tilespmem:v4+s19+$0x0], $0xffff;
	_ =	sdelay $0x2  }
0x46: {  	v5 =	vmul.f32 v6, v2;
	v6 =	vor.u32 $0x1, v13;
	_ =	sdelay $0x1  }
0x47: {  	v8 =	vor.u32 $0x2, v12;
	v7 =	vmul.f32 v5, v5;
	v3 =	vmul.f32 v3, v11  }
0x48: {  	[tilespmem:v13+s21+$0x0] =	vst.idx.msk $0xffff, v5  }
0x49: {  	[tilespmem:v13+s22+$0x0] =	vst.idx.msk $0xffff, v7;
	v5 =	vmul.f32 v3, v3  }
0x4a: {  	v7 =	vld.idx.msk [tilespmem:v6+s19+$0x0], $0xffff;
	[tilespmem:v4+s21+$0x0] =	vst.idx.msk $0xffff, v3  }
0x4b: {  	[tilespmem:v4+s22+$0x0] =	vst.idx.msk $0xffff, v5  }
0x4c: {  	v3 =	vld.idx.msk [tilespmem:v8+s19+$0x0], $0xffff;
	_ =	sdelay $0x2  }
0x4d: {  	v5 =	vor.u32 $0x2, v13;
	v4 =	vmul.f32 v7, v2;
	_ =	sdelay $0x1  }
0x4e: {  	v9 =	vor.u32 $0x3, v12;
	v7 =	vmul.f32 v4, v4;
	v3 =	vmul.f32 v3, v11  }
0x4f: {  	[tilespmem:v6+s21+$0x0] =	vst.idx.msk $0xffff, v4  }
0x50: {  	[tilespmem:v6+s22+$0x0] =	vst.idx.msk $0xffff, v7;
	v4 =	vmul.f32 v3, v3  }
0x51: {  	v6 =	vld.idx.msk [tilespmem:v5+s19+$0x0], $0xffff;
	[tilespmem:v8+s21+$0x0] =	vst.idx.msk $0xffff, v3  }
0x52: {  	[tilespmem:v8+s22+$0x0] =	vst.idx.msk $0xffff, v4  }
0x53: {  	v3 =	vld.idx.msk [tilespmem:v9+s19+$0x0], $0xffff;
	_ =	sdelay $0x2  }
0x54: {  	v4 =	vmul.f32 v6, v2;
	v6 =	vor.u32 $0x3, v13;
	_ =	sdelay $0x1  }
0x55: {  	v8 =	vor.u32 $0x4, v12;
	v7 =	vmul.f32 v4, v4;
	v3 =	vmul.f32 v3, v11  }
0x56: {  	[tilespmem:v5+s21+$0x0] =	vst.idx.msk $0xffff, v4  }
0x57: {  	[tilespmem:v5+s22+$0x0] =	vst.idx.msk $0xffff, v7;
	v4 =	vmul.f32 v3, v3  }
0x58: {  	v5 =	vld.idx.msk [tilespmem:v6+s19+$0x0], $0xffff;
	[tilespmem:v9+s21+$0x0] =	vst.idx.msk $0xffff, v3  }
0x59: {  	[tilespmem:v9+s22+$0x0] =	vst.idx.msk $0xffff, v4  }
0x5a: {  	v3 =	vld.idx.msk [tilespmem:v8+s19+$0x0], $0xffff;
	_ =	sdelay $0x2  }
0x5b: {  	v7 =	vor.u32 $0x4, v13;
	v4 =	vmul.f32 v5, v2;
	_ =	sdelay $0x1  }
0x5c: {  	s20 =	simm.s32 $0x20;
	v9 =	vor.u32 $0x5, v12;
	v5 =	vmul.f32 v4, v4;
	v3 =	vmul.f32 v3, v11  }
0x5d: {  	s1 =	sor.u32 s0, s20;
	[tilespmem:v6+s21+$0x0] =	vst.idx.msk $0xffff, v4  }
0x5e: {  	v4 =	vmov s1;
	[tilespmem:v6+s22+$0x0] =	vst.idx.msk $0xffff, v5;
	v6 =	vmul.f32 v3, v3  }
0x5f: {  	v4 =	vshll.u32 v4, $0x4;
	v10 =	vld.idx.msk [tilespmem:v7+s19+$0x0], $0xffff;
	[tilespmem:v8+s21+$0x0] =	vst.idx.msk $0xffff, v3  }
0x60: {  	v5 =	vor.u32 v1, v4;
	[tilespmem:v8+s22+$0x0] =	vst.idx.msk $0xffff, v6  }
0x61: {  	v4 =	vld.idx.msk [tilespmem:v9+s19+$0x0], $0xffff;
	_ =	sdelay $0x1  }
0x62: {  	s25 =	simm.s32 $0x30;
	s17 =	sadd.s32 $0x20, s29  }
0x63: {  	s4 =	sor.u32 s0, s25;
	v3 =	vld [tilespmem:s17+$0xFFFFFFF0];
	v8 =	vor.u32 $0x5, v13;
	v6 =	vmul.f32 v10, v2  }
0x64: {  	v14 =	vmov s4;
	v10 =	vld.idx.msk [tilespmem:v5+s19+$0x0], $0xffff  }
0x65: {  	v15 =	vor.u32 $0x6, v12;
	v16 =	vmul.f32 v6, v6;
	v4 =	vmul.f32 v4, v11  }
0x66: {  	v14 =	vshll.u32 v14, $0x4;
	[tilespmem:v7+s21+$0x0] =	vst.idx.msk $0xffff, v6  }
0x67: {  	v6 =	vor.u32 v1, v14;
	[tilespmem:v7+s22+$0x0] =	vst.idx.msk $0xffff, v16;
	v7 =	vmul.f32 v4, v4  }
0x68: {  	v14 =	vld.idx.msk [tilespmem:v8+s19+$0x0], $0xffff;
	[tilespmem:v9+s21+$0x0] =	vst.idx.msk $0xffff, v4  }
0x69: {  	[tilespmem:v9+s22+$0x0] =	vst.idx.msk $0xffff, v7;
	v7 =	vmul.f32 v10, v3;
	v9 =	vor.u32 $0x1, v5  }
0x6a: {  	v10 =	vld.idx.msk [tilespmem:v15+s19+$0x0], $0xffff  }
0x6b: {  	v4 =	vld [tilespmem:s17+$0x0];
	v16 =	vmul.f32 v7, v7  }
0x6c: {  	v17 =	vld.idx.msk [tilespmem:v6+s19+$0x0], $0xffff;
	[tilespmem:v5+s21+$0x0] =	vst.idx.msk $0xffff, v7  }
0x6d: {  	v7 =	vmul.f32 v14, v2;
	v14 =	vor.u32 $0x6, v13;
	[tilespmem:v5+s22+$0x0] =	vst.idx.msk $0xffff, v16  }
0x6e: {  	v16 =	vld.idx.msk [tilespmem:v9+s19+$0x0], $0xffff  }
0x6f: {  	v18 =	vor.u32 $0x7, v12;
	v19 =	vmul.f32 v7, v7;
	v10 =	vmul.f32 v10, v11  }
0x70: {  	[tilespmem:v8+s21+$0x0] =	vst.idx.msk $0xffff, v7  }
0x71: {  	v20 =	vor.u32 $0x1, v6;
	v17 =	vmul.f32 v17, v4;
	[tilespmem:v8+s22+$0x0] =	vst.idx.msk $0xffff, v19;
	v7 =	vmul.f32 v10, v10  }
0x72: {  	v8 =	vld.idx.msk [tilespmem:v14+s19+$0x0], $0xffff;
	[tilespmem:v15+s21+$0x0] =	vst.idx.msk $0xffff, v10  }
0x73: {  	[tilespmem:v15+s22+$0x0] =	vst.idx.msk $0xffff, v7;
	v7 =	vmul.f32 v17, v17;
	v10 =	vmul.f32 v16, v3;
	v15 =	vor.u32 $0x2, v5  }
0x74: {  	[tilespmem:v6+s21+$0x0] =	vst.idx.msk $0xffff, v17;
	v16 =	vld.idx.msk [tilespmem:v18+s19+$0x0], $0xffff  }
0x75: {  	[tilespmem:v6+s22+$0x0] =	vst.idx.msk $0xffff, v7;
	v7 =	vmul.f32 v10, v10  }
0x76: {  	[tilespmem:v9+s21+$0x0] =	vst.idx.msk $0xffff, v10;
	v17 =	vld.idx.msk [tilespmem:v20+s19+$0x0], $0xffff  }
0x77: {  	v8 =	vmul.f32 v8, v2;
	v10 =	vor.u32 $0x7, v13;
	[tilespmem:v9+s22+$0x0] =	vst.idx.msk $0xffff, v7  }
0x78: {  	v7 =	vld.idx.msk [tilespmem:v15+s19+$0x0], $0xffff  }
0x79: {  	v19 =	vmul.f32 v8, v8;
	v9 =	vmul.f32 v16, v11;
	v16 =	vor.u32 $0x8, v12  }
0x7a: {  	[tilespmem:v14+s21+$0x0] =	vst.idx.msk $0xffff, v8  }
0x7b: {  	v21 =	vor.u32 $0x2, v6;
	[tilespmem:v14+s22+$0x0] =	vst.idx.msk $0xffff, v19;
	v8 =	vmul.f32 v9, v9;
	v17 =	vmul.f32 v17, v4  }
0x7c: {  	[tilespmem:v18+s21+$0x0] =	vst.idx.msk $0xffff, v9;
	v9 =	vld.idx.msk [tilespmem:v10+s19+$0x0], $0xffff  }
0x7d: {  	v14 =	vor.u32 $0x3, v5;
	[tilespmem:v18+s22+$0x0] =	vst.idx.msk $0xffff, v8;
	v8 =	vmul.f32 v17, v17;
	v7 =	vmul.f32 v7, v3  }
0x7e: {  	[tilespmem:v20+s21+$0x0] =	vst.idx.msk $0xffff, v17;
	v18 =	vld.idx.msk [tilespmem:v16+s19+$0x0], $0xffff  }
0x7f: {  	[tilespmem:v20+s22+$0x0] =	vst.idx.msk $0xffff, v8;
	v8 =	vmul.f32 v7, v7  }
0x80: {  	[tilespmem:v15+s21+$0x0] =	vst.idx.msk $0xffff, v7;
	v17 =	vld.idx.msk [tilespmem:v21+s19+$0x0], $0xffff  }
0x81: {  	v7 =	vmul.f32 v9, v2;
	v9 =	vor.u32 $0x8, v13;
	[tilespmem:v15+s22+$0x0] =	vst.idx.msk $0xffff, v8  }
0x82: {  	v8 =	vld.idx.msk [tilespmem:v14+s19+$0x0], $0xffff  }
0x83: {  	v15 =	vmul.f32 v18, v11;
	v18 =	vmul.f32 v7, v7  }
0x84: {  	v19 =	vor.u32 $0x9, v12;
	[tilespmem:v10+s21+$0x0] =	vst.idx.msk $0xffff, v7  }
0x85: {  	v20 =	vor.u32 $0x3, v6;
	v7 =	vmul.f32 v15, v15;
	v17 =	vmul.f32 v17, v4;
	[tilespmem:v10+s22+$0x0] =	vst.idx.msk $0xffff, v18  }
0x86: {  	[tilespmem:v16+s21+$0x0] =	vst.idx.msk $0xffff, v15;
	v10 =	vld.idx.msk [tilespmem:v9+s19+$0x0], $0xffff  }
0x87: {  	v15 =	vor.u32 $0x4, v5;
	[tilespmem:v16+s22+$0x0] =	vst.idx.msk $0xffff, v7;
	v7 =	vmul.f32 v17, v17;
	v8 =	vmul.f32 v8, v3  }
0x88: {  	[tilespmem:v21+s21+$0x0] =	vst.idx.msk $0xffff, v17  }
0x89: {  	v16 =	vld.idx.msk [tilespmem:v19+s19+$0x0], $0xffff;
	[tilespmem:v21+s22+$0x0] =	vst.idx.msk $0xffff, v7;
	v7 =	vmul.f32 v8, v8  }
0x8a: {  	[tilespmem:v14+s21+$0x0] =	vst.idx.msk $0xffff, v8;
	v17 =	vld.idx.msk [tilespmem:v20+s19+$0x0], $0xffff  }
0x8b: {  	v8 =	vmul.f32 v10, v2;
	v10 =	vor.u32 $0x9, v13;
	[tilespmem:v14+s22+$0x0] =	vst.idx.msk $0xffff, v7  }
0x8c: {  	v7 =	vld.idx.msk [tilespmem:v15+s19+$0x0], $0xffff  }
0x8d: {  	v14 =	vmul.f32 v8, v8  }
0x8e: {  	v16 =	vmul.f32 v16, v11;
	[tilespmem:v9+s21+$0x0] =	vst.idx.msk $0xffff, v8;
	v8 =	vor.u32 $0xA, v12  }
0x8f: {  	v18 =	vor.u32 $0x4, v6;
	v17 =	vmul.f32 v17, v4;
	[tilespmem:v9+s22+$0x0] =	vst.idx.msk $0xffff, v14  }
0x90: {  	[tilespmem:v19+s21+$0x0] =	vst.idx.msk $0xffff, v16;
	v9 =	vmul.f32 v16, v16;
	v14 =	vld.idx.msk [tilespmem:v10+s19+$0x0], $0xffff  }
0x91: {  	[tilespmem:v20+s21+$0x0] =	vst.idx.msk $0xffff, v17;
	v16 =	vmul.f32 v17, v17;
	v7 =	vmul.f32 v7, v3;
	v17 =	vor.u32 $0x5, v5  }
0x92: {  	[tilespmem:v19+s22+$0x0] =	vst.idx.msk $0xffff, v9  }
0x93: {  	v9 =	vld.idx.msk [tilespmem:v8+s19+$0x0], $0xffff;
	[tilespmem:v20+s22+$0x0] =	vst.idx.msk $0xffff, v16;
	v16 =	vmul.f32 v7, v7  }
0x94: {  	[tilespmem:v15+s21+$0x0] =	vst.idx.msk $0xffff, v7;
	v19 =	vld.idx.msk [tilespmem:v18+s19+$0x0], $0xffff  }
0x95: {  	v7 =	vmul.f32 v14, v2;
	[tilespmem:v15+s22+$0x0] =	vst.idx.msk $0xffff, v16  }
0x96: {  	s20 =	simm.s32 $0x40;
	v14 =	vor.u32 $0xA, v13;
	v15 =	vld.idx.msk [tilespmem:v17+s19+$0x0], $0xffff  }
0x97: {  	s16 =	sor.u32 s0, s20;
	v16 =	vmul.f32 v7, v7  }
0x98: {  	v21 =	vmov s16;
	[tilespmem:v10+s21+$0x0] =	vst.idx.msk $0xffff, v7;
	v7 =	vmul.f32 v9, v11  }
0x99: {  	v21 =	vshll.u32 v21, $0x4;
	v9 =	vmul.f32 v19, v4;
	v19 =	vor.u32 $0xB, v12;
	[tilespmem:v10+s22+$0x0] =	vst.idx.msk $0xffff, v16  }
0x9a: {  	v20 =	vor.u32 $0x5, v6;
	v16 =	vor.u32 $0x6, v5;
	[tilespmem:v8+s21+$0x0] =	vst.idx.msk $0xffff, v7;
	v7 =	vmul.f32 v7, v7  }
0x9b: {  	v10 =	vld.idx.msk [tilespmem:v14+s19+$0x0], $0xffff;
	[tilespmem:v18+s21+$0x0] =	vst.idx.msk $0xffff, v9;
	v9 =	vmul.f32 v9, v9;
	v15 =	vmul.f32 v15, v3  }
0x9c: {  	[tilespmem:v8+s22+$0x0] =	vst.idx.msk $0xffff, v7;
	v8 =	vor.u32 v1, v21  }
0x9d: {  	[tilespmem:v18+s22+$0x0] =	vst.idx.msk $0xffff, v9;
	v7 =	vmul.f32 v15, v15  }
0x9e: {  	[tilespmem:v17+s21+$0x0] =	vst.idx.msk $0xffff, v15;
	v18 =	vld.idx.msk [tilespmem:v19+s19+$0x0], $0xffff  }
0x9f: {  	s25 =	simm.s32 $0x50;
	v15 =	vld.idx.msk [tilespmem:v20+s19+$0x0], $0xffff;
	[tilespmem:v17+s22+$0x0] =	vst.idx.msk $0xffff, v7  }
0xa0: {  	s16 =	sor.u32 s0, s25;
	v10 =	vmul.f32 v10, v2;
	v17 =	vor.u32 $0xB, v13;
	v21 =	vld.idx.msk [tilespmem:v16+s19+$0x0], $0xffff  }
0xa1: {  	v7 =	vmov s16;
	s16 =	sadd.s32 $0x20, s17;
	v22 =	vld.idx.msk [tilespmem:v8+s19+$0x0], $0xffff  }
0xa2: {  	v9 =	vshll.u32 v7, $0x4;
	v7 =	vld [tilespmem:s16+$0xFFFFFFF0];
	v23 =	vmul.f32 v10, v10  }
0xa3: {  	v9 =	vor.u32 v1, v9;
	[tilespmem:v14+s21+$0x0] =	vst.idx.msk $0xffff, v10;
	v10 =	vmul.f32 v18, v11  }
0xa4: {  	[tilespmem:v14+s22+$0x0] =	vst.idx.msk $0xffff, v23;
	v14 =	vmul.f32 v15, v4;
	v15 =	vor.u32 $0xC, v12  }
0xa5: {  	v18 =	vld.idx.msk [tilespmem:v17+s19+$0x0], $0xffff;
	[tilespmem:v19+s21+$0x0] =	vst.idx.msk $0xffff, v10;
	v23 =	vmul.f32 v10, v10  }
0xa6: {  	v24 =	vor.u32 $0x7, v5;
	[tilespmem:v20+s21+$0x0] =	vst.idx.msk $0xffff, v14;
	v21 =	vmul.f32 v21, v3  }
0xa7: {  	v25 =	vor.u32 $0x1, v8;
	v10 =	vld [tilespmem:s16+$0x0];
	v22 =	vmul.f32 v22, v7;
	[tilespmem:v19+s22+$0x0] =	vst.idx.msk $0xffff, v23  }
0xa8: {  	v19 =	vld.idx.msk [tilespmem:v9+s19+$0x0], $0xffff;
	[tilespmem:v16+s21+$0x0] =	vst.idx.msk $0xffff, v21;
	v21 =	vmul.f32 v21, v21  }
0xa9: {  	[tilespmem:v8+s21+$0x0] =	vst.idx.msk $0xffff, v22;
	v22 =	vmul.f32 v22, v22;
	v23 =	vld.idx.msk [tilespmem:v15+s19+$0x0], $0xffff  }
0xaa: {  	v26 =	vor.u32 $0x6, v6;
	v14 =	vmul.f32 v14, v14;
	v18 =	vmul.f32 v18, v2;
	[tilespmem:v16+s22+$0x0] =	vst.idx.msk $0xffff, v21  }
0xab: {  	[tilespmem:v8+s22+$0x0] =	vst.idx.msk $0xffff, v22;
	v16 =	vld.idx.msk [tilespmem:v24+s19+$0x0], $0xffff  }
0xac: {  	[tilespmem:v20+s22+$0x0] =	vst.idx.msk $0xffff, v14;
	v27 =	vld.idx.msk [tilespmem:v25+s19+$0x0], $0xffff;
	v22 =	vmul.f32 v18, v18  }
0xad: {  	v21 =	vor.u32 $0xC, v13;
	[tilespmem:v17+s21+$0x0] =	vst.idx.msk $0xffff, v18;
	v14 =	vmul.f32 v19, v10  }
0xae: {  	v19 =	vor.u32 $0x1, v9;
	v20 =	vmul.f32 v23, v11;
	[tilespmem:v17+s22+$0x0] =	vst.idx.msk $0xffff, v22  }
0xaf: {  	v18 =	vld.idx.msk [tilespmem:v26+s19+$0x0], $0xffff;
	v17 =	vmul.f32 v14, v14;
	[tilespmem:v9+s21+$0x0] =	vst.idx.msk $0xffff, v14  }
0xb0: {  	[tilespmem:v15+s21+$0x0] =	vst.idx.msk $0xffff, v20;
	v14 =	vmul.f32 v16, v3  }
0xb1: {  	v23 =	vor.u32 $0x2, v8;
	v22 =	vmul.f32 v27, v7;
	[tilespmem:v9+s22+$0x0] =	vst.idx.msk $0xffff, v17  }
0xb2: {  	v16 =	vld.idx.msk [tilespmem:v21+s19+$0x0], $0xffff;
	v17 =	vor.u32 $0x8, v5;
	[tilespmem:v24+s21+$0x0] =	vst.idx.msk $0xffff, v14;
	v14 =	vmul.f32 v14, v14  }
0xb3: {  	v53 =	vld.idx.msk [tilespmem:v19+s19+$0x0], $0xffff;
	[tilespmem:v25+s21+$0x0] =	vst.idx.msk $0xffff, v22;
	v22 =	vmul.f32 v22, v22  }
0xb4: {  	v18 =	vmul.f32 v18, v4;
	[tilespmem:v24+s22+$0x0] =	vst.idx.msk $0xffff, v14  }
0xb5: {  	v20 =	vmul.f32 v20, v20;
	v14 =	vor.u32 $0x7, v6;
	[tilespmem:v25+s22+$0x0] =	vst.idx.msk $0xffff, v22  }
0xb6: {  	v54 =	vor.u32 $0xD, v12;
	[tilespmem:v26+s21+$0x0] =	vst.idx.msk $0xffff, v18;
	v22 =	vmul.f32 v18, v18;
	v18 =	vld.idx.msk [tilespmem:v23+s19+$0x0], $0xffff  }
0xb7: {  	[tilespmem:v15+s22+$0x0] =	vst.idx.msk $0xffff, v20;
	v16 =	vmul.f32 v16, v2;
	v24 =	vld.idx.msk [tilespmem:v17+s19+$0x0], $0xffff  }
0xb8: {  	[tilespmem:v26+s22+$0x0] =	vst.idx.msk $0xffff, v22;
	v22 =	vor.u32 $0x2, v9;
	v27 =	vmul.f32 v53, v10  }
0xb9: {  	[tilespmem:v21+s21+$0x0] =	vst.idx.msk $0xffff, v16;
	v16 =	vmul.f32 v16, v16  }
0xba: {  	v55 =	vmul.f32 v27, v27;
	v15 =	vld.idx.msk [tilespmem:v14+s19+$0x0], $0xffff;
	[tilespmem:v19+s21+$0x0] =	vst.idx.msk $0xffff, v27  }
0xbb: {  	v20 =	vor.u32 $0xD, v13;
	v56 =	vld.idx.msk [tilespmem:v54+s19+$0x0], $0xffff;
	[tilespmem:v21+s22+$0x0] =	vst.idx.msk $0xffff, v16;
	v18 =	vmul.f32 v18, v7  }
0xbc: {  	v57 =	vor.u32 $0x9, v5;
	[tilespmem:v19+s22+$0x0] =	vst.idx.msk $0xffff, v55;
	v19 =	vmul.f32 v24, v3  }
0xbd: {  	v16 =	vor.u32 $0x3, v8;
	v21 =	vld.idx.msk [tilespmem:v22+s19+$0x0], $0xffff;
	[tilespmem:v23+s21+$0x0] =	vst.idx.msk $0xffff, v18;
	v18 =	vmul.f32 v18, v18  }
0xbe: {  	[tilespmem:v17+s21+$0x0] =	vst.idx.msk $0xffff, v19;
	v19 =	vmul.f32 v19, v19  }
0xbf: {  	v15 =	vmul.f32 v15, v4;
	[tilespmem:v23+s22+$0x0] =	vst.idx.msk $0xffff, v18  }
0xc0: {  	v18 =	vmul.f32 v56, v11;
	[tilespmem:v17+s22+$0x0] =	vst.idx.msk $0xffff, v19;
	v17 =	vld.idx.msk [tilespmem:v20+s19+$0x0], $0xffff;
	v19 =	vor.u32 $0x8, v6  }
0xc1: {  	v58 =	vor.u32 $0xE, v12;
	v23 =	vld.idx.msk [tilespmem:v57+s19+$0x0], $0xffff;
	[tilespmem:v14+s21+$0x0] =	vst.idx.msk $0xffff, v15;
	v15 =	vmul.f32 v15, v15  }
0xc2: {  	v59 =	vld.idx.msk [tilespmem:v16+s19+$0x0], $0xffff;
	[tilespmem:v54+s21+$0x0] =	vst.idx.msk $0xffff, v18;
	v18 =	vmul.f32 v18, v18;
	v21 =	vmul.f32 v21, v10  }
0xc3: {  	[tilespmem:v14+s22+$0x0] =	vst.idx.msk $0xffff, v15  }
0xc4: {  	v14 =	vor.u32 $0x3, v9;
	[tilespmem:v54+s22+$0x0] =	vst.idx.msk $0xffff, v18;
	v15 =	vmul.f32 v21, v21  }
0xc5: {  	[tilespmem:v22+s21+$0x0] =	vst.idx.msk $0xffff, v21;
	v18 =	vld.idx.msk [tilespmem:v19+s19+$0x0], $0xffff;
	v17 =	vmul.f32 v17, v2  }
0xc6: {  	v21 =	vld.idx.msk [tilespmem:v58+s19+$0x0], $0xffff;
	[tilespmem:v22+s22+$0x0] =	vst.idx.msk $0xffff, v15;
	v15 =	vmul.f32 v23, v3  }
0xc7: {  	v22 =	vor.u32 $0xE, v13;
	v23 =	vmul.f32 v59, v7;
	[tilespmem:v20+s21+$0x0] =	vst.idx.msk $0xffff, v17  }
0xc8: {  	v60 =	vor.u32 $0x4, v8;
	v17 =	vmul.f32 v17, v17;
	[tilespmem:v57+s21+$0x0] =	vst.idx.msk $0xffff, v15  }
0xc9: {  	v61 =	vld.idx.msk [tilespmem:v14+s19+$0x0], $0xffff;
	[tilespmem:v16+s21+$0x0] =	vst.idx.msk $0xffff, v23;
	v23 =	vmul.f32 v23, v23  }
0xca: {  	v28 =	vor.u32 $0x9, v6;
	[tilespmem:v20+s22+$0x0] =	vst.idx.msk $0xffff, v17;
	v18 =	vmul.f32 v18, v4  }
0xcb: {  	v12 =	vor.u32 $0xF, v12;
	[tilespmem:v16+s22+$0x0] =	vst.idx.msk $0xffff, v23;
	v16 =	vmul.f32 v21, v11  }
0xcc: {  	v21 =	vld.idx.msk [tilespmem:v22+s19+$0x0], $0xffff;
	[tilespmem:v19+s21+$0x0] =	vst.idx.msk $0xffff, v18;
	v18 =	vmul.f32 v18, v18  }
0xcd: {  	v23 =	vld.idx.msk [tilespmem:v60+s19+$0x0], $0xffff;
	[tilespmem:v58+s21+$0x0] =	vst.idx.msk $0xffff, v16;
	v16 =	vmul.f32 v16, v16  }
0xce: {  	v15 =	vmul.f32 v15, v15;
	v17 =	vor.u32 $0xA, v5;
	v27 =	vmul.f32 v61, v10;
	[tilespmem:v19+s22+$0x0] =	vst.idx.msk $0xffff, v18  }
0xcf: {  	v20 =	vor.u32 $0x4, v9;
	[tilespmem:v58+s22+$0x0] =	vst.idx.msk $0xffff, v16;
	v16 =	vld.idx.msk [tilespmem:v28+s19+$0x0], $0xffff  }
0xd0: {  	[tilespmem:v57+s22+$0x0] =	vst.idx.msk $0xffff, v15;
	v18 =	vmul.f32 v27, v27;
	v19 =	vld.idx.msk [tilespmem:v12+s19+$0x0], $0xffff  }
0xd1: {  	[tilespmem:v14+s21+$0x0] =	vst.idx.msk $0xffff, v27;
	v15 =	vmul.f32 v21, v2  }
0xd2: {  	v13 =	vor.u32 $0xF, v13;
	v23 =	vmul.f32 v23, v7;
	[tilespmem:v14+s22+$0x0] =	vst.idx.msk $0xffff, v18  }
0xd3: {  	v21 =	vor.u32 $0x5, v8;
	v18 =	vld.idx.msk [tilespmem:v17+s19+$0x0], $0xffff;
	[tilespmem:v22+s21+$0x0] =	vst.idx.msk $0xffff, v15;
	v14 =	vmul.f32 v15, v15  }
0xd4: {  	v62 =	vld.idx.msk [tilespmem:v20+s19+$0x0], $0xffff;
	[tilespmem:v60+s21+$0x0] =	vst.idx.msk $0xffff, v23;
	v15 =	vmul.f32 v23, v23  }
0xd5: {  	v16 =	vmul.f32 v16, v4;
	[tilespmem:v22+s22+$0x0] =	vst.idx.msk $0xffff, v14;
	v14 =	vmul.f32 v19, v11;
	v19 =	vor.u32 $0xA, v6  }
0xd6: {  	[tilespmem:v60+s22+$0x0] =	vst.idx.msk $0xffff, v15  }
0xd7: {  	v15 =	vld.idx.msk [tilespmem:v13+s19+$0x0], $0xffff;
	[tilespmem:v28+s21+$0x0] =	vst.idx.msk $0xffff, v16;
	v63 =	vmul.f32 v16, v16  }
0xd8: {  	v11 =	vor.u32 $0x5, v9;
	v22 =	vld.idx.msk [tilespmem:v21+s19+$0x0], $0xffff;
	[tilespmem:v12+s21+$0x0] =	vst.idx.msk $0xffff, v14  }
0xd9: {  	s20 =	simm.s32 $0x70;
	s1 =	sshll.u32 s28, $0x9;
	s17 =	simm.s32 $0x4;
	v16 =	vmul.f32 v18, v3;
	v18 =	vor.u32 $0xB, v5;
	v23 =	vmul.f32 v62, v10;
	[tilespmem:v28+s22+$0x0] =	vst.idx.msk $0xffff, v63  }
.LBB2_5:
0xda: {  	s25 =	sadd.s32 $0xFFFFFFF0, s20;
	s4 =	sor.u32 s0, s20;
	s17 =	sadd.s32 $0x2, s17;
	v24 =	vld.idx.msk [tilespmem:v19+s19+$0x0], $0xffff  }
0xdb: {  	v26 =	vor.u32 $0x6, v8;
	s25 =	sor.u32 s0, s25;
	v25 =	vmov s4;
	p0 =	slt.u32 s17, $0x6;
	[tilespmem:v17+s21+$0x0] =	vst.idx.msk $0xffff, v16;
	v16 =	vmul.f32 v16, v16  }
0xdc: {  	v27 =	vmov s25;
	v25 =	vshll.u32 v25, $0x4;
	[tilespmem:v20+s21+$0x0] =	vst.idx.msk $0xffff, v23;
	v23 =	vmul.f32 v23, v23  }
0xdd: {  	v15 =	vmul.f32 v15, v2;
	v22 =	vmul.f32 v22, v7;
	v27 =	vshll.u32 v27, $0x4;
	[tilespmem:v17+s22+$0x0] =	vst.idx.msk $0xffff, v16  }
0xde: {  	v2 =	vmov v4;
	v4 =	vmov v10;
	v17 =	vor.u32 v1, v27;
	[tilespmem:v20+s22+$0x0] =	vst.idx.msk $0xffff, v23;
	v20 =	vld.idx.msk [tilespmem:v18+s19+$0x0], $0xffff  }
0xdf: {  	v10 =	vmul.f32 v22, v22;
	[tilespmem:v21+s21+$0x0] =	vst.idx.msk $0xffff, v22;
	v22 =	vld.idx.msk [tilespmem:v11+s19+$0x0], $0xffff  }
0xe0: {  	v23 =	vor.u32 $0xB, v6;
	v16 =	vmul.f32 v24, v2;
	[tilespmem:v13+s21+$0x0] =	vst.idx.msk $0xffff, v15  }
0xe1: {  	[tilespmem:v21+s22+$0x0] =	vst.idx.msk $0xffff, v10;
	v10 =	vmul.f32 v15, v15  }
0xe2: {  	v15 =	vor.u32 v1, v25;
	v24 =	vmul.f32 v16, v16;
	v21 =	vld.idx.msk [tilespmem:v26+s19+$0x0], $0xffff;
	[tilespmem:v19+s21+$0x0] =	vst.idx.msk $0xffff, v16  }
0xe3: {  	s16 =	sadd.s32 $0x20, s16;
	v27 =	vor.u32 $0x5, v15;
	v25 =	vld.idx.msk [tilespmem:v17+s19+$0x0], $0xffff;
	[tilespmem:v13+s22+$0x0] =	vst.idx.msk $0xffff, v10  }
0xe4: {  	v13 =	vmul.f32 v20, v3;
	v16 =	vld [tilespmem:s16+$0xFFFFFFF0];
	[tilespmem:v19+s22+$0x0] =	vst.idx.msk $0xffff, v24  }
0xe5: {  	v20 =	vor.u32 $0xC, v5;
	v19 =	vmul.f32 v22, v4;
	v22 =	vld.idx.msk [tilespmem:v23+s19+$0x0], $0xffff  }
0xe6: {  	v14 =	vmul.f32 v14, v14;
	[tilespmem:v18+s21+$0x0] =	vst.idx.msk $0xffff, v13  }
0xe7: {  	v13 =	vmul.f32 v13, v13;
	v10 =	vld [tilespmem:s16+$0x0];
	[tilespmem:v11+s21+$0x0] =	vst.idx.msk $0xffff, v19  }
0xe8: {  	v28 =	vor.u32 $0x7, v8;
	v21 =	vmul.f32 v21, v7;
	v24 =	vld.idx.msk [tilespmem:v15+s19+$0x0], $0xffff;
	[tilespmem:v12+s22+$0x0] =	vst.idx.msk $0xffff, v14  }
0xe9: {  	v14 =	vor.u32 $0x1, v17;
	v12 =	vmul.f32 v25, v16;
	[tilespmem:v18+s22+$0x0] =	vst.idx.msk $0xffff, v13  }
0xea: {  	v13 =	vmul.f32 v21, v21;
	[tilespmem:v26+s21+$0x0] =	vst.idx.msk $0xffff, v21;
	v18 =	vld.idx.msk [tilespmem:v20+s19+$0x0], $0xffff  }
0xeb: {  	v21 =	vor.u32 $0x6, v9;
	v22 =	vmul.f32 v22, v2;
	[tilespmem:v17+s21+$0x0] =	vst.idx.msk $0xffff, v12;
	v12 =	vmul.f32 v12, v12  }
0xec: {  	[tilespmem:v26+s22+$0x0] =	vst.idx.msk $0xffff, v13;
	v13 =	vmul.f32 v19, v19;
	v19 =	vor.u32 $0xC, v6  }
0xed: {  	v25 =	vmul.f32 v22, v22;
	[tilespmem:v17+s22+$0x0] =	vst.idx.msk $0xffff, v12;
	v12 =	vld.idx.msk [tilespmem:v28+s19+$0x0], $0xffff  }
0xee: {  	v29 =	vor.u32 $0x1, v15;
	v24 =	vmul.f32 v24, v10;
	v26 =	vld.idx.msk [tilespmem:v14+s19+$0x0], $0xffff;
	[tilespmem:v11+s22+$0x0] =	vst.idx.msk $0xffff, v13;
	v11 =	vmov v27  }
0xef: {  	[tilespmem:v23+s21+$0x0] =	vst.idx.msk $0xffff, v22  }
0xf0: {  	v13 =	vmul.f32 v24, v24;
	v18 =	vmul.f32 v18, v3;
	v22 =	vld.idx.msk [tilespmem:v21+s19+$0x0], $0xffff;
	[tilespmem:v23+s22+$0x0] =	vst.idx.msk $0xffff, v25  }
0xf1: {  	[tilespmem:v15+s21+$0x0] =	vst.idx.msk $0xffff, v24;
	v23 =	vld.idx.msk [tilespmem:v19+s19+$0x0], $0xffff  }
0xf2: {  	[tilespmem:v20+s21+$0x0] =	vst.idx.msk $0xffff, v18  }
0xf3: {  	v12 =	vmul.f32 v12, v7;
	[tilespmem:v15+s22+$0x0] =	vst.idx.msk $0xffff, v13;
	v13 =	vor.u32 $0x8, v8  }
0xf4: {  	v25 =	vor.u32 $0x2, v17;
	v24 =	vmul.f32 v26, v16;
	v26 =	vld.idx.msk [tilespmem:v29+s19+$0x0], $0xffff  }
0xf5: {  	[tilespmem:v28+s21+$0x0] =	vst.idx.msk $0xffff, v12;
	v12 =	vmul.f32 v12, v12  }
0xf6: {  	v27 =	vor.u32 $0x7, v9;
	v22 =	vmul.f32 v22, v4;
	[tilespmem:v14+s21+$0x0] =	vst.idx.msk $0xffff, v24;
	v24 =	vmul.f32 v24, v24  }
0xf7: {  	[tilespmem:v28+s22+$0x0] =	vst.idx.msk $0xffff, v12;
	v12 =	vmul.f32 v23, v2  }
0xf8: {  	v23 =	vmul.f32 v22, v22;
	[tilespmem:v14+s22+$0x0] =	vst.idx.msk $0xffff, v24;
	v14 =	vld.idx.msk [tilespmem:v13+s19+$0x0], $0xffff;
	v24 =	vor.u32 $0xD, v5  }
0xf9: {  	v28 =	vld.idx.msk [tilespmem:v25+s19+$0x0], $0xffff;
	[tilespmem:v21+s21+$0x0] =	vst.idx.msk $0xffff, v22  }
0xfa: {  	v18 =	vmul.f32 v18, v18;
	v22 =	vmul.f32 v26, v10;
	v26 =	vor.u32 $0x2, v15;
	[tilespmem:v21+s22+$0x0] =	vst.idx.msk $0xffff, v23  }
0xfb: {  	v23 =	vor.u32 $0xD, v6;
	v21 =	vld.idx.msk [tilespmem:v27+s19+$0x0], $0xffff;
	[tilespmem:v19+s21+$0x0] =	vst.idx.msk $0xffff, v12  }
0xfc: {  	v30 =	vmul.f32 v22, v22;
	[tilespmem:v20+s22+$0x0] =	vst.idx.msk $0xffff, v18  }
0xfd: {  	v12 =	vmul.f32 v12, v12;
	[tilespmem:v29+s21+$0x0] =	vst.idx.msk $0xffff, v22;
	v18 =	vld.idx.msk [tilespmem:v24+s19+$0x0], $0xffff  }
0xfe: {  	v14 =	vmul.f32 v14, v7;
	v22 =	vor.u32 $0x9, v8;
	[tilespmem:v29+s22+$0x0] =	vst.idx.msk $0xffff, v30  }
0xff: {  	v20 =	vmul.f32 v28, v16;
	v28 =	vor.u32 $0x3, v17;
	v29 =	vld.idx.msk [tilespmem:v26+s19+$0x0], $0xffff;
	[tilespmem:v19+s22+$0x0] =	vst.idx.msk $0xffff, v12  }
0x100: {  	v12 =	vmul.f32 v14, v14;
	[tilespmem:v13+s21+$0x0] =	vst.idx.msk $0xffff, v14;
	v14 =	vld.idx.msk [tilespmem:v23+s19+$0x0], $0xffff  }
0x101: {  	v19 =	vmul.f32 v20, v20;
	[tilespmem:v25+s21+$0x0] =	vst.idx.msk $0xffff, v20;
	v20 =	vmul.f32 v21, v4  }
0x102: {  	[tilespmem:v13+s22+$0x0] =	vst.idx.msk $0xffff, v12;
	v13 =	vor.u32 $0x8, v9  }
0x103: {  	v18 =	vmul.f32 v18, v3;
	[tilespmem:v25+s22+$0x0] =	vst.idx.msk $0xffff, v19;
	v12 =	vld.idx.msk [tilespmem:v22+s19+$0x0], $0xffff;
	v19 =	vor.u32 $0xE, v5  }
0x104: {  	v21 =	vld.idx.msk [tilespmem:v28+s19+$0x0], $0xffff;
	[tilespmem:v27+s21+$0x0] =	vst.idx.msk $0xffff, v20;
	v20 =	vmul.f32 v20, v20  }
0x105: {  	v25 =	vmul.f32 v29, v10;
	v29 =	vor.u32 $0x3, v15;
	[tilespmem:v24+s21+$0x0] =	vst.idx.msk $0xffff, v18;
	v18 =	vmul.f32 v18, v18  }
0x106: {  	[tilespmem:v27+s22+$0x0] =	vst.idx.msk $0xffff, v20  }
0x107: {  	v20 =	vmul.f32 v25, v25;
	v27 =	vld.idx.msk [tilespmem:v13+s19+$0x0], $0xffff;
	[tilespmem:v24+s22+$0x0] =	vst.idx.msk $0xffff, v18  }
0x108: {  	v14 =	vmul.f32 v14, v2;
	[tilespmem:v26+s21+$0x0] =	vst.idx.msk $0xffff, v25;
	v18 =	vld.idx.msk [tilespmem:v19+s19+$0x0], $0xffff  }
0x109: {  	v24 =	vor.u32 $0xE, v6;
	v12 =	vmul.f32 v12, v7;
	[tilespmem:v26+s22+$0x0] =	vst.idx.msk $0xffff, v20  }
0x10a: {  	v25 =	vor.u32 $0x4, v17;
	v20 =	vmul.f32 v21, v16;
	v21 =	vld.idx.msk [tilespmem:v29+s19+$0x0], $0xffff;
	[tilespmem:v23+s21+$0x0] =	vst.idx.msk $0xffff, v14  }
0x10b: {  	v26 =	vmul.f32 v12, v12;
	[tilespmem:v22+s21+$0x0] =	vst.idx.msk $0xffff, v12;
	v12 =	vmul.f32 v14, v14  }
0x10c: {  	v14 =	vmul.f32 v20, v20;
	[tilespmem:v28+s21+$0x0] =	vst.idx.msk $0xffff, v20  }
0x10d: {  	v20 =	vmul.f32 v27, v4;
	v27 =	vor.u32 $0x9, v9;
	[tilespmem:v23+s22+$0x0] =	vst.idx.msk $0xffff, v12  }
0x10e: {  	v12 =	vor.u32 $0xF, v5;
	v5 =	vmov v8;
	[tilespmem:v28+s22+$0x0] =	vst.idx.msk $0xffff, v14;
	v14 =	vmul.f32 v18, v3;
	v18 =	vld.idx.msk [tilespmem:v24+s19+$0x0], $0xffff  }
0x10f: {  	v8 =	vmov v17;
	v28 =	vmul.f32 v20, v20;
	v23 =	vld.idx.msk [tilespmem:v25+s19+$0x0], $0xffff;
	[tilespmem:v13+s21+$0x0] =	vst.idx.msk $0xffff, v20  }
0x110: {  	v17 =	vor.u32 $0xA, v5;
	v21 =	vmul.f32 v21, v10;
	[tilespmem:v19+s21+$0x0] =	vst.idx.msk $0xffff, v14;
	v14 =	vmul.f32 v14, v14  }
0x111: {  	v20 =	vor.u32 $0x4, v15;
	[tilespmem:v13+s22+$0x0] =	vst.idx.msk $0xffff, v28  }
0x112: {  	v28 =	vld.idx.msk [tilespmem:v27+s19+$0x0], $0xffff;
	[tilespmem:v19+s22+$0x0] =	vst.idx.msk $0xffff, v14  }
0x113: {  	v14 =	vmul.f32 v21, v21;
	[tilespmem:v29+s21+$0x0] =	vst.idx.msk $0xffff, v21;
	v30 =	vld.idx.msk [tilespmem:v12+s19+$0x0], $0xffff  }
0x114: {  	v13 =	vor.u32 $0xF, v6;
	v6 =	vmovc v9;
	v9 =	vmov v15;
	v18 =	vmul.f32 v18, v2;
	[tilespmem:v22+s22+$0x0] =	vst.idx.msk $0xffff, v26  }
0x115: {  	v21 =	vor.u32 $0x5, v8;
	v15 =	vmul.f32 v23, v16;
	[tilespmem:v29+s22+$0x0] =	vst.idx.msk $0xffff, v14;
	v23 =	vld.idx.msk [tilespmem:v17+s19+$0x0], $0xffff  }
0x116: {  	v14 =	vmul.f32 v18, v18;
	v26 =	vld.idx.msk [tilespmem:v20+s19+$0x0], $0xffff;
	[tilespmem:v24+s21+$0x0] =	vst.idx.msk $0xffff, v18  }
0x117: {  	[tilespmem:v25+s21+$0x0] =	vst.idx.msk $0xffff, v15;
	v15 =	vmul.f32 v15, v15  }
.Ltmp1:
0x118: {  	v19 =	vor.u32 $0xA, v6;
	v18 =	vmul.f32 v28, v4;
	[tilespmem:v24+s22+$0x0] =	vst.idx.msk $0xffff, v14;
	(pc) =	sbr.rel @p0 .LBB2_5-.Ltmp1, $4  }
0x119: {  	v14 =	vmul.f32 v30, v3;
	v3 =	vmov v7;
	v7 =	vmov v16;
	[tilespmem:v25+s22+$0x0] =	vst.idx.msk $0xffff, v15;
	v15 =	vld.idx.msk [tilespmem:v13+s19+$0x0], $0xffff  }
0x11a: {  	v24 =	vmul.f32 v18, v18;
	v22 =	vld.idx.msk [tilespmem:v21+s19+$0x0], $0xffff;
	[tilespmem:v27+s21+$0x0] =	vst.idx.msk $0xffff, v18  }
0x11b: {  	v16 =	vmul.f32 v23, v3;
	[tilespmem:v12+s21+$0x0] =	vst.idx.msk $0xffff, v14  }
0x11c: {  	s20 =	sadd.s32 $0x20, s20;
	v18 =	vor.u32 $0xB, v5;
	v23 =	vmul.f32 v26, v10;
	[tilespmem:v27+s22+$0x0] =	vst.idx.msk $0xffff, v24  }
0x11d: {  	_ =	sdelay $0x2  }
0x11e: {  	v24 =	vmul.f32 v23, v23  }
0x11f: {  	[tilespmem:v20+s21+$0x0] =	vst.idx.msk $0xffff, v23  }
0x120: {  	[tilespmem:v20+s22+$0x0] =	vst.idx.msk $0xffff, v24  }
0x121: {  	v20 =	vld.idx.msk [tilespmem:v11+s19+$0x0], $0xffff;
	_ =	sdelay $0x2  }
0x122: {  	v62 =	vor.u32 $0x6, v8;
	v22 =	vmul.f32 v22, v7;
	_ =	sdelay $0x1  }
0x123: {  	v25 =	vor.u32 $0x6, v9;
	v63 =	vmul.f32 v22, v22;
	v20 =	vmul.f32 v20, v10  }
0x124: {  	[tilespmem:v21+s21+$0x0] =	vst.idx.msk $0xffff, v22  }
0x125: {  	[tilespmem:v21+s22+$0x0] =	vst.idx.msk $0xffff, v63;
	v28 =	vmul.f32 v20, v20  }
0x126: {  	v22 =	vld.idx.msk [tilespmem:v62+s19+$0x0], $0xffff;
	[tilespmem:v11+s21+$0x0] =	vst.idx.msk $0xffff, v20  }
0x127: {  	[tilespmem:v11+s22+$0x0] =	vst.idx.msk $0xffff, v28  }
0x128: {  	v11 =	vld.idx.msk [tilespmem:v25+s19+$0x0], $0xffff;
	_ =	sdelay $0x2  }
0x129: {  	v30 =	vor.u32 $0x7, v8;
	v29 =	vmul.f32 v22, v7;
	_ =	sdelay $0x1  }
0x12a: {  	v31 =	vor.u32 $0x7, v9;
	v22 =	vmul.f32 v29, v29;
	v11 =	vmul.f32 v11, v10  }
0x12b: {  	[tilespmem:v62+s21+$0x0] =	vst.idx.msk $0xffff, v29  }
0x12c: {  	[tilespmem:v62+s22+$0x0] =	vst.idx.msk $0xffff, v22;
	v32 =	vmul.f32 v11, v11  }
0x12d: {  	v22 =	vld.idx.msk [tilespmem:v30+s19+$0x0], $0xffff;
	[tilespmem:v25+s21+$0x0] =	vst.idx.msk $0xffff, v11  }
0x12e: {  	[tilespmem:v25+s22+$0x0] =	vst.idx.msk $0xffff, v32  }
0x12f: {  	v11 =	vld.idx.msk [tilespmem:v31+s19+$0x0], $0xffff;
	_ =	sdelay $0x2  }
0x130: {  	v34 =	vor.u32 $0x8, v8;
	v33 =	vmul.f32 v22, v7;
	_ =	sdelay $0x1  }
0x131: {  	v36 =	vor.u32 $0x8, v9;
	v35 =	vmul.f32 v33, v33;
	v11 =	vmul.f32 v11, v10  }
0x132: {  	[tilespmem:v30+s21+$0x0] =	vst.idx.msk $0xffff, v33  }
0x133: {  	[tilespmem:v30+s22+$0x0] =	vst.idx.msk $0xffff, v35;
	v37 =	vmul.f32 v11, v11  }
0x134: {  	v21 =	vld.idx.msk [tilespmem:v34+s19+$0x0], $0xffff;
	[tilespmem:v31+s21+$0x0] =	vst.idx.msk $0xffff, v11  }
0x135: {  	[tilespmem:v31+s22+$0x0] =	vst.idx.msk $0xffff, v37  }
0x136: {  	v11 =	vld.idx.msk [tilespmem:v36+s19+$0x0], $0xffff;
	_ =	sdelay $0x2  }
0x137: {  	v39 =	vor.u32 $0x9, v8;
	v38 =	vmul.f32 v21, v7;
	_ =	sdelay $0x1  }
0x138: {  	v41 =	vor.u32 $0x9, v9;
	v40 =	vmul.f32 v38, v38;
	v11 =	vmul.f32 v11, v10  }
0x139: {  	[tilespmem:v34+s21+$0x0] =	vst.idx.msk $0xffff, v38  }
0x13a: {  	[tilespmem:v34+s22+$0x0] =	vst.idx.msk $0xffff, v40;
	v42 =	vmul.f32 v11, v11  }
0x13b: {  	v22 =	vld.idx.msk [tilespmem:v39+s19+$0x0], $0xffff;
	[tilespmem:v36+s21+$0x0] =	vst.idx.msk $0xffff, v11  }
0x13c: {  	[tilespmem:v36+s22+$0x0] =	vst.idx.msk $0xffff, v42  }
0x13d: {  	v11 =	vld.idx.msk [tilespmem:v41+s19+$0x0], $0xffff;
	_ =	sdelay $0x2  }
0x13e: {  	v44 =	vor.u32 $0xA, v8;
	v43 =	vmul.f32 v22, v7  }
0x13f: {  	v47 =	vld.idx.msk [tilespmem:v19+s19+$0x0], $0xffff  }
0x140: {  	v46 =	vor.u32 $0xA, v9;
	v45 =	vmul.f32 v43, v43;
	v11 =	vmul.f32 v11, v10  }
0x141: {  	[tilespmem:v39+s21+$0x0] =	vst.idx.msk $0xffff, v43  }
0x142: {  	[tilespmem:v39+s22+$0x0] =	vst.idx.msk $0xffff, v45;
	v48 =	vmul.f32 v11, v11  }
0x143: {  	v23 =	vld.idx.msk [tilespmem:v44+s19+$0x0], $0xffff;
	[tilespmem:v41+s21+$0x0] =	vst.idx.msk $0xffff, v11  }
0x144: {  	v50 =	vor.u32 $0xB, v6;
	v20 =	vmul.f32 v47, v4;
	[tilespmem:v41+s22+$0x0] =	vst.idx.msk $0xffff, v48  }
0x145: {  	v11 =	vld.idx.msk [tilespmem:v46+s19+$0x0], $0xffff  }
0x146: {  	v51 =	vmul.f32 v20, v20  }
0x147: {  	[tilespmem:v19+s21+$0x0] =	vst.idx.msk $0xffff, v20  }
0x148: {  	v49 =	vmul.f32 v16, v16;
	v53 =	vor.u32 $0xB, v8;
	[tilespmem:v19+s22+$0x0] =	vst.idx.msk $0xffff, v51;
	v52 =	vmul.f32 v23, v7  }
0x149: {  	[tilespmem:v17+s21+$0x0] =	vst.idx.msk $0xffff, v16;
	v20 =	vld.idx.msk [tilespmem:v50+s19+$0x0], $0xffff  }
0x14a: {  	v56 =	vor.u32 $0xB, v9;
	[tilespmem:v17+s22+$0x0] =	vst.idx.msk $0xffff, v49;
	v55 =	vmul.f32 v52, v52;
	v11 =	vmul.f32 v11, v10  }
0x14b: {  	v54 =	vld.idx.msk [tilespmem:v18+s19+$0x0], $0xffff;
	[tilespmem:v44+s21+$0x0] =	vst.idx.msk $0xffff, v52  }
0x14c: {  	[tilespmem:v44+s22+$0x0] =	vst.idx.msk $0xffff, v55;
	v57 =	vmul.f32 v11, v11  }
0x14d: {  	v17 =	vld.idx.msk [tilespmem:v53+s19+$0x0], $0xffff;
	[tilespmem:v46+s21+$0x0] =	vst.idx.msk $0xffff, v11  }
0x14e: {  	v60 =	vor.u32 $0xC, v6;
	v20 =	vmul.f32 v20, v4;
	[tilespmem:v46+s22+$0x0] =	vst.idx.msk $0xffff, v57  }
0x14f: {  	v16 =	vld.idx.msk [tilespmem:v56+s19+$0x0], $0xffff  }
0x150: {  	v59 =	vor.u32 $0xC, v5;
	v58 =	vmul.f32 v54, v3;
	v61 =	vmul.f32 v20, v20  }
0x151: {  	[tilespmem:v50+s21+$0x0] =	vst.idx.msk $0xffff, v20  }
0x152: {  	v62 =	vor.u32 $0xC, v8;
	[tilespmem:v50+s22+$0x0] =	vst.idx.msk $0xffff, v61;
	v23 =	vmul.f32 v58, v58;
	v17 =	vmul.f32 v17, v7  }
0x153: {  	[tilespmem:v18+s21+$0x0] =	vst.idx.msk $0xffff, v58;
	v24 =	vld.idx.msk [tilespmem:v60+s19+$0x0], $0xffff  }
0x154: {  	v28 =	vor.u32 $0xC, v9;
	[tilespmem:v18+s22+$0x0] =	vst.idx.msk $0xffff, v23;
	v63 =	vmul.f32 v17, v17;
	v16 =	vmul.f32 v16, v10  }
0x155: {  	v23 =	vld.idx.msk [tilespmem:v59+s19+$0x0], $0xffff;
	[tilespmem:v53+s21+$0x0] =	vst.idx.msk $0xffff, v17  }
0x156: {  	[tilespmem:v53+s22+$0x0] =	vst.idx.msk $0xffff, v63;
	v29 =	vmul.f32 v16, v16  }
0x157: {  	v17 =	vld.idx.msk [tilespmem:v62+s19+$0x0], $0xffff;
	[tilespmem:v56+s21+$0x0] =	vst.idx.msk $0xffff, v16  }
0x158: {  	v33 =	vor.u32 $0xD, v6;
	v32 =	vmul.f32 v24, v4;
	[tilespmem:v56+s22+$0x0] =	vst.idx.msk $0xffff, v29  }
0x159: {  	v11 =	vld.idx.msk [tilespmem:v28+s19+$0x0], $0xffff  }
0x15a: {  	v31 =	vor.u32 $0xD, v5;
	v34 =	vmul.f32 v32, v32;
	v30 =	vmul.f32 v23, v3  }
0x15b: {  	[tilespmem:v60+s21+$0x0] =	vst.idx.msk $0xffff, v32  }
0x15c: {  	v35 =	vor.u32 $0xD, v8;
	[tilespmem:v60+s22+$0x0] =	vst.idx.msk $0xffff, v34;
	v23 =	vmul.f32 v30, v30;
	v17 =	vmul.f32 v17, v7  }
0x15d: {  	v25 =	vld.idx.msk [tilespmem:v33+s19+$0x0], $0xffff;
	[tilespmem:v59+s21+$0x0] =	vst.idx.msk $0xffff, v30  }
0x15e: {  	v38 =	vor.u32 $0xD, v9;
	[tilespmem:v59+s22+$0x0] =	vst.idx.msk $0xffff, v23;
	v37 =	vmul.f32 v17, v17;
	v11 =	vmul.f32 v11, v10  }
0x15f: {  	v36 =	vld.idx.msk [tilespmem:v31+s19+$0x0], $0xffff;
	[tilespmem:v62+s21+$0x0] =	vst.idx.msk $0xffff, v17  }
0x160: {  	[tilespmem:v62+s22+$0x0] =	vst.idx.msk $0xffff, v37;
	v39 =	vmul.f32 v11, v11  }
0x161: {  	v40 =	vld.idx.msk [tilespmem:v35+s19+$0x0], $0xffff;
	[tilespmem:v28+s21+$0x0] =	vst.idx.msk $0xffff, v11  }
0x162: {  	v43 =	vmul.f32 v25, v4;
	v44 =	vor.u32 $0xE, v6;
	[tilespmem:v28+s22+$0x0] =	vst.idx.msk $0xffff, v39  }
0x163: {  	v16 =	vld.idx.msk [tilespmem:v38+s19+$0x0], $0xffff  }
0x164: {  	v42 =	vor.u32 $0xE, v5;
	v45 =	vmul.f32 v43, v43;
	v41 =	vmul.f32 v36, v3  }
0x165: {  	[tilespmem:v33+s21+$0x0] =	vst.idx.msk $0xffff, v43  }
0x166: {  	[tilespmem:v33+s22+$0x0] =	vst.idx.msk $0xffff, v45;
	v46 =	vor.u32 $0xE, v8;
	v19 =	vmul.f32 v41, v41;
	v11 =	vmul.f32 v40, v7  }
0x167: {  	v24 =	vld.idx.msk [tilespmem:v44+s19+$0x0], $0xffff;
	[tilespmem:v31+s21+$0x0] =	vst.idx.msk $0xffff, v41  }
0x168: {  	v48 =	vor.u32 $0xE, v9;
	[tilespmem:v31+s22+$0x0] =	vst.idx.msk $0xffff, v19;
	v47 =	vmul.f32 v11, v11;
	v16 =	vmul.f32 v16, v10  }
0x169: {  	v21 =	vld.idx.msk [tilespmem:v42+s19+$0x0], $0xffff;
	[tilespmem:v35+s21+$0x0] =	vst.idx.msk $0xffff, v11  }
0x16a: {  	[tilespmem:v35+s22+$0x0] =	vst.idx.msk $0xffff, v47;
	v49 =	vmul.f32 v16, v16  }
0x16b: {  	v17 =	vld.idx.msk [tilespmem:v46+s19+$0x0], $0xffff;
	[tilespmem:v38+s21+$0x0] =	vst.idx.msk $0xffff, v16  }
0x16c: {  	v2 =	vmul.f32 v15, v2;
	v52 =	vmul.f32 v24, v4;
	v53 =	vor.u32 $0xF, v6;
	[tilespmem:v38+s22+$0x0] =	vst.idx.msk $0xffff, v49  }
0x16d: {  	v11 =	vld.idx.msk [tilespmem:v48+s19+$0x0], $0xffff  }
0x16e: {  	[tilespmem:v13+s21+$0x0] =	vst.idx.msk $0xffff, v2;
	v54 =	vmul.f32 v52, v52;
	v50 =	vmul.f32 v21, v3  }
0x16f: {  	v51 =	vor.u32 $0xF, v5;
	[tilespmem:v44+s21+$0x0] =	vst.idx.msk $0xffff, v52  }
0x170: {  	v55 =	vor.u32 $0xF, v8;
	[tilespmem:v44+s22+$0x0] =	vst.idx.msk $0xffff, v54;
	v21 =	vmul.f32 v50, v50;
	v17 =	vmul.f32 v17, v7  }
0x171: {  	v58 =	vld.idx.msk [tilespmem:v53+s19+$0x0], $0xffff;
	[tilespmem:v42+s21+$0x0] =	vst.idx.msk $0xffff, v50  }
0x172: {  	v57 =	vor.u32 $0xF, v9;
	[tilespmem:v42+s22+$0x0] =	vst.idx.msk $0xffff, v21;
	v56 =	vmul.f32 v17, v17;
	v11 =	vmul.f32 v11, v10  }
0x173: {  	[tilespmem:v46+s21+$0x0] =	vst.idx.msk $0xffff, v17  }
0x174: {  	v18 =	vld.idx.msk [tilespmem:v51+s19+$0x0], $0xffff;
	[tilespmem:v46+s22+$0x0] =	vst.idx.msk $0xffff, v56;
	v59 =	vmul.f32 v11, v11  }
0x175: {  	v60 =	vmul.f32 v2, v2;
	v16 =	vld.idx.msk [tilespmem:v55+s19+$0x0], $0xffff;
	[tilespmem:v48+s21+$0x0] =	vst.idx.msk $0xffff, v11  }
0x176: {  	v2 =	vmul.f32 v14, v14;
	v62 =	vmul.f32 v58, v4;
	[tilespmem:v48+s22+$0x0] =	vst.idx.msk $0xffff, v59  }
0x177: {  	[tilespmem:v13+s22+$0x0] =	vst.idx.msk $0xffff, v60;
	v61 =	vld.idx.msk [tilespmem:v57+s19+$0x0], $0xffff  }
0x178: {  	[tilespmem:v12+s22+$0x0] =	vst.idx.msk $0xffff, v2;
	v2 =	vmul.f32 v62, v62  }
0x179: {  	[tilespmem:v53+s21+$0x0] =	vst.idx.msk $0xffff, v62;
	v3 =	vmul.f32 v18, v3  }
0x17a: {  	[tilespmem:v53+s22+$0x0] =	vst.idx.msk $0xffff, v2;
	v2 =	vmul.f32 v16, v7  }
0x17b: {  	[tilespmem:v51+s21+$0x0] =	vst.idx.msk $0xffff, v3;
	v3 =	vmul.f32 v3, v3  }
0x17c: {  	[tilespmem:v55+s21+$0x0] =	vst.idx.msk $0xffff, v2;
	v2 =	vmul.f32 v2, v2;
	v63 =	vmul.f32 v61, v10  }
0x17d: {  	[tilespmem:v51+s22+$0x0] =	vst.idx.msk $0xffff, v3  }
0x17e: {  	[tilespmem:v55+s22+$0x0] =	vst.idx.msk $0xffff, v2;
	v3 =	vmul.f32 v63, v63  }
0x17f: {  	s0 =	sshll.u32 s31, $0xB;
	s4 =	sshrl.u32 s1, $0x2;
	s17 =	sadd.s32 $0x3, s31;
	[tilespmem:v57+s21+$0x0] =	vst.idx.msk $0xffff, v63  }
0x180: {  	p0 =	sgt.u32 s28, $0x17;
	s16 =	sor.u32 $0x3700, s0;
	s4 =	sadd.s32 $0xD00, s4;
	[tilespmem:v57+s22+$0x0] =	vst.idx.msk $0xffff, v3  }
0x181: {  	[spmem:s2] =	stream.indirect.scatter.add.f32 [tilespmem:s16], [sflag:s17], $0x10, s4, s18, $0xb8;
	[tilespmem:$0x8800] =	vst v63  }
0x182: {  	s28 =	sadd.s32 $0x1, s28;
	s31 =	sor.u32 $0x4700, s0;
	s1 =	sshrl.u32 @!p0 s1, $0x2  }
0x183: {  	[spmem:s3] =	stream.indirect.scatter.add.f32 [tilespmem:s31], [sflag:s17], $0x10, s4, s18, $0xb8;
	[tilespmem:$0x8800] =	vst v63  }
0x184: {  	s0 =	sadd.s32 @!p0 $0x2700, s0;
	s1 =	sadd.s32 @!p0 $0x100, s1;
	s4 =	simm.s32 @!p0 $0x80  }
0x185: {  	[tilespmem:s0], [sflag:s30] =	stream.indirect.gather @!p0 [hbm4b:s5+s4], $0x10, s1, s4, $0xb8;
	[tilespmem:$0x8800] =	vst v63  }
0x186: {  	p0 =	sne.s32 s28, $0x1A  }
.Ltmp2:
0x187: {  	_ = 	snop;
	(pc) =	sbr.rel @p0 .LBB2_4-.Ltmp2, $2  }
0x188: {  	_ =	sdelay $0x2  }
0x189: {  	s29 =	sadd.s32 $0x80, s29  }
0x18a: {  	_ =	swait.ge [sflag:s23], $0x800  }
0x18b: {  	[sflag:s23] =	ssyncset.done $0x0  }
0x18c: {  	[sflag:s23] =	ssyncadd.s32 $0xFFFFF800  }
0x18d: {  	_ =	swait.ge [sflag:s23], $0x800  }
0x18e: {  	[sflag:s23] =	ssyncset.done $0x0  }
0x18f: {  	[sflag:s23] =	ssyncadd.s32 $0xFFFFF800  }
0x190: {  	_ =	swait.ge [sflag:s24], $0x800  }
0x191: {  	[sflag:s24] =	ssyncset.done $0x0  }
0x192: {  	[sflag:s24] =	ssyncadd.s32 $0xFFFFF800  }
0x193: {  	_ =	swait.ge [sflag:s24], $0x800  }
0x194: {  	[sflag:s24] =	ssyncset.done $0x0  }
0x195: {  	[sflag:s24] =	ssyncadd.s32 $0xFFFFF800  }
0x196: {  	[bflag:$0x0] =	sbarrier.arrive $0xFFFF  }
0x197: {  	[tilespmem:s14], [sflag:$0x5] =	stream.linear.gather [spmem:s6], $0x1000, $0x38;
	[tilespmem:$0x8800] =	vst v63  }
0x198: {  	_ =	swait.ge [sflag:s15], $0x1000  }
0x199: {  	[sflag:s15] =	ssyncset.done $0x0  }
0x19a: {  	s17 =	simm.s32 $0x0;
	s0 =	simm.s32 $0x10;
	[sflag:s15] =	ssyncadd.s32 $0xFFFFF000  }
0x19b: {  	[hbm4b:s11+s17] =	stream.linear.scatter [tilespmem:s14], [sflag:$0x5], $0x1000, $0x38;
	[tilespmem:$0x8800] =	vst v63  }
0x19c: {  	s1 =	simm.s32 $0x0;
	v2 =	vmov s0;
	_ =	swait.ge [sflag:s15], $0x1000  }
0x19d: {  	v3 =	vmov s1;
	v2 =	vshll.u32 v2, $0x4;
	[sflag:s15] =	ssyncset.done $0x0  }
0x19e: {  	v3 =	vshll.u32 v3, $0x4;
	v2 =	vor.u32 v1, v2;
	[sflag:s15] =	ssyncadd.s32 $0xFFFFF000  }
0x19f: {  	v3 =	vor.u32 v1, v3;
	[tilespmem:s14], [sflag:$0x5] =	stream.linear.gather [spmem:s7], $0x1000, $0x38;
	[tilespmem:$0x8800] =	vst v63  }
0x1a0: {  	v4 =	vor.u32 $0x1, v2;
	_ =	swait.ge [sflag:s15], $0x1000  }
0x1a1: {  	v5 =	vor.u32 $0x1, v3;
	[sflag:s15] =	ssyncset.done $0x0  }
0x1a2: {  	v6 =	vor.u32 $0x2, v2;
	[sflag:s15] =	ssyncadd.s32 $0xFFFFF000  }
0x1a3: {  	v7 =	vor.u32 $0x2, v3;
	v8 =	vld.idx.msk [tilespmem:v2+s14+$0x0], $0xffff  }
0x1a4: {  	v9 =	vor.u32 $0x3, v2;
	v10 =	vld.idx.msk [tilespmem:v3+s14+$0x0], $0xffff  }
0x1a5: {  	v11 =	vor.u32 $0x3, v3;
	v4 =	vld.idx.msk [tilespmem:v4+s14+$0x0], $0xffff  }
0x1a6: {  	v12 =	vor.u32 $0x4, v2;
	v5 =	vld.idx.msk [tilespmem:v5+s14+$0x0], $0xffff  }
0x1a7: {  	v13 =	vor.u32 $0x4, v3;
	v6 =	vld.idx.msk [tilespmem:v6+s14+$0x0], $0xffff  }
0x1a8: {  	v14 =	vor.u32 $0x5, v2;
	v7 =	vld.idx.msk [tilespmem:v7+s14+$0x0], $0xffff  }
0x1a9: {  	v15 =	vor.u32 $0x5, v3;
	v9 =	vld.idx.msk [tilespmem:v9+s14+$0x0], $0xffff  }
0x1aa: {  	v16 =	vor.u32 $0x6, v2;
	v11 =	vld.idx.msk [tilespmem:v11+s14+$0x0], $0xffff  }
0x1ab: {  	v17 =	vor.u32 $0x6, v3;
	v12 =	vld.idx.msk [tilespmem:v12+s14+$0x0], $0xffff  }
0x1ac: {  	v18 =	vor.u32 $0x7, v2;
	v13 =	vld.idx.msk [tilespmem:v13+s14+$0x0], $0xffff  }
0x1ad: {  	v19 =	vor.u32 $0x7, v3;
	v14 =	vld.idx.msk [tilespmem:v14+s14+$0x0], $0xffff  }
0x1ae: {  	v20 =	vor.u32 $0x8, v2;
	v15 =	vld.idx.msk [tilespmem:v15+s14+$0x0], $0xffff  }
0x1af: {  	v21 =	vor.u32 $0x8, v3;
	v16 =	vld.idx.msk [tilespmem:v16+s14+$0x0], $0xffff  }
0x1b0: {  	v22 =	vor.u32 $0x9, v2;
	v17 =	vld.idx.msk [tilespmem:v17+s14+$0x0], $0xffff  }
0x1b1: {  	v23 =	vor.u32 $0x9, v3;
	v18 =	vld.idx.msk [tilespmem:v18+s14+$0x0], $0xffff  }
0x1b2: {  	v24 =	vor.u32 $0xA, v2;
	v19 =	vld.idx.msk [tilespmem:v19+s14+$0x0], $0xffff  }
0x1b3: {  	v25 =	vor.u32 $0xA, v3;
	v20 =	vld.idx.msk [tilespmem:v20+s14+$0x0], $0xffff  }
0x1b4: {  	v26 =	vor.u32 $0xB, v2;
	v21 =	vld.idx.msk [tilespmem:v21+s14+$0x0], $0xffff  }
0x1b5: {  	v27 =	vor.u32 $0xB, v3;
	v28 =	vor.u32 $0xC, v2;
	v22 =	vld.idx.msk [tilespmem:v22+s14+$0x0], $0xffff  }
0x1b6: {  	v29 =	vor.u32 $0xC, v3;
	v30 =	vor.u32 $0xD, v2;
	v31 =	vor.u32 $0xD, v3;
	v23 =	vld.idx.msk [tilespmem:v23+s14+$0x0], $0xffff  }
0x1b7: {  	v33 =	vor.u32 $0xE, v3;
	v24 =	vld.idx.msk [tilespmem:v24+s14+$0x0], $0xffff;
	v3 =	vor.u32 $0xF, v3;
	v10 =	vadd.f32 $0.0e+00, v10  }
0x1b8: {  	v25 =	vld.idx.msk [tilespmem:v25+s14+$0x0], $0xffff  }
0x1b9: {  	v32 =	vor.u32 $0xE, v2;
	v48 =	vor.u32 $0xF, v2;
	v26 =	vld.idx.msk [tilespmem:v26+s14+$0x0], $0xffff;
	v2 =	vadd.f32 v5, v10  }
0x1ba: {  	v28 =	vld.idx.msk [tilespmem:v28+s14+$0x0], $0xffff;
	v8 =	vadd.f32 $0.0e+00, v8  }
0x1bb: {  	s30 =	simm.s32 $0x30;
	v49 =	vld.idx.msk [tilespmem:v30+s14+$0x0], $0xffff;
	v7 =	vadd.f32 v7, v2  }
0x1bc: {  	s31 =	simm.s32 $0x20;
	v3 =	vld.idx.msk [tilespmem:v3+s14+$0x0], $0xffff;
	v4 =	vadd.f32 v4, v8;
	v5 =	vmov s30  }
0x1bd: {  	v8 =	vld.idx.msk [tilespmem:v27+s14+$0x0], $0xffff;
	v10 =	vmov s31;
	v5 =	vshll.u32 v5, $0x4;
	v7 =	vadd.f32 v11, v7  }
0x1be: {  	v27 =	vld.idx.msk [tilespmem:v48+s14+$0x0], $0xffff;
	v4 =	vadd.f32 v6, v4;
	v2 =	vshll.u32 v10, $0x4;
	v50 =	vor.u32 v1, v5  }
0x1bf: {  	v6 =	vld.idx.msk [tilespmem:v29+s14+$0x0], $0xffff;
	v2 =	vor.u32 v1, v2;
	v7 =	vadd.f32 v13, v7  }
0x1c0: {  	v5 =	vld.idx.msk [tilespmem:v31+s14+$0x0], $0xffff;
	v4 =	vadd.f32 v9, v4;
	v9 =	vor.u32 $0x1, v50  }
0x1c1: {  	v10 =	vld.idx.msk [tilespmem:v32+s14+$0x0], $0xffff;
	v53 =	vor.u32 $0x3, v2;
	v7 =	vadd.f32 v15, v7  }
0x1c2: {  	v11 =	vld.idx.msk [tilespmem:v33+s14+$0x0], $0xffff;
	v51 =	vor.u32 $0x1, v2;
	v4 =	vadd.f32 v12, v4  }
0x1c3: {  	v12 =	vor.u32 $0x2, v50;
	v52 =	vld.idx.msk [tilespmem:v50+s14+$0x0], $0xffff;
	v7 =	vadd.f32 v17, v7  }
0x1c4: {  	v13 =	vor.u32 $0x2, v2;
	v4 =	vadd.f32 v14, v4;
	v15 =	vld.idx.msk [tilespmem:v2+s14+$0x0], $0xffff  }
0x1c5: {  	v14 =	vor.u32 $0x3, v50;
	v9 =	vld.idx.msk [tilespmem:v9+s14+$0x0], $0xffff;
	v7 =	vadd.f32 v19, v7  }
0x1c6: {  	v54 =	vor.u32 $0x4, v2;
	v56 =	vld.idx.msk [tilespmem:v53+s14+$0x0], $0xffff;
	v4 =	vadd.f32 v16, v4  }
0x1c7: {  	v16 =	vor.u32 $0x4, v50;
	v17 =	vld.idx.msk [tilespmem:v51+s14+$0x0], $0xffff;
	v7 =	vadd.f32 v21, v7  }
0x1c8: {  	v57 =	vor.u32 $0x6, v2;
	v12 =	vld.idx.msk [tilespmem:v12+s14+$0x0], $0xffff;
	v4 =	vadd.f32 v18, v4  }
0x1c9: {  	v13 =	vld.idx.msk [tilespmem:v13+s14+$0x0], $0xffff;
	v18 =	vor.u32 $0x5, v50;
	v32 =	vadd.f32 $0.0e+00, v52;
	v7 =	vadd.f32 v23, v7  }
0x1ca: {  	v19 =	vor.u32 $0x5, v2;
	v14 =	vld.idx.msk [tilespmem:v14+s14+$0x0], $0xffff;
	v15 =	vadd.f32 $0.0e+00, v15;
	v4 =	vadd.f32 v20, v4  }
0x1cb: {  	v55 =	vor.u32 $0x6, v50;
	v59 =	vld.idx.msk [tilespmem:v54+s14+$0x0], $0xffff;
	v9 =	vadd.f32 v9, v32;
	v7 =	vadd.f32 v25, v7  }
0x1cc: {  	v58 =	vor.u32 $0x7, v50;
	v16 =	vld.idx.msk [tilespmem:v16+s14+$0x0], $0xffff;
	v15 =	vadd.f32 v17, v15;
	v4 =	vadd.f32 v22, v4  }
0x1cd: {  	v60 =	vld.idx.msk [tilespmem:v57+s14+$0x0], $0xffff;
	v17 =	vor.u32 $0x7, v2;
	v9 =	vadd.f32 v12, v9;
	v7 =	vadd.f32 v8, v7  }
0x1ce: {  	v12 =	vld.idx.msk [tilespmem:v18+s14+$0x0], $0xffff;
	v18 =	vor.u32 $0x8, v50;
	v13 =	vadd.f32 v13, v15;
	v4 =	vadd.f32 v24, v4  }
0x1cf: {  	v19 =	vld.idx.msk [tilespmem:v19+s14+$0x0], $0xffff;
	v15 =	vor.u32 $0x8, v2;
	v9 =	vadd.f32 v14, v9;
	v6 =	vadd.f32 v6, v7  }
0x1d0: {  	v14 =	vld.idx.msk [tilespmem:v55+s14+$0x0], $0xffff;
	v13 =	vadd.f32 v56, v13;
	v8 =	vor.u32 $0x9, v50;
	v4 =	vadd.f32 v26, v4  }
0x1d1: {  	v61 =	vor.u32 $0x9, v2;
	v9 =	vadd.f32 v16, v9;
	v16 =	vld.idx.msk [tilespmem:v58+s14+$0x0], $0xffff;
	v5 =	vadd.f32 v5, v6  }
0x1d2: {  	v17 =	vld.idx.msk [tilespmem:v17+s14+$0x0], $0xffff;
	v13 =	vadd.f32 v59, v13;
	v7 =	vor.u32 $0xA, v50;
	v4 =	vadd.f32 v28, v4  }
0x1d3: {  	v9 =	vadd.f32 v12, v9;
	v12 =	vld.idx.msk [tilespmem:v18+s14+$0x0], $0xffff;
	v18 =	vor.u32 $0xB, v50;
	v11 =	vadd.f32 v11, v5  }
0x1d4: {  	v62 =	vor.u32 $0xA, v2;
	v63 =	vld.idx.msk [tilespmem:v15+s14+$0x0], $0xffff;
	v4 =	vadd.f32 v49, v4;
	v6 =	vadd.f32 v19, v13  }
0x1d5: {  	v13 =	vor.u32 $0xB, v2;
	v9 =	vadd.f32 v14, v9;
	v8 =	vld.idx.msk [tilespmem:v8+s14+$0x0], $0xffff;
	v15 =	vadd.f32 v3, v11  }
0x1d6: {  	s0 =	simm.s32 $0x6710;
	v19 =	vor.u32 $0xC, v50;
	v4 =	vadd.f32 v10, v4;
	v10 =	vld.idx.msk [tilespmem:v61+s14+$0x0], $0xffff;
	v14 =	vadd.f32 v60, v6  }
0x1d7: {  	v9 =	vadd.f32 v16, v9;
	v6 =	vld.idx.msk [tilespmem:v7+s14+$0x0], $0xffff;
	[tilespmem:s0+$0xFFFFFFF0] =	vst v15;
	v15 =	vor.u32 $0xC, v2  }
0x1d8: {  	v5 =	vor.u32 $0xD, v50;
	v7 =	vld.idx.msk [tilespmem:v18+s14+$0x0], $0xffff;
	v16 =	vadd.f32 v27, v4;
	v17 =	vadd.f32 v17, v14  }
0x1d9: {  	v11 =	vld.idx.msk [tilespmem:v62+s14+$0x0], $0xffff;
	v9 =	vadd.f32 v12, v9;
	v14 =	vor.u32 $0xD, v2  }
0x1da: {  	v4 =	vor.u32 $0xE, v50;
	v12 =	vld.idx.msk [tilespmem:v13+s14+$0x0], $0xffff;
	[tilespmem:s0+$0x0] =	vst v16;
	v16 =	vadd.f32 v63, v17  }
0x1db: {  	s16 =	simm.s32 $0x50;
	s1 =	simm.s32 $0x2;
	v3 =	vor.u32 $0xF, v50;
	v13 =	vor.u32 $0xE, v2;
	v9 =	vadd.f32 v8, v9;
	v8 =	vld.idx.msk [tilespmem:v19+s14+$0x0], $0xffff  }
.LBB2_8:
0x1dc: {  	s4 =	sadd.s32 $0xFFFFFFF0, s16;
	v17 =	vmov s16;
	s1 =	sadd.s32 $0x2, s1;
	v10 =	vadd.f32 v10, v16;
	v15 =	vld.idx.msk [tilespmem:v15+s14+$0x0], $0xffff  }
0x1dd: {  	v18 =	vor.u32 $0xF, v2;
	v16 =	vmov s4;
	v17 =	vshll.u32 v17, $0x4;
	p0 =	slt.u32 s1, $0xE;
	v19 =	vld.idx.msk [tilespmem:v5+s14+$0x0], $0xffff  }
0x1de: {  	v2 =	vshll.u32 v16, $0x4;
	v16 =	vor.u32 v1, v17;
	v5 =	vadd.f32 v11, v10;
	v10 =	vld.idx.msk [tilespmem:v14+s14+$0x0], $0xffff  }
0x1df: {  	v2 =	vor.u32 v1, v2;
	v11 =	vor.u32 $0x1, v16;
	v14 =	vor.u32 $0x2, v16;
	v17 =	vld.idx.msk [tilespmem:v4+s14+$0x0], $0xffff  }
0x1e0: {  	v20 =	vor.u32 $0x3, v16;
	v21 =	vor.u32 $0x4, v16;
	v4 =	vadd.f32 v12, v5;
	v12 =	vld.idx.msk [tilespmem:v13+s14+$0x0], $0xffff  }
0x1e1: {  	v22 =	vor.u32 $0x5, v16;
	v23 =	vor.u32 $0x6, v16;
	v13 =	vor.u32 $0x1, v2;
	v24 =	vld.idx.msk [tilespmem:v3+s14+$0x0], $0xffff  }
0x1e2: {  	v25 =	vor.u32 $0x7, v16;
	v26 =	vor.u32 $0x8, v16;
	v3 =	vadd.f32 v15, v4;
	v15 =	vld.idx.msk [tilespmem:v18+s14+$0x0], $0xffff  }
0x1e3: {  	v28 =	vor.u32 $0x9, v16;
	v29 =	vor.u32 $0xA, v16;
	v18 =	vor.u32 $0x2, v2;
	v27 =	vld.idx.msk [tilespmem:v16+s14+$0x0], $0xffff  }
0x1e4: {  	v31 =	vor.u32 $0xB, v16;
	v32 =	vor.u32 $0xC, v16;
	v30 =	vld.idx.msk [tilespmem:v2+s14+$0x0], $0xffff;
	v10 =	vadd.f32 v10, v3  }
0x1e5: {  	v6 =	vadd.f32 v6, v9;
	v33 =	vor.u32 $0x3, v2;
	v5 =	vor.u32 $0xD, v16;
	v11 =	vld.idx.msk [tilespmem:v11+s14+$0x0], $0xffff  }
0x1e6: {  	v4 =	vor.u32 $0xE, v16;
	v3 =	vor.u32 $0xF, v16;
	v9 =	vld.idx.msk [tilespmem:v13+s14+$0x0], $0xffff;
	v10 =	vadd.f32 v12, v10  }
0x1e7: {  	v6 =	vadd.f32 v7, v6;
	v12 =	vor.u32 $0x4, v2;
	v13 =	vld.idx.msk [tilespmem:v14+s14+$0x0], $0xffff  }
0x1e8: {  	v7 =	vld.idx.msk [tilespmem:v18+s14+$0x0], $0xffff;
	v10 =	vadd.f32 v15, v10  }
0x1e9: {  	s0 =	sadd.s32 $0x20, s0;
	v6 =	vadd.f32 v8, v6;
	v14 =	vor.u32 $0x5, v2;
	v15 =	vadd.f32 $0.0e+00, v27;
	v16 =	vld.idx.msk [tilespmem:v20+s14+$0x0], $0xffff  }
0x1ea: {  	v8 =	vadd.f32 $0.0e+00, v30;
	v18 =	vld.idx.msk [tilespmem:v33+s14+$0x0], $0xffff;
	[tilespmem:s0+$0xFFFFFFF0] =	vst v10  }
0x1eb: {  	v6 =	vadd.f32 v19, v6;
	v10 =	vor.u32 $0x6, v2;
	v11 =	vadd.f32 v11, v15;
	v15 =	vld.idx.msk [tilespmem:v21+s14+$0x0], $0xffff  }
0x1ec: {  	v8 =	vadd.f32 v9, v8;
	v9 =	vld.idx.msk [tilespmem:v12+s14+$0x0], $0xffff  }
0x1ed: {  	v6 =	vadd.f32 v17, v6;
	v12 =	vor.u32 $0x7, v2;
	v11 =	vadd.f32 v13, v11;
	v13 =	vld.idx.msk [tilespmem:v22+s14+$0x0], $0xffff  }
0x1ee: {  	v7 =	vadd.f32 v7, v8;
	v8 =	vld.idx.msk [tilespmem:v14+s14+$0x0], $0xffff  }
0x1ef: {  	v6 =	vadd.f32 v24, v6;
	v14 =	vor.u32 $0x8, v2;
	v11 =	vadd.f32 v16, v11;
	v16 =	vld.idx.msk [tilespmem:v23+s14+$0x0], $0xffff  }
0x1f0: {  	v7 =	vadd.f32 v18, v7;
	v10 =	vld.idx.msk [tilespmem:v10+s14+$0x0], $0xffff  }
0x1f1: {  	v17 =	vor.u32 $0x9, v2;
	v11 =	vadd.f32 v15, v11;
	v18 =	vld.idx.msk [tilespmem:v25+s14+$0x0], $0xffff;
	[tilespmem:s0+$0x0] =	vst v6  }
0x1f2: {  	v6 =	vadd.f32 v9, v7;
	v7 =	vld.idx.msk [tilespmem:v12+s14+$0x0], $0xffff  }
0x1f3: {  	v9 =	vor.u32 $0xA, v2;
	v11 =	vadd.f32 v13, v11;
	v12 =	vld.idx.msk [tilespmem:v26+s14+$0x0], $0xffff  }
0x1f4: {  	v6 =	vadd.f32 v8, v6;
	v8 =	vld.idx.msk [tilespmem:v14+s14+$0x0], $0xffff  }
0x1f5: {  	v13 =	vor.u32 $0xB, v2;
	v11 =	vadd.f32 v16, v11;
	v19 =	vld.idx.msk [tilespmem:v28+s14+$0x0], $0xffff  }
0x1f6: {  	v14 =	vadd.f32 v10, v6;
	v10 =	vld.idx.msk [tilespmem:v17+s14+$0x0], $0xffff  }
.Ltmp3:
0x1f7: {  	v15 =	vor.u32 $0xC, v2;
	v16 =	vadd.f32 v18, v11;
	v6 =	vld.idx.msk [tilespmem:v29+s14+$0x0], $0xffff;
	(pc) =	sbr.rel @p0 .LBB2_8-.Ltmp3, $4  }
0x1f8: {  	v17 =	vadd.f32 v7, v14;
	v11 =	vld.idx.msk [tilespmem:v9+s14+$0x0], $0xffff  }
0x1f9: {  	v14 =	vor.u32 $0xD, v2;
	v9 =	vadd.f32 v12, v16;
	v7 =	vld.idx.msk [tilespmem:v31+s14+$0x0], $0xffff  }
0x1fa: {  	v16 =	vadd.f32 v8, v17;
	v12 =	vld.idx.msk [tilespmem:v13+s14+$0x0], $0xffff  }
0x1fb: {  	s16 =	sadd.s32 $0x20, s16;
	v13 =	vor.u32 $0xE, v2;
	v9 =	vadd.f32 v19, v9;
	v8 =	vld.idx.msk [tilespmem:v32+s14+$0x0], $0xffff  }
0x1fc: {  	_ =	sdelay $0x2  }
0x1fd: {  	v10 =	vadd.f32 v10, v16  }
0x1fe: {  	v15 =	vld.idx.msk [tilespmem:v15+s14+$0x0], $0xffff;
	v6 =	vadd.f32 v6, v9  }
0x1ff: {  	v2 =	vor.u32 $0xF, v2;
	v5 =	vld.idx.msk [tilespmem:v5+s14+$0x0], $0xffff;
	v10 =	vadd.f32 v11, v10  }
0x200: {  	v59 =	vld.idx.msk [tilespmem:v14+s14+$0x0], $0xffff;
	v6 =	vadd.f32 v7, v6  }
0x201: {  	v4 =	vld.idx.msk [tilespmem:v4+s14+$0x0], $0xffff;
	v60 =	vadd.f32 v12, v10  }
0x202: {  	v61 =	vld.idx.msk [tilespmem:v13+s14+$0x0], $0xffff;
	v6 =	vadd.f32 v8, v6  }
0x203: {  	v3 =	vld.idx.msk [tilespmem:v3+s14+$0x0], $0xffff;
	v62 =	vadd.f32 v15, v60  }
0x204: {  	v2 =	vld.idx.msk [tilespmem:v2+s14+$0x0], $0xffff;
	v5 =	vadd.f32 v5, v6  }
0x205: {  	v7 =	vadd.f32 v59, v62  }
0x206: {  	v4 =	vadd.f32 v4, v5  }
0x207: {  	v63 =	vadd.f32 v61, v7  }
0x208: {  	v3 =	vadd.f32 v3, v4  }
0x209: {  	s0 =	sadd.s32 $0x20, s0;
	s26 =	sadd.s32 $0x1, s26;
	v2 =	vadd.f32 v2, v63  }
0x20a: {  	p0 =	sne.s32 s26, s13;
	[tilespmem:s0+$0x0] =	vst v3  }
.Ltmp4:
0x20b: {  	s31 =	simm.s32 $0x6700;
	[tilespmem:s0+$0xFFFFFFF0] =	vst v2;
	(pc) =	sbr.rel @p0 .LBB2_1-.Ltmp4, $4  }
0x20c: {  	[hbm4b:s12+s17] =	stream.linear.scatter [tilespmem:s31], [sflag:$0x5], $0x100, $0x38;
	[tilespmem:$0x8800] =	vst v63  }
0x20d: {  	_ =	swait.ge [sflag:s15], $0x100  }
0x20e: {  	[sflag:s15] =	ssyncset.done $0x0  }
0x20f: {  	[sflag:s15] =	ssyncadd.s32 $0xFFFFFF00  }
0x210: {  	_ =	sfence.sel $0x180000  }
0x211: {  	[bflag:$0x0] =	sbarrier.arrive $0xFFFF  }
0x212: {  	_ =	strace $0x9000004A  }
0x213: {  	s0 =	stileid.u32;
	[bflag:$0x2] =	sbarrier.arrive $0xFFFF  }
0x214: {  	p0 =	sne.s32 s0, $0x0;
	s0 =	rddreg [dreg:$0x6]  }
0x215: {  	s0 =	sadd.s32 @!p0 $0x100000, s0  }
0x216: {  	[sflag:s0] =	ssyncadd.tile.s32 @!p0 $0x1;
	_ =	shalt  }
.Lfunc_end2:
_tile_overlayer_lowered:
.L_overlay_start_2:
0x217: {  	(tag) =	ssettag $0x2  }
0x218: {  	s0 =	rddreg [dreg:$0x0];
	s2 =	stileid.u32  }
0x219: {  	s1 =	rddreg [dreg:$0x1];
	p0 =	sne.s32 s2, $0x0  }
0x21a: {  	s3 =	rddreg [dreg:$0x2];
	[bflag:$0x3] =	sbarrier.arrive $0xFFFF;
	s2 =	simm.s32 @!p0 $0x1C05  }
0x21b: {  	[timem:s3], [sflag:s2] =	dma.local @!p0 [hbm:s0], s1  }
0x21c: {  	s0 =	simm.s32 @!p0 $0x5  }
0x21d: {  	_ =	swait.ge @!p0 [sflag:s0], s1  }
0x21e: {  	s1 =	ssub.s32 @!p0 $0x0, s1;
	[sflag:s0] =	ssyncset.done @!p0 $0x0  }
0x21f: {  	[sflag:s0] =	ssyncadd.s32 @!p0 s1  }
0x220: {  	[bflag:$0x3] =	sbarrier.arrive $0xFFFF  }
0x221: {  	_ =	shalt  }

</sc_bundles>
